<compile_context>
chip_gen: v7x
topology: tpu7x:2x2x1
jax: 0.10.2.dev20260603
libtpu: 0.0.44.dev20260713+nightly
codegen_flags: <defaults>
</compile_context>

<pallas_src>
import jax
import jax.numpy as jnp
from jax import lax
from jax.experimental import pallas as pl
from jax.experimental.pallas import tpu as pltpu
from jax.experimental.pallas import tpu_sc as plsc

N = 10000
E = 320000
D = 128
H = D // 2
G = 16

NC = 2
NS = 16
EPT = E // NS
C = 125
NCH = EPT // C
NP = 10240
RPT = NP // NS
NB = 5
L = 16
DEGW = 16

_f32 = jnp.float32



def _sc_agg_body(h_hbm, src_hbm, dst_hbm, out_hbm, *rest):
    it = iter(rest)
    srcbuf = next(it)
    dstbuf = next(it)
    rows = [next(it) for _ in range(NB)]
    zbuf = next(it)
    acc_sh = next(it)
    gs = [next(it) for _ in range(NB)]
    ts = [next(it) for _ in range(NB)]

    cid = lax.axis_index("c")
    sid = lax.axis_index("s")

    slab_s = pltpu.async_copy(src_hbm.at[sid], srcbuf, gs[0])
    slab_d = pltpu.async_copy(dst_hbm.at[sid], dstbuf, gs[1])

    def zrow(i, _):
        def zcol(j, _):
            zbuf[i, pl.ds(j * L, L)] = jnp.zeros((L,), _f32)
            return _
        return lax.fori_loop(0, H // L, zcol, _)
    lax.fori_loop(0, 128, zrow, None)
    for k in range(RPT // 128):
        pltpu.sync_copy(zbuf, acc_sh.at[pl.ds(sid * RPT + k * 128, 128)])

    slab_s.wait()
    slab_d.wait()

    plsc.subcore_barrier()

    def gather(i, rows_k, sem):
        return pltpu.async_copy(h_hbm.at[cid].at[srcbuf.at[i]], rows_k, sem)

    for k in range(NB):
        gather(k, rows[k], gs[k])

    def step(i, rows_k, gsem, tsem):
        pltpu.make_async_copy(h_hbm.at[cid].at[srcbuf.at[i]], rows_k,
                              gsem).wait()
        pltpu.async_copy(rows_k, acc_sh.at[dstbuf.at[i]], tsem, add=True)

    def retire(i, rows_k, gsem, tsem):
        pltpu.make_async_copy(rows_k, acc_sh.at[dstbuf.at[i]], tsem).wait()
        @pl.when(i + NB < NCH)
        def _():
            gather(i + NB, rows_k, gsem)

    def body(j, _):
        for k in range(NB):
            step(NB * j + k, rows[k], gs[k], ts[k])
        for k in range(NB):
            retire(NB * j + k, rows[k], gs[k], ts[k])
        return _
    lax.fori_loop(0, NCH // NB, body, None)

    plsc.subcore_barrier()

    pltpu.sync_copy(acc_sh.at[pl.ds(sid * RPT, RPT)],
                    out_hbm.at[cid, pl.ds(sid * RPT, RPT)])


def _make_sc_agg():
    scratch = [
        pltpu.VMEM((NCH, C), jnp.int32),
        pltpu.VMEM((NCH, C), jnp.int32),
    ]
    scratch.extend([pltpu.VMEM((C, H), _f32)] * NB)
    scratch.append(pltpu.VMEM((128, H), _f32))
    scratch.append(pltpu.VMEM_SHARED((NP, H), _f32))
    scratch.extend([pltpu.SemaphoreType.DMA] * (2 * NB))
    return pl.kernel(
        _sc_agg_body,
        out_type=jax.ShapeDtypeStruct((NC, NP, H), _f32),
        mesh=plsc.VectorSubcoreMesh(core_axis_name="c", subcore_axis_name="s"),
        scratch_types=scratch,
        compiler_params=pltpu.CompilerParams(use_tc_tiling_on_sc=False),
    )



def _sc_deg_body(dst_hbm, deg_hbm, dstbuf, ones, dzbuf, dacc_sh, s0, s1):
    cid = lax.axis_index("c")
    sid = lax.axis_index("s")

    slab = pltpu.async_copy(dst_hbm.at[sid], dstbuf, s0)

    def dzrow(i, _):
        dzbuf[i, :] = jnp.zeros((DEGW,), _f32)
        return _
    lax.fori_loop(0, 128, dzrow, None)
    for k in range(RPT // 128):
        pltpu.sync_copy(dzbuf, dacc_sh.at[pl.ds(sid * RPT + k * 128, 128)])
    def orow(i, _):
        ones[i, :] = jnp.ones((DEGW,), _f32)
        return _
    lax.fori_loop(0, C, orow, None)

    slab.wait()
    plsc.subcore_barrier()

    def body(j, _):
        i = 2 * j + cid
        pltpu.async_copy(ones, dacc_sh.at[dstbuf.at[i]], s1, add=True)
        pltpu.make_async_copy(ones, dacc_sh.at[dstbuf.at[i]], s1).wait()
        return _
    lax.fori_loop(0, NCH // 2, body, None)

    plsc.subcore_barrier()

    pltpu.sync_copy(dacc_sh.at[pl.ds(sid * RPT, RPT)],
                    deg_hbm.at[cid, pl.ds(sid * RPT, RPT)])


def _make_sc_deg():
    return pl.kernel(
        _sc_deg_body,
        out_type=jax.ShapeDtypeStruct((NC, NP, DEGW), _f32),
        mesh=plsc.VectorSubcoreMesh(core_axis_name="c", subcore_axis_name="s"),
        scratch_types=[
            pltpu.VMEM((NCH, C), jnp.int32),
            pltpu.VMEM((C, DEGW), _f32),
            pltpu.VMEM((128, DEGW), _f32),
            pltpu.VMEM_SHARED((NP, DEGW), _f32),
            pltpu.SemaphoreType.DMA,
            pltpu.SemaphoreType.DMA,
        ],
        compiler_params=pltpu.CompilerParams(use_tc_tiling_on_sc=False),
    )



def _split(o_ref, val):
    o_ref[0] = val[:, :H]
    o_ref[1] = val[:, H:]


def _tc_emb(x_ref, w_ref, b_ref, wr_ref, o_ref, or_ref):
    h = (jnp.dot(x_ref[...], w_ref[...], preferred_element_type=_f32)
         + b_ref[...])
    _split(o_ref, h)
    or_ref[...] = jnp.dot(h, wr_ref[...], preferred_element_type=_f32)


def _agg_mean(p_ref, d_ref):
    agg = jnp.concatenate([p_ref[0, :N], p_ref[1, :N]], axis=-1)
    deg = d_ref[0, :N, 0:1] + d_ref[1, :N, 0:1]
    return agg / jnp.maximum(deg, 1.0)


def _tc_layer(p_ref, d_ref, hr_ref, wl_ref, bl_ref, wr_ref, o_ref, or_ref):
    mean = _agg_mean(p_ref, d_ref)
    pre = (jnp.dot(mean, wl_ref[...], preferred_element_type=_f32)
           + bl_ref[...] + hr_ref[...])
    h = jnp.maximum(pre, 0.0)
    _split(o_ref, h)
    or_ref[...] = jnp.dot(h, wr_ref[...], preferred_element_type=_f32)


def _tc_final(p_ref, d_ref, hr_ref, wl_ref, bl_ref, wa_ref, ba_ref,
              wo_ref, bo_ref, batch_ref, o_ref):
    mean = _agg_mean(p_ref, d_ref)
    pre = (jnp.dot(mean, wl_ref[...], preferred_element_type=_f32)
           + bl_ref[...] + hr_ref[...])
    h2 = jnp.maximum(pre, 0.0)
    s = jnp.dot(h2, wa_ref[...], preferred_element_type=_f32) + ba_ref[...]
    m = jnp.max(s)
    w = jnp.exp(s - m)
    w = w / jnp.sum(w)
    weighted = h2 * w
    onehot = (lax.broadcasted_iota(jnp.int32, (N, G), 1)
              == batch_ref[...]).astype(_f32)
    pooled = lax.dot_general(onehot, weighted,
                             dimension_numbers=(((0,), (0,)), ((), ())),
                             preferred_element_type=_f32)
    o_ref[...] = jnp.dot(pooled, wo_ref[...],
                         preferred_element_type=_f32) + bo_ref[...]


def _tc_call(body, out_shapes, *args):
    return pl.pallas_call(
        body, out_shape=[jax.ShapeDtypeStruct(sh, _f32)
                         for sh in out_shapes])(*args)



def kernel(x, edge_index, batch, W_emb, b_emb, Wl0, bl0, Wr0, Wl1, bl1, Wr1,
           Wa, ba, W_out, b_out):
    src3 = edge_index[0].reshape(NS, NCH, C)
    dst3 = edge_index[1].reshape(NS, NCH, C)
    b_emb2 = b_emb.reshape(1, D)
    bl02 = bl0.reshape(1, D)
    bl12 = bl1.reshape(1, D)
    ba2 = ba.reshape(1, 1)
    b_out2 = b_out.reshape(1, D)
    batch2 = batch.reshape(N, 1)

    sc_agg = _make_sc_agg()

    deg = _make_sc_deg()(dst3)
    h0, h0r = _tc_call(_tc_emb, [(NC, N, H), (N, D)], x, W_emb, b_emb2, Wr0)
    part0 = sc_agg(h0, src3, dst3)
    h1, h1r = _tc_call(_tc_layer, [(NC, N, H), (N, D)],
                       part0, deg, h0r, Wl0, bl02, Wr1)
    part1 = sc_agg(h1, src3, dst3)
    out = pl.pallas_call(
        _tc_final, out_shape=jax.ShapeDtypeStruct((G, D), _f32))(
            part1, deg, h1r, Wl1, bl12, Wa, ba2, W_out, b_out2, batch2)
    return out

# --- scband reference (transcript-rebuilt; emitter-appended) ---
"""Pipeline reference for scband-wiki-graph-sage-3246995276182 (READ-ONLY COPY).

The authoritative reference and input builder live on the scoring server;
editing this copy changes nothing except your own understanding.
"""

import jax, jax.numpy as jnp
import numpy as np

N = 10000
E = 320000
D_IN = 128
D_H = 128
D_OUT = 128
G = 16


def setup_inputs(seed: int = 0) -> dict:
    key = jax.random.key(seed)
    ks = jax.random.split(key, 16)
    x = jax.random.normal(ks[0], (N, D_IN), dtype=jnp.float32)
    edge_index = jax.random.randint(ks[1], (2, E), 0, N, dtype=jnp.int32)
    batch = jnp.sort(jax.random.randint(ks[2], (N,), 0, G, dtype=jnp.int32))
    s_in = 1.0 / np.sqrt(D_IN)
    s_h = 1.0 / np.sqrt(D_H)
    W_emb = jax.random.normal(ks[3], (D_IN, D_H), dtype=jnp.float32) * s_in
    b_emb = jnp.zeros((D_H,), dtype=jnp.float32)
    Wl0 = jax.random.normal(ks[4], (D_H, D_H), dtype=jnp.float32) * s_h
    bl0 = jnp.zeros((D_H,), dtype=jnp.float32)
    Wr0 = jax.random.normal(ks[5], (D_H, D_H), dtype=jnp.float32) * s_h
    Wl1 = jax.random.normal(ks[6], (D_H, D_H), dtype=jnp.float32) * s_h
    bl1 = jnp.zeros((D_H,), dtype=jnp.float32)
    Wr1 = jax.random.normal(ks[7], (D_H, D_H), dtype=jnp.float32) * s_h
    Wa = jax.random.normal(ks[8], (D_H, 1), dtype=jnp.float32) * s_h
    ba = jnp.zeros((1,), dtype=jnp.float32)
    W_out = jax.random.normal(ks[9], (D_H, D_OUT), dtype=jnp.float32) * s_h
    b_out = jnp.zeros((D_OUT,), dtype=jnp.float32)
    return {"x": x, "edge_index": edge_index, "batch": batch,
            "W_emb": W_emb, "b_emb": b_emb,
            "Wl0": Wl0, "bl0": bl0, "Wr0": Wr0,
            "Wl1": Wl1, "bl1": bl1, "Wr1": Wr1,
            "Wa": Wa, "ba": ba, "W_out": W_out, "b_out": b_out}


def _sage_conv(h, src, dst, Wl, bl, Wr):
    # PyG SAGEConv with mean aggregation: out = lin_l(mean_agg(x_j)) + lin_r(x)
    msg = jnp.take(h, src, axis=0)
    summed = jax.ops.segment_sum(msg, dst, num_segments=N)
    deg = jax.ops.segment_sum(jnp.ones((src.shape[0],), dtype=h.dtype), dst, num_segments=N)
    mean = summed / jnp.clip(deg, 1.0)[:, None]
    return mean @ Wl + bl + h @ Wr


def reference(x, edge_index, batch, W_emb, b_emb, Wl0, bl0, Wr0, Wl1, bl1, Wr1, Wa, ba, W_out, b_out):
    src = edge_index[0]
    dst = edge_index[1]
    h = x @ W_emb + b_emb
    h = _sage_conv(h, src, dst, Wl0, bl0, Wr0)
    h = jax.nn.relu(h)
    # dropout p=0.1 is identity in eval mode
    h = _sage_conv(h, src, dst, Wl1, bl1, Wr1)
    h = jax.nn.relu(h)
    # AttentionReadout: softmax over all nodes (dim=0), weighted sum pooled per graph
    scores = h @ Wa + ba
    weights = jax.nn.softmax(scores, axis=0)
    weighted = h * weights
    pooled = jax.ops.segment_sum(weighted, batch, num_segments=G)
    out = pooled @ W_out + b_out
    return out

if __name__ == "__main__":
    import jax
    _d = setup_inputs()
    print(jax.jit(kernel)(*tuple(_d.values())))

</pallas_src>

<mosaic_0001>
#map = affine_map<(d0, d1) -> (0, 0, 0)>
module attributes {stable_mosaic.version = 14 : i64} {
  func.func @_sc_agg_body(%arg0: i32, %arg1: i32, %arg2: memref<2x10000x64xf32, #tpu.memory_space<hbm>>, %arg3: memref<16x160x125xi32, #tpu.memory_space<hbm>>, %arg4: memref<16x160x125xi32, #tpu.memory_space<hbm>>, %arg5: memref<2x10240x64xf32, #tpu.memory_space<hbm>>, %arg6: memref<160x125xi32, #tpu.memory_space<vmem>>, %arg7: memref<160x125xi32, #tpu.memory_space<vmem>>, %arg8: memref<125x64xf32, #tpu.memory_space<vmem>>, %arg9: memref<125x64xf32, #tpu.memory_space<vmem>>, %arg10: memref<125x64xf32, #tpu.memory_space<vmem>>, %arg11: memref<125x64xf32, #tpu.memory_space<vmem>>, %arg12: memref<125x64xf32, #tpu.memory_space<vmem>>, %arg13: memref<128x64xf32, #tpu.memory_space<vmem>>, %arg14: memref<10240x64xf32, #tpu.memory_space<vmem_shared>>, %arg15: memref<!tpu.dma_semaphore, #tpu.memory_space<semaphore_mem>>, %arg16: memref<!tpu.dma_semaphore, #tpu.memory_space<semaphore_mem>>, %arg17: memref<!tpu.dma_semaphore, #tpu.memory_space<semaphore_mem>>, %arg18: memref<!tpu.dma_semaphore, #tpu.memory_space<semaphore_mem>>, %arg19: memref<!tpu.dma_semaphore, #tpu.memory_space<semaphore_mem>>, %arg20: memref<!tpu.dma_semaphore, #tpu.memory_space<semaphore_mem>>, %arg21: memref<!tpu.dma_semaphore, #tpu.memory_space<semaphore_mem>>, %arg22: memref<!tpu.dma_semaphore, #tpu.memory_space<semaphore_mem>>, %arg23: memref<!tpu.dma_semaphore, #tpu.memory_space<semaphore_mem>>, %arg24: memref<!tpu.dma_semaphore, #tpu.memory_space<semaphore_mem>>) attributes {dimension_semantics = [#tpu.dimension_semantics<core_parallel>, #tpu.dimension_semantics<subcore_parallel>], iteration_bounds = array<i64: 2, 16>, scalar_prefetch = 0 : i64, scratch_operands = 19 : i64, tpu.core_type = #tpu.core_type<sc_vector_subcore>, window_params = [{transform_indices = #map}, {transform_indices = #map}, {transform_indices = #map}, {transform_indices = #map}]} {
    %dma_start3A = arith.constant 0 : i32
    %dma_start3A_0 = arith.constant 0 : i32
    %dma_start3A_1 = tpu.memref_slice %arg3[%arg1, %dma_start3A, %dma_start3A_0] : memref<16x160x125xi32, #tpu.memory_space<hbm>> -> memref<1x160x125xi32, #tpu.memory_space<hbm>>
    %dma_start3A_2 = tpu.memref_squeeze %dma_start3A_1 : memref<1x160x125xi32, #tpu.memory_space<hbm>> -> memref<160x125xi32, #tpu.memory_space<hbm>>
    %dma_start3A_3 = arith.constant 0 : i32
    %dma_start3A_4 = arith.constant 0 : i32
    %dma_start3A_5 = tpu.memref_slice %arg3[%arg1, %dma_start3A_3, %dma_start3A_4] : memref<16x160x125xi32, #tpu.memory_space<hbm>> -> memref<1x160x125xi32, #tpu.memory_space<hbm>>
    %dma_start3A_6 = tpu.memref_squeeze %dma_start3A_5 : memref<1x160x125xi32, #tpu.memory_space<hbm>> -> memref<160x125xi32, #tpu.memory_space<hbm>>
    tpu.enqueue_dma source(%dma_start3A_6 : memref<160x125xi32, #tpu.memory_space<hbm>>) target(%arg6 : memref<160x125xi32, #tpu.memory_space<vmem>>) target_semaphore(%arg15 : memref<!tpu.dma_semaphore, #tpu.memory_space<semaphore_mem>>)
    %dma_start3A_7 = arith.constant 0 : i32
    %dma_start3A_8 = arith.constant 0 : i32
    %dma_start3A_9 = tpu.memref_slice %arg4[%arg1, %dma_start3A_7, %dma_start3A_8] : memref<16x160x125xi32, #tpu.memory_space<hbm>> -> memref<1x160x125xi32, #tpu.memory_space<hbm>>
    %dma_start3A_10 = tpu.memref_squeeze %dma_start3A_9 : memref<1x160x125xi32, #tpu.memory_space<hbm>> -> memref<160x125xi32, #tpu.memory_space<hbm>>
    %dma_start3A_11 = arith.constant 0 : i32
    %dma_start3A_12 = arith.constant 0 : i32
    %dma_start3A_13 = tpu.memref_slice %arg4[%arg1, %dma_start3A_11, %dma_start3A_12] : memref<16x160x125xi32, #tpu.memory_space<hbm>> -> memref<1x160x125xi32, #tpu.memory_space<hbm>>
    %dma_start3A_14 = tpu.memref_squeeze %dma_start3A_13 : memref<1x160x125xi32, #tpu.memory_space<hbm>> -> memref<160x125xi32, #tpu.memory_space<hbm>>
    tpu.enqueue_dma source(%dma_start3A_14 : memref<160x125xi32, #tpu.memory_space<hbm>>) target(%arg7 : memref<160x125xi32, #tpu.memory_space<vmem>>) target_semaphore(%arg16 : memref<!tpu.dma_semaphore, #tpu.memory_space<semaphore_mem>>)
    %scan3A = arith.constant 0 : i32
    %scan3A_15 = arith.constant 128 : i32
    %scan3A_16 = arith.addi %scan3A, %scan3A_15 : i32
    %scan3A_17 = arith.constant 1 : i32
    scf.for %scan3A_117 = %scan3A to %scan3A_16 step %scan3A_17  : i32 {
      %scan3A_118 = arith.constant 0 : i32
      %scan3A_119 = arith.constant 4 : i32
      %scan3A_120 = arith.addi %scan3A_118, %scan3A_119 : i32
      %scan3A_121 = arith.constant 1 : i32
      scf.for %scan3A_123 = %scan3A_118 to %scan3A_120 step %scan3A_121  : i32 {
        %broadcast_in_dim3A = arith.constant 0.000000e+00 : f32
        %broadcast_in_dim3A_124 = vector.broadcast %broadcast_in_dim3A : f32 to vector<16xf32>
        %mul3A_125 = arith.constant 16 : i32
        %mul3A_126 = arith.muli %scan3A_123, %mul3A_125 : i32
        %swap3A = arith.index_cast %scan3A_117 : i32 to index
        %swap3A_127 = arith.index_cast %mul3A_126 : i32 to index
        %swap3A_128 = tpu.vector_load %arg13[%swap3A, %swap3A_127] {strides = array<i32>} : memref<128x64xf32, #tpu.memory_space<vmem>>, vector<1x16xf32>,
        %swap3A_129 = vector.shape_cast %swap3A_128 : vector<1x16xf32> to vector<16xf32>
        %swap3A_130 = vector.shape_cast %broadcast_in_dim3A_124 : vector<16xf32> to vector<1x16xf32>
        tpu.vector_store %arg13[%swap3A, %swap3A_127], %swap3A_130 {strides = array<i32>} : memref<128x64xf32, #tpu.memory_space<vmem>>, vector<1x16xf32>,
      }
      %scan3A_122 = arith.constant 4 : i32
    }
    %scan3A_18 = arith.constant 128 : i32
    %mul3A = arith.constant 640 : i32
    %mul3A_19 = arith.muli %arg1, %mul3A : i32
    %add3A = arith.constant 0 : i32
    %add3A_20 = arith.addi %mul3A_19, %add3A : i32
    "tpu.region"() ({
      %run_scoped3A = tpu.sem_alloc : memref<!tpu.dma_semaphore, #tpu.memory_space<semaphore_mem>>
      %dma_start3A_117 = arith.constant 0 : i32
      %dma_start3A_118 = tpu.memref_slice %arg14[%add3A_20, %dma_start3A_117] : memref<10240x64xf32, #tpu.memory_space<vmem_shared>> -> memref<128x64xf32, #tpu.memory_space<vmem_shared>>
      %dma_start3A_119 = arith.constant 0 : i32
      %dma_start3A_120 = tpu.memref_slice %arg14[%add3A_20, %dma_start3A_119] : memref<10240x64xf32, #tpu.memory_space<vmem_shared>> -> memref<128x64xf32, #tpu.memory_space<vmem_shared>>
      tpu.enqueue_dma source(%arg13 : memref<128x64xf32, #tpu.memory_space<vmem>>) target(%dma_start3A_120 : memref<128x64xf32, #tpu.memory_space<vmem_shared>>) target_semaphore(%run_scoped3A : memref<!tpu.dma_semaphore, #tpu.memory_space<semaphore_mem>>)
      %dma_wait3A_121 = arith.constant 0 : i32
      %dma_wait3A_122 = tpu.memref_slice %arg14[%add3A_20, %dma_wait3A_121] : memref<10240x64xf32, #tpu.memory_space<vmem_shared>> -> memref<128x64xf32, #tpu.memory_space<vmem_shared>>
      %dma_wait3A_123 = arith.constant 0 : i32
      %dma_wait3A_124 = tpu.memref_slice %arg14[%add3A_20, %dma_wait3A_123] : memref<10240x64xf32, #tpu.memory_space<vmem_shared>> -> memref<128x64xf32, #tpu.memory_space<vmem_shared>>
      tpu.wait_dma2 semaphore(%run_scoped3A : memref<!tpu.dma_semaphore, #tpu.memory_space<semaphore_mem>>) src(%arg13 : memref<128x64xf32, #tpu.memory_space<vmem>>) dst(%dma_wait3A_124 : memref<128x64xf32, #tpu.memory_space<vmem_shared>>)
      tpu.yield
    }) : () -> ()
    %mul3A_21 = arith.constant 640 : i32
    %mul3A_22 = arith.muli %arg1, %mul3A_21 : i32
    %add3A_23 = arith.constant 128 : i32
    %add3A_24 = arith.addi %mul3A_22, %add3A_23 : i32
    "tpu.region"() ({
      %run_scoped3A = tpu.sem_alloc : memref<!tpu.dma_semaphore, #tpu.memory_space<semaphore_mem>>
      %dma_start3A_117 = arith.constant 0 : i32
      %dma_start3A_118 = tpu.memref_slice %arg14[%add3A_24, %dma_start3A_117] : memref<10240x64xf32, #tpu.memory_space<vmem_shared>> -> memref<128x64xf32, #tpu.memory_space<vmem_shared>>
      %dma_start3A_119 = arith.constant 0 : i32
      %dma_start3A_120 = tpu.memref_slice %arg14[%add3A_24, %dma_start3A_119] : memref<10240x64xf32, #tpu.memory_space<vmem_shared>> -> memref<128x64xf32, #tpu.memory_space<vmem_shared>>
      tpu.enqueue_dma source(%arg13 : memref<128x64xf32, #tpu.memory_space<vmem>>) target(%dma_start3A_120 : memref<128x64xf32, #tpu.memory_space<vmem_shared>>) target_semaphore(%run_scoped3A : memref<!tpu.dma_semaphore, #tpu.memory_space<semaphore_mem>>)
      %dma_wait3A_121 = arith.constant 0 : i32
      %dma_wait3A_122 = tpu.memref_slice %arg14[%add3A_24, %dma_wait3A_121] : memref<10240x64xf32, #tpu.memory_space<vmem_shared>> -> memref<128x64xf32, #tpu.memory_space<vmem_shared>>
      %dma_wait3A_123 = arith.constant 0 : i32
      %dma_wait3A_124 = tpu.memref_slice %arg14[%add3A_24, %dma_wait3A_123] : memref<10240x64xf32, #tpu.memory_space<vmem_shared>> -> memref<128x64xf32, #tpu.memory_space<vmem_shared>>
      tpu.wait_dma2 semaphore(%run_scoped3A : memref<!tpu.dma_semaphore, #tpu.memory_space<semaphore_mem>>) src(%arg13 : memref<128x64xf32, #tpu.memory_space<vmem>>) dst(%dma_wait3A_124 : memref<128x64xf32, #tpu.memory_space<vmem_shared>>)
      tpu.yield
    }) : () -> ()
    %mul3A_25 = arith.constant 640 : i32
    %mul3A_26 = arith.muli %arg1, %mul3A_25 : i32
    %add3A_27 = arith.constant 256 : i32
    %add3A_28 = arith.addi %mul3A_26, %add3A_27 : i32
    "tpu.region"() ({
      %run_scoped3A = tpu.sem_alloc : memref<!tpu.dma_semaphore, #tpu.memory_space<semaphore_mem>>
      %dma_start3A_117 = arith.constant 0 : i32
      %dma_start3A_118 = tpu.memref_slice %arg14[%add3A_28, %dma_start3A_117] : memref<10240x64xf32, #tpu.memory_space<vmem_shared>> -> memref<128x64xf32, #tpu.memory_space<vmem_shared>>
      %dma_start3A_119 = arith.constant 0 : i32
      %dma_start3A_120 = tpu.memref_slice %arg14[%add3A_28, %dma_start3A_119] : memref<10240x64xf32, #tpu.memory_space<vmem_shared>> -> memref<128x64xf32, #tpu.memory_space<vmem_shared>>
      tpu.enqueue_dma source(%arg13 : memref<128x64xf32, #tpu.memory_space<vmem>>) target(%dma_start3A_120 : memref<128x64xf32, #tpu.memory_space<vmem_shared>>) target_semaphore(%run_scoped3A : memref<!tpu.dma_semaphore, #tpu.memory_space<semaphore_mem>>)
      %dma_wait3A_121 = arith.constant 0 : i32
      %dma_wait3A_122 = tpu.memref_slice %arg14[%add3A_28, %dma_wait3A_121] : memref<10240x64xf32, #tpu.memory_space<vmem_shared>> -> memref<128x64xf32, #tpu.memory_space<vmem_shared>>
      %dma_wait3A_123 = arith.constant 0 : i32
      %dma_wait3A_124 = tpu.memref_slice %arg14[%add3A_28, %dma_wait3A_123] : memref<10240x64xf32, #tpu.memory_space<vmem_shared>> -> memref<128x64xf32, #tpu.memory_space<vmem_shared>>
      tpu.wait_dma2 semaphore(%run_scoped3A : memref<!tpu.dma_semaphore, #tpu.memory_space<semaphore_mem>>) src(%arg13 : memref<128x64xf32, #tpu.memory_space<vmem>>) dst(%dma_wait3A_124 : memref<128x64xf32, #tpu.memory_space<vmem_shared>>)
      tpu.yield
    }) : () -> ()
    %mul3A_29 = arith.constant 640 : i32
    %mul3A_30 = arith.muli %arg1, %mul3A_29 : i32
    %add3A_31 = arith.constant 384 : i32
    %add3A_32 = arith.addi %mul3A_30, %add3A_31 : i32
    "tpu.region"() ({
      %run_scoped3A = tpu.sem_alloc : memref<!tpu.dma_semaphore, #tpu.memory_space<semaphore_mem>>
      %dma_start3A_117 = arith.constant 0 : i32
      %dma_start3A_118 = tpu.memref_slice %arg14[%add3A_32, %dma_start3A_117] : memref<10240x64xf32, #tpu.memory_space<vmem_shared>> -> memref<128x64xf32, #tpu.memory_space<vmem_shared>>
      %dma_start3A_119 = arith.constant 0 : i32
      %dma_start3A_120 = tpu.memref_slice %arg14[%add3A_32, %dma_start3A_119] : memref<10240x64xf32, #tpu.memory_space<vmem_shared>> -> memref<128x64xf32, #tpu.memory_space<vmem_shared>>
      tpu.enqueue_dma source(%arg13 : memref<128x64xf32, #tpu.memory_space<vmem>>) target(%dma_start3A_120 : memref<128x64xf32, #tpu.memory_space<vmem_shared>>) target_semaphore(%run_scoped3A : memref<!tpu.dma_semaphore, #tpu.memory_space<semaphore_mem>>)
      %dma_wait3A_121 = arith.constant 0 : i32
      %dma_wait3A_122 = tpu.memref_slice %arg14[%add3A_32, %dma_wait3A_121] : memref<10240x64xf32, #tpu.memory_space<vmem_shared>> -> memref<128x64xf32, #tpu.memory_space<vmem_shared>>
      %dma_wait3A_123 = arith.constant 0 : i32
      %dma_wait3A_124 = tpu.memref_slice %arg14[%add3A_32, %dma_wait3A_123] : memref<10240x64xf32, #tpu.memory_space<vmem_shared>> -> memref<128x64xf32, #tpu.memory_space<vmem_shared>>
      tpu.wait_dma2 semaphore(%run_scoped3A : memref<!tpu.dma_semaphore, #tpu.memory_space<semaphore_mem>>) src(%arg13 : memref<128x64xf32, #tpu.memory_space<vmem>>) dst(%dma_wait3A_124 : memref<128x64xf32, #tpu.memory_space<vmem_shared>>)
      tpu.yield
    }) : () -> ()
    %mul3A_33 = arith.constant 640 : i32
    %mul3A_34 = arith.muli %arg1, %mul3A_33 : i32
    %add3A_35 = arith.constant 512 : i32
    %add3A_36 = arith.addi %mul3A_34, %add3A_35 : i32
    "tpu.region"() ({
      %run_scoped3A = tpu.sem_alloc : memref<!tpu.dma_semaphore, #tpu.memory_space<semaphore_mem>>
      %dma_start3A_117 = arith.constant 0 : i32
      %dma_start3A_118 = tpu.memref_slice %arg14[%add3A_36, %dma_start3A_117] : memref<10240x64xf32, #tpu.memory_space<vmem_shared>> -> memref<128x64xf32, #tpu.memory_space<vmem_shared>>
      %dma_start3A_119 = arith.constant 0 : i32
      %dma_start3A_120 = tpu.memref_slice %arg14[%add3A_36, %dma_start3A_119] : memref<10240x64xf32, #tpu.memory_space<vmem_shared>> -> memref<128x64xf32, #tpu.memory_space<vmem_shared>>
      tpu.enqueue_dma source(%arg13 : memref<128x64xf32, #tpu.memory_space<vmem>>) target(%dma_start3A_120 : memref<128x64xf32, #tpu.memory_space<vmem_shared>>) target_semaphore(%run_scoped3A : memref<!tpu.dma_semaphore, #tpu.memory_space<semaphore_mem>>)
      %dma_wait3A_121 = arith.constant 0 : i32
      %dma_wait3A_122 = tpu.memref_slice %arg14[%add3A_36, %dma_wait3A_121] : memref<10240x64xf32, #tpu.memory_space<vmem_shared>> -> memref<128x64xf32, #tpu.memory_space<vmem_shared>>
      %dma_wait3A_123 = arith.constant 0 : i32
      %dma_wait3A_124 = tpu.memref_slice %arg14[%add3A_36, %dma_wait3A_123] : memref<10240x64xf32, #tpu.memory_space<vmem_shared>> -> memref<128x64xf32, #tpu.memory_space<vmem_shared>>
      tpu.wait_dma2 semaphore(%run_scoped3A : memref<!tpu.dma_semaphore, #tpu.memory_space<semaphore_mem>>) src(%arg13 : memref<128x64xf32, #tpu.memory_space<vmem>>) dst(%dma_wait3A_124 : memref<128x64xf32, #tpu.memory_space<vmem_shared>>)
      tpu.yield
    }) : () -> ()
    %dma_wait3A = arith.constant 0 : i32
    %dma_wait3A_37 = arith.constant 0 : i32
    %dma_wait3A_38 = tpu.memref_slice %arg3[%arg1, %dma_wait3A, %dma_wait3A_37] : memref<16x160x125xi32, #tpu.memory_space<hbm>> -> memref<1x160x125xi32, #tpu.memory_space<hbm>>
    %dma_wait3A_39 = tpu.memref_squeeze %dma_wait3A_38 : memref<1x160x125xi32, #tpu.memory_space<hbm>> -> memref<160x125xi32, #tpu.memory_space<hbm>>
    %dma_wait3A_40 = arith.constant 0 : i32
    %dma_wait3A_41 = arith.constant 0 : i32
    %dma_wait3A_42 = tpu.memref_slice %arg3[%arg1, %dma_wait3A_40, %dma_wait3A_41] : memref<16x160x125xi32, #tpu.memory_space<hbm>> -> memref<1x160x125xi32, #tpu.memory_space<hbm>>
    %dma_wait3A_43 = tpu.memref_squeeze %dma_wait3A_42 : memref<1x160x125xi32, #tpu.memory_space<hbm>> -> memref<160x125xi32, #tpu.memory_space<hbm>>
    tpu.wait_dma2 semaphore(%arg15 : memref<!tpu.dma_semaphore, #tpu.memory_space<semaphore_mem>>) src(%dma_wait3A_43 : memref<160x125xi32, #tpu.memory_space<hbm>>) dst(%arg6 : memref<160x125xi32, #tpu.memory_space<vmem>>)
    %dma_wait3A_44 = arith.constant 0 : i32
    %dma_wait3A_45 = arith.constant 0 : i32
    %dma_wait3A_46 = tpu.memref_slice %arg4[%arg1, %dma_wait3A_44, %dma_wait3A_45] : memref<16x160x125xi32, #tpu.memory_space<hbm>> -> memref<1x160x125xi32, #tpu.memory_space<hbm>>
    %dma_wait3A_47 = tpu.memref_squeeze %dma_wait3A_46 : memref<1x160x125xi32, #tpu.memory_space<hbm>> -> memref<160x125xi32, #tpu.memory_space<hbm>>
    %dma_wait3A_48 = arith.constant 0 : i32
    %dma_wait3A_49 = arith.constant 0 : i32
    %dma_wait3A_50 = tpu.memref_slice %arg4[%arg1, %dma_wait3A_48, %dma_wait3A_49] : memref<16x160x125xi32, #tpu.memory_space<hbm>> -> memref<1x160x125xi32, #tpu.memory_space<hbm>>
    %dma_wait3A_51 = tpu.memref_squeeze %dma_wait3A_50 : memref<1x160x125xi32, #tpu.memory_space<hbm>> -> memref<160x125xi32, #tpu.memory_space<hbm>>
    tpu.wait_dma2 semaphore(%arg16 : memref<!tpu.dma_semaphore, #tpu.memory_space<semaphore_mem>>) src(%dma_wait3A_51 : memref<160x125xi32, #tpu.memory_space<hbm>>) dst(%arg7 : memref<160x125xi32, #tpu.memory_space<vmem>>)
    %barrier3A = arith.constant 0 : index
    tpu.barrier barrier_id(%barrier3A)
    %dma_start3A_52 = arith.constant 0 : i32
    %dma_start3A_53 = arith.constant 0 : i32
    %dma_start3A_54 = tpu.memref_slice %arg6[%dma_start3A_52, %dma_start3A_53] : memref<160x125xi32, #tpu.memory_space<vmem>> -> memref<1x125xi32, #tpu.memory_space<vmem>>
    %dma_start3A_55 = tpu.memref_squeeze %dma_start3A_54 : memref<1x125xi32, #tpu.memory_space<vmem>> -> memref<125xi32, #tpu.memory_space<vmem>>
    %dma_start3A_56 = arith.constant 0 : i32
    %dma_start3A_57 = arith.constant 0 : i32
    %dma_start3A_58 = tpu.memref_slice %arg2[%arg0, %dma_start3A_56, %dma_start3A_57] : memref<2x10000x64xf32, #tpu.memory_space<hbm>> -> memref<1x10000x64xf32, #tpu.memory_space<hbm>>
    %dma_start3A_59 = tpu.memref_squeeze %dma_start3A_58 : memref<1x10000x64xf32, #tpu.memory_space<hbm>> -> memref<10000x64xf32, #tpu.memory_space<hbm>>
    %dma_start3A_60 = arith.constant 0 : i32
    %dma_start3A_61 = arith.constant 0 : i32
    %dma_start3A_62 = tpu.memref_slice %dma_start3A_59[%dma_start3A_60, %dma_start3A_61] : memref<10000x64xf32, #tpu.memory_space<hbm>> -> memref<10000x64xf32, #tpu.memory_space<hbm>>
    tpu.enqueue_indirect_dma source(%dma_start3A_62 : memref<10000x64xf32, #tpu.memory_space<hbm>>) target(%arg8 : memref<125x64xf32, #tpu.memory_space<vmem>>) offsets(%dma_start3A_55 : memref<125xi32, #tpu.memory_space<vmem>>) semaphore(%arg15 : memref<!tpu.dma_semaphore, #tpu.memory_space<semaphore_mem>>)
    %dma_start3A_63 = arith.constant 1 : i32
    %dma_start3A_64 = arith.constant 0 : i32
    %dma_start3A_65 = tpu.memref_slice %arg6[%dma_start3A_63, %dma_start3A_64] : memref<160x125xi32, #tpu.memory_space<vmem>> -> memref<1x125xi32, #tpu.memory_space<vmem>>
    %dma_start3A_66 = tpu.memref_squeeze %dma_start3A_65 : memref<1x125xi32, #tpu.memory_space<vmem>> -> memref<125xi32, #tpu.memory_space<vmem>>
    %dma_start3A_67 = arith.constant 0 : i32
    %dma_start3A_68 = arith.constant 0 : i32
    %dma_start3A_69 = tpu.memref_slice %arg2[%arg0, %dma_start3A_67, %dma_start3A_68] : memref<2x10000x64xf32, #tpu.memory_space<hbm>> -> memref<1x10000x64xf32, #tpu.memory_space<hbm>>
    %dma_start3A_70 = tpu.memref_squeeze %dma_start3A_69 : memref<1x10000x64xf32, #tpu.memory_space<hbm>> -> memref<10000x64xf32, #tpu.memory_space<hbm>>
    %dma_start3A_71 = arith.constant 0 : i32
    %dma_start3A_72 = arith.constant 0 : i32
    %dma_start3A_73 = tpu.memref_slice %dma_start3A_70[%dma_start3A_71, %dma_start3A_72] : memref<10000x64xf32, #tpu.memory_space<hbm>> -> memref<10000x64xf32, #tpu.memory_space<hbm>>
    tpu.enqueue_indirect_dma source(%dma_start3A_73 : memref<10000x64xf32, #tpu.memory_space<hbm>>) target(%arg9 : memref<125x64xf32, #tpu.memory_space<vmem>>) offsets(%dma_start3A_66 : memref<125xi32, #tpu.memory_space<vmem>>) semaphore(%arg16 : memref<!tpu.dma_semaphore, #tpu.memory_space<semaphore_mem>>)
    %dma_start3A_74 = arith.constant 2 : i32
    %dma_start3A_75 = arith.constant 0 : i32
    %dma_start3A_76 = tpu.memref_slice %arg6[%dma_start3A_74, %dma_start3A_75] : memref<160x125xi32, #tpu.memory_space<vmem>> -> memref<1x125xi32, #tpu.memory_space<vmem>>
    %dma_start3A_77 = tpu.memref_squeeze %dma_start3A_76 : memref<1x125xi32, #tpu.memory_space<vmem>> -> memref<125xi32, #tpu.memory_space<vmem>>
    %dma_start3A_78 = arith.constant 0 : i32
    %dma_start3A_79 = arith.constant 0 : i32
    %dma_start3A_80 = tpu.memref_slice %arg2[%arg0, %dma_start3A_78, %dma_start3A_79] : memref<2x10000x64xf32, #tpu.memory_space<hbm>> -> memref<1x10000x64xf32, #tpu.memory_space<hbm>>
    %dma_start3A_81 = tpu.memref_squeeze %dma_start3A_80 : memref<1x10000x64xf32, #tpu.memory_space<hbm>> -> memref<10000x64xf32, #tpu.memory_space<hbm>>
    %dma_start3A_82 = arith.constant 0 : i32
    %dma_start3A_83 = arith.constant 0 : i32
    %dma_start3A_84 = tpu.memref_slice %dma_start3A_81[%dma_start3A_82, %dma_start3A_83] : memref<10000x64xf32, #tpu.memory_space<hbm>> -> memref<10000x64xf32, #tpu.memory_space<hbm>>
    tpu.enqueue_indirect_dma source(%dma_start3A_84 : memref<10000x64xf32, #tpu.memory_space<hbm>>) target(%arg10 : memref<125x64xf32, #tpu.memory_space<vmem>>) offsets(%dma_start3A_77 : memref<125xi32, #tpu.memory_space<vmem>>) semaphore(%arg17 : memref<!tpu.dma_semaphore, #tpu.memory_space<semaphore_mem>>)
    %dma_start3A_85 = arith.constant 3 : i32
    %dma_start3A_86 = arith.constant 0 : i32
    %dma_start3A_87 = tpu.memref_slice %arg6[%dma_start3A_85, %dma_start3A_86] : memref<160x125xi32, #tpu.memory_space<vmem>> -> memref<1x125xi32, #tpu.memory_space<vmem>>
    %dma_start3A_88 = tpu.memref_squeeze %dma_start3A_87 : memref<1x125xi32, #tpu.memory_space<vmem>> -> memref<125xi32, #tpu.memory_space<vmem>>
    %dma_start3A_89 = arith.constant 0 : i32
    %dma_start3A_90 = arith.constant 0 : i32
    %dma_start3A_91 = tpu.memref_slice %arg2[%arg0, %dma_start3A_89, %dma_start3A_90] : memref<2x10000x64xf32, #tpu.memory_space<hbm>> -> memref<1x10000x64xf32, #tpu.memory_space<hbm>>
    %dma_start3A_92 = tpu.memref_squeeze %dma_start3A_91 : memref<1x10000x64xf32, #tpu.memory_space<hbm>> -> memref<10000x64xf32, #tpu.memory_space<hbm>>
    %dma_start3A_93 = arith.constant 0 : i32
    %dma_start3A_94 = arith.constant 0 : i32
    %dma_start3A_95 = tpu.memref_slice %dma_start3A_92[%dma_start3A_93, %dma_start3A_94] : memref<10000x64xf32, #tpu.memory_space<hbm>> -> memref<10000x64xf32, #tpu.memory_space<hbm>>
    tpu.enqueue_indirect_dma source(%dma_start3A_95 : memref<10000x64xf32, #tpu.memory_space<hbm>>) target(%arg11 : memref<125x64xf32, #tpu.memory_space<vmem>>) offsets(%dma_start3A_88 : memref<125xi32, #tpu.memory_space<vmem>>) semaphore(%arg18 : memref<!tpu.dma_semaphore, #tpu.memory_space<semaphore_mem>>)
    %dma_start3A_96 = arith.constant 4 : i32
    %dma_start3A_97 = arith.constant 0 : i32
    %dma_start3A_98 = tpu.memref_slice %arg6[%dma_start3A_96, %dma_start3A_97] : memref<160x125xi32, #tpu.memory_space<vmem>> -> memref<1x125xi32, #tpu.memory_space<vmem>>
    %dma_start3A_99 = tpu.memref_squeeze %dma_start3A_98 : memref<1x125xi32, #tpu.memory_space<vmem>> -> memref<125xi32, #tpu.memory_space<vmem>>
    %dma_start3A_100 = arith.constant 0 : i32
    %dma_start3A_101 = arith.constant 0 : i32
    %dma_start3A_102 = tpu.memref_slice %arg2[%arg0, %dma_start3A_100, %dma_start3A_101] : memref<2x10000x64xf32, #tpu.memory_space<hbm>> -> memref<1x10000x64xf32, #tpu.memory_space<hbm>>
    %dma_start3A_103 = tpu.memref_squeeze %dma_start3A_102 : memref<1x10000x64xf32, #tpu.memory_space<hbm>> -> memref<10000x64xf32, #tpu.memory_space<hbm>>
    %dma_start3A_104 = arith.constant 0 : i32
    %dma_start3A_105 = arith.constant 0 : i32
    %dma_start3A_106 = tpu.memref_slice %dma_start3A_103[%dma_start3A_104, %dma_start3A_105] : memref<10000x64xf32, #tpu.memory_space<hbm>> -> memref<10000x64xf32, #tpu.memory_space<hbm>>
    tpu.enqueue_indirect_dma source(%dma_start3A_106 : memref<10000x64xf32, #tpu.memory_space<hbm>>) target(%arg12 : memref<125x64xf32, #tpu.memory_space<vmem>>) offsets(%dma_start3A_99 : memref<125xi32, #tpu.memory_space<vmem>>) semaphore(%arg19 : memref<!tpu.dma_semaphore, #tpu.memory_space<semaphore_mem>>)
    %scan3A_107 = arith.constant 0 : i32
    %scan3A_108 = arith.constant 32 : i32
    %scan3A_109 = arith.addi %scan3A_107, %scan3A_108 : i32
    %scan3A_110 = arith.constant 1 : i32
    scf.for %scan3A_117 = %scan3A_107 to %scan3A_109 step %scan3A_110  : i32 {
      %mul3A_118 = arith.constant 5 : i32
      %mul3A_119 = arith.muli %mul3A_118, %scan3A_117 : i32
      %add3A_120 = arith.constant 0 : i32
      %add3A_121 = arith.addi %mul3A_119, %add3A_120 : i32
      %dma_wait3A_122 = arith.constant 0 : i32
      %dma_wait3A_123 = tpu.memref_slice %arg6[%add3A_121, %dma_wait3A_122] : memref<160x125xi32, #tpu.memory_space<vmem>> -> memref<1x125xi32, #tpu.memory_space<vmem>>
      %dma_wait3A_124 = tpu.memref_squeeze %dma_wait3A_123 : memref<1x125xi32, #tpu.memory_space<vmem>> -> memref<125xi32, #tpu.memory_space<vmem>>
      %dma_wait3A_125 = arith.constant 0 : i32
      %dma_wait3A_126 = arith.constant 0 : i32
      %dma_wait3A_127 = tpu.memref_slice %arg2[%arg0, %dma_wait3A_125, %dma_wait3A_126] : memref<2x10000x64xf32, #tpu.memory_space<hbm>> -> memref<1x10000x64xf32, #tpu.memory_space<hbm>>
      %dma_wait3A_128 = tpu.memref_squeeze %dma_wait3A_127 : memref<1x10000x64xf32, #tpu.memory_space<hbm>> -> memref<10000x64xf32, #tpu.memory_space<hbm>>
      %dma_wait3A_129 = arith.constant 0 : i32
      %dma_wait3A_130 = arith.constant 0 : i32
      %dma_wait3A_131 = tpu.memref_slice %dma_wait3A_128[%dma_wait3A_129, %dma_wait3A_130] : memref<10000x64xf32, #tpu.memory_space<hbm>> -> memref<10000x64xf32, #tpu.memory_space<hbm>>
      tpu.wait_indirect_dma semaphore(%arg15 : memref<!tpu.dma_semaphore, #tpu.memory_space<semaphore_mem>>) src(%dma_wait3A_131 : memref<10000x64xf32, #tpu.memory_space<hbm>>) dst(%arg8 : memref<125x64xf32, #tpu.memory_space<vmem>>)
      %dma_start3A_132 = arith.constant 0 : i32
      %dma_start3A_133 = tpu.memref_slice %arg7[%add3A_121, %dma_start3A_132] : memref<160x125xi32, #tpu.memory_space<vmem>> -> memref<1x125xi32, #tpu.memory_space<vmem>>
      %dma_start3A_134 = tpu.memref_squeeze %dma_start3A_133 : memref<1x125xi32, #tpu.memory_space<vmem>> -> memref<125xi32, #tpu.memory_space<vmem>>
      %dma_start3A_135 = arith.constant 0 : i32
      %dma_start3A_136 = arith.constant 0 : i32
      %dma_start3A_137 = tpu.memref_slice %arg14[%dma_start3A_135, %dma_start3A_136] : memref<10240x64xf32, #tpu.memory_space<vmem_shared>> -> memref<10240x64xf32, #tpu.memory_space<vmem_shared>>
      tpu.enqueue_indirect_dma source(%arg8 : memref<125x64xf32, #tpu.memory_space<vmem>>) target(%dma_start3A_137 : memref<10240x64xf32, #tpu.memory_space<vmem_shared>>) offsets(%dma_start3A_134 : memref<125xi32, #tpu.memory_space<vmem>>) semaphore(%arg20 : memref<!tpu.dma_semaphore, #tpu.memory_space<semaphore_mem>>) {add = true}
      %mul3A_138 = arith.constant 5 : i32
      %mul3A_139 = arith.muli %mul3A_138, %scan3A_117 : i32
      %add3A_140 = arith.constant 1 : i32
      %add3A_141 = arith.addi %mul3A_139, %add3A_140 : i32
      %dma_wait3A_142 = arith.constant 0 : i32
      %dma_wait3A_143 = tpu.memref_slice %arg6[%add3A_141, %dma_wait3A_142] : memref<160x125xi32, #tpu.memory_space<vmem>> -> memref<1x125xi32, #tpu.memory_space<vmem>>
      %dma_wait3A_144 = tpu.memref_squeeze %dma_wait3A_143 : memref<1x125xi32, #tpu.memory_space<vmem>> -> memref<125xi32, #tpu.memory_space<vmem>>
      %dma_wait3A_145 = arith.constant 0 : i32
      %dma_wait3A_146 = arith.constant 0 : i32
      %dma_wait3A_147 = tpu.memref_slice %arg2[%arg0, %dma_wait3A_145, %dma_wait3A_146] : memref<2x10000x64xf32, #tpu.memory_space<hbm>> -> memref<1x10000x64xf32, #tpu.memory_space<hbm>>
      %dma_wait3A_148 = tpu.memref_squeeze %dma_wait3A_147 : memref<1x10000x64xf32, #tpu.memory_space<hbm>> -> memref<10000x64xf32, #tpu.memory_space<hbm>>
      %dma_wait3A_149 = arith.constant 0 : i32
      %dma_wait3A_150 = arith.constant 0 : i32
      %dma_wait3A_151 = tpu.memref_slice %dma_wait3A_148[%dma_wait3A_149, %dma_wait3A_150] : memref<10000x64xf32, #tpu.memory_space<hbm>> -> memref<10000x64xf32, #tpu.memory_space<hbm>>
      tpu.wait_indirect_dma semaphore(%arg16 : memref<!tpu.dma_semaphore, #tpu.memory_space<semaphore_mem>>) src(%dma_wait3A_151 : memref<10000x64xf32, #tpu.memory_space<hbm>>) dst(%arg9 : memref<125x64xf32, #tpu.memory_space<vmem>>)
      %dma_start3A_152 = arith.constant 0 : i32
      %dma_start3A_153 = tpu.memref_slice %arg7[%add3A_141, %dma_start3A_152] : memref<160x125xi32, #tpu.memory_space<vmem>> -> memref<1x125xi32, #tpu.memory_space<vmem>>
      %dma_start3A_154 = tpu.memref_squeeze %dma_start3A_153 : memref<1x125xi32, #tpu.memory_space<vmem>> -> memref<125xi32, #tpu.memory_space<vmem>>
      %dma_start3A_155 = arith.constant 0 : i32
      %dma_start3A_156 = arith.constant 0 : i32
      %dma_start3A_157 = tpu.memref_slice %arg14[%dma_start3A_155, %dma_start3A_156] : memref<10240x64xf32, #tpu.memory_space<vmem_shared>> -> memref<10240x64xf32, #tpu.memory_space<vmem_shared>>
      tpu.enqueue_indirect_dma source(%arg9 : memref<125x64xf32, #tpu.memory_space<vmem>>) target(%dma_start3A_157 : memref<10240x64xf32, #tpu.memory_space<vmem_shared>>) offsets(%dma_start3A_154 : memref<125xi32, #tpu.memory_space<vmem>>) semaphore(%arg21 : memref<!tpu.dma_semaphore, #tpu.memory_space<semaphore_mem>>) {add = true}
      %mul3A_158 = arith.constant 5 : i32
      %mul3A_159 = arith.muli %mul3A_158, %scan3A_117 : i32
      %add3A_160 = arith.constant 2 : i32
      %add3A_161 = arith.addi %mul3A_159, %add3A_160 : i32
      %dma_wait3A_162 = arith.constant 0 : i32
      %dma_wait3A_163 = tpu.memref_slice %arg6[%add3A_161, %dma_wait3A_162] : memref<160x125xi32, #tpu.memory_space<vmem>> -> memref<1x125xi32, #tpu.memory_space<vmem>>
      %dma_wait3A_164 = tpu.memref_squeeze %dma_wait3A_163 : memref<1x125xi32, #tpu.memory_space<vmem>> -> memref<125xi32, #tpu.memory_space<vmem>>
      %dma_wait3A_165 = arith.constant 0 : i32
      %dma_wait3A_166 = arith.constant 0 : i32
      %dma_wait3A_167 = tpu.memref_slice %arg2[%arg0, %dma_wait3A_165, %dma_wait3A_166] : memref<2x10000x64xf32, #tpu.memory_space<hbm>> -> memref<1x10000x64xf32, #tpu.memory_space<hbm>>
      %dma_wait3A_168 = tpu.memref_squeeze %dma_wait3A_167 : memref<1x10000x64xf32, #tpu.memory_space<hbm>> -> memref<10000x64xf32, #tpu.memory_space<hbm>>
      %dma_wait3A_169 = arith.constant 0 : i32
      %dma_wait3A_170 = arith.constant 0 : i32
      %dma_wait3A_171 = tpu.memref_slice %dma_wait3A_168[%dma_wait3A_169, %dma_wait3A_170] : memref<10000x64xf32, #tpu.memory_space<hbm>> -> memref<10000x64xf32, #tpu.memory_space<hbm>>
      tpu.wait_indirect_dma semaphore(%arg17 : memref<!tpu.dma_semaphore, #tpu.memory_space<semaphore_mem>>) src(%dma_wait3A_171 : memref<10000x64xf32, #tpu.memory_space<hbm>>) dst(%arg10 : memref<125x64xf32, #tpu.memory_space<vmem>>)
      %dma_start3A_172 = arith.constant 0 : i32
      %dma_start3A_173 = tpu.memref_slice %arg7[%add3A_161, %dma_start3A_172] : memref<160x125xi32, #tpu.memory_space<vmem>> -> memref<1x125xi32, #tpu.memory_space<vmem>>
      %dma_start3A_174 = tpu.memref_squeeze %dma_start3A_173 : memref<1x125xi32, #tpu.memory_space<vmem>> -> memref<125xi32, #tpu.memory_space<vmem>>
      %dma_start3A_175 = arith.constant 0 : i32
      %dma_start3A_176 = arith.constant 0 : i32
      %dma_start3A_177 = tpu.memref_slice %arg14[%dma_start3A_175, %dma_start3A_176] : memref<10240x64xf32, #tpu.memory_space<vmem_shared>> -> memref<10240x64xf32, #tpu.memory_space<vmem_shared>>
      tpu.enqueue_indirect_dma source(%arg10 : memref<125x64xf32, #tpu.memory_space<vmem>>) target(%dma_start3A_177 : memref<10240x64xf32, #tpu.memory_space<vmem_shared>>) offsets(%dma_start3A_174 : memref<125xi32, #tpu.memory_space<vmem>>) semaphore(%arg22 : memref<!tpu.dma_semaphore, #tpu.memory_space<semaphore_mem>>) {add = true}
      %mul3A_178 = arith.constant 5 : i32
      %mul3A_179 = arith.muli %mul3A_178, %scan3A_117 : i32
      %add3A_180 = arith.constant 3 : i32
      %add3A_181 = arith.addi %mul3A_179, %add3A_180 : i32
      %dma_wait3A_182 = arith.constant 0 : i32
      %dma_wait3A_183 = tpu.memref_slice %arg6[%add3A_181, %dma_wait3A_182] : memref<160x125xi32, #tpu.memory_space<vmem>> -> memref<1x125xi32, #tpu.memory_space<vmem>>
      %dma_wait3A_184 = tpu.memref_squeeze %dma_wait3A_183 : memref<1x125xi32, #tpu.memory_space<vmem>> -> memref<125xi32, #tpu.memory_space<vmem>>
      %dma_wait3A_185 = arith.constant 0 : i32
      %dma_wait3A_186 = arith.constant 0 : i32
      %dma_wait3A_187 = tpu.memref_slice %arg2[%arg0, %dma_wait3A_185, %dma_wait3A_186] : memref<2x10000x64xf32, #tpu.memory_space<hbm>> -> memref<1x10000x64xf32, #tpu.memory_space<hbm>>
      %dma_wait3A_188 = tpu.memref_squeeze %dma_wait3A_187 : memref<1x10000x64xf32, #tpu.memory_space<hbm>> -> memref<10000x64xf32, #tpu.memory_space<hbm>>
      %dma_wait3A_189 = arith.constant 0 : i32
      %dma_wait3A_190 = arith.constant 0 : i32
      %dma_wait3A_191 = tpu.memref_slice %dma_wait3A_188[%dma_wait3A_189, %dma_wait3A_190] : memref<10000x64xf32, #tpu.memory_space<hbm>> -> memref<10000x64xf32, #tpu.memory_space<hbm>>
      tpu.wait_indirect_dma semaphore(%arg18 : memref<!tpu.dma_semaphore, #tpu.memory_space<semaphore_mem>>) src(%dma_wait3A_191 : memref<10000x64xf32, #tpu.memory_space<hbm>>) dst(%arg11 : memref<125x64xf32, #tpu.memory_space<vmem>>)
      %dma_start3A_192 = arith.constant 0 : i32
      %dma_start3A_193 = tpu.memref_slice %arg7[%add3A_181, %dma_start3A_192] : memref<160x125xi32, #tpu.memory_space<vmem>> -> memref<1x125xi32, #tpu.memory_space<vmem>>
      %dma_start3A_194 = tpu.memref_squeeze %dma_start3A_193 : memref<1x125xi32, #tpu.memory_space<vmem>> -> memref<125xi32, #tpu.memory_space<vmem>>
      %dma_start3A_195 = arith.constant 0 : i32
      %dma_start3A_196 = arith.constant 0 : i32
      %dma_start3A_197 = tpu.memref_slice %arg14[%dma_start3A_195, %dma_start3A_196] : memref<10240x64xf32, #tpu.memory_space<vmem_shared>> -> memref<10240x64xf32, #tpu.memory_space<vmem_shared>>
      tpu.enqueue_indirect_dma source(%arg11 : memref<125x64xf32, #tpu.memory_space<vmem>>) target(%dma_start3A_197 : memref<10240x64xf32, #tpu.memory_space<vmem_shared>>) offsets(%dma_start3A_194 : memref<125xi32, #tpu.memory_space<vmem>>) semaphore(%arg23 : memref<!tpu.dma_semaphore, #tpu.memory_space<semaphore_mem>>) {add = true}
      %mul3A_198 = arith.constant 5 : i32
      %mul3A_199 = arith.muli %mul3A_198, %scan3A_117 : i32
      %add3A_200 = arith.constant 4 : i32
      %add3A_201 = arith.addi %mul3A_199, %add3A_200 : i32
      %dma_wait3A_202 = arith.constant 0 : i32
      %dma_wait3A_203 = tpu.memref_slice %arg6[%add3A_201, %dma_wait3A_202] : memref<160x125xi32, #tpu.memory_space<vmem>> -> memref<1x125xi32, #tpu.memory_space<vmem>>
      %dma_wait3A_204 = tpu.memref_squeeze %dma_wait3A_203 : memref<1x125xi32, #tpu.memory_space<vmem>> -> memref<125xi32, #tpu.memory_space<vmem>>
      %dma_wait3A_205 = arith.constant 0 : i32
      %dma_wait3A_206 = arith.constant 0 : i32
      %dma_wait3A_207 = tpu.memref_slice %arg2[%arg0, %dma_wait3A_205, %dma_wait3A_206] : memref<2x10000x64xf32, #tpu.memory_space<hbm>> -> memref<1x10000x64xf32, #tpu.memory_space<hbm>>
      %dma_wait3A_208 = tpu.memref_squeeze %dma_wait3A_207 : memref<1x10000x64xf32, #tpu.memory_space<hbm>> -> memref<10000x64xf32, #tpu.memory_space<hbm>>
      %dma_wait3A_209 = arith.constant 0 : i32
      %dma_wait3A_210 = arith.constant 0 : i32
      %dma_wait3A_211 = tpu.memref_slice %dma_wait3A_208[%dma_wait3A_209, %dma_wait3A_210] : memref<10000x64xf32, #tpu.memory_space<hbm>> -> memref<10000x64xf32, #tpu.memory_space<hbm>>
      tpu.wait_indirect_dma semaphore(%arg19 : memref<!tpu.dma_semaphore, #tpu.memory_space<semaphore_mem>>) src(%dma_wait3A_211 : memref<10000x64xf32, #tpu.memory_space<hbm>>) dst(%arg12 : memref<125x64xf32, #tpu.memory_space<vmem>>)
      %dma_start3A_212 = arith.constant 0 : i32
      %dma_start3A_213 = tpu.memref_slice %arg7[%add3A_201, %dma_start3A_212] : memref<160x125xi32, #tpu.memory_space<vmem>> -> memref<1x125xi32, #tpu.memory_space<vmem>>
      %dma_start3A_214 = tpu.memref_squeeze %dma_start3A_213 : memref<1x125xi32, #tpu.memory_space<vmem>> -> memref<125xi32, #tpu.memory_space<vmem>>
      %dma_start3A_215 = arith.constant 0 : i32
      %dma_start3A_216 = arith.constant 0 : i32
      %dma_start3A_217 = tpu.memref_slice %arg14[%dma_start3A_215, %dma_start3A_216] : memref<10240x64xf32, #tpu.memory_space<vmem_shared>> -> memref<10240x64xf32, #tpu.memory_space<vmem_shared>>
      tpu.enqueue_indirect_dma source(%arg12 : memref<125x64xf32, #tpu.memory_space<vmem>>) target(%dma_start3A_217 : memref<10240x64xf32, #tpu.memory_space<vmem_shared>>) offsets(%dma_start3A_214 : memref<125xi32, #tpu.memory_space<vmem>>) semaphore(%arg24 : memref<!tpu.dma_semaphore, #tpu.memory_space<semaphore_mem>>) {add = true}
      %mul3A_218 = arith.constant 5 : i32
      %mul3A_219 = arith.muli %mul3A_218, %scan3A_117 : i32
      %add3A_220 = arith.constant 0 : i32
      %add3A_221 = arith.addi %mul3A_219, %add3A_220 : i32
      %dma_wait3A_222 = arith.constant 0 : i32
      %dma_wait3A_223 = tpu.memref_slice %arg7[%add3A_221, %dma_wait3A_222] : memref<160x125xi32, #tpu.memory_space<vmem>> -> memref<1x125xi32, #tpu.memory_space<vmem>>
      %dma_wait3A_224 = tpu.memref_squeeze %dma_wait3A_223 : memref<1x125xi32, #tpu.memory_space<vmem>> -> memref<125xi32, #tpu.memory_space<vmem>>
      %dma_wait3A_225 = arith.constant 0 : i32
      %dma_wait3A_226 = arith.constant 0 : i32
      %dma_wait3A_227 = tpu.memref_slice %arg14[%dma_wait3A_225, %dma_wait3A_226] : memref<10240x64xf32, #tpu.memory_space<vmem_shared>> -> memref<10240x64xf32, #tpu.memory_space<vmem_shared>>
      tpu.wait_indirect_dma semaphore(%arg20 : memref<!tpu.dma_semaphore, #tpu.memory_space<semaphore_mem>>) src(%arg8 : memref<125x64xf32, #tpu.memory_space<vmem>>) dst(%dma_wait3A_227 : memref<10240x64xf32, #tpu.memory_space<vmem_shared>>)
      %add3A_228 = arith.constant 5 : i32
      %add3A_229 = arith.addi %add3A_221, %add3A_228 : i32
      %lt3A = arith.constant 160 : i32
      %lt3A_230 = arith.cmpi slt, %add3A_229, %lt3A : i32
      %convert_element_type3A = arith.extui %lt3A_230 : i1 to i32
      %cond3A = arith.constant 0 : i32
      %cond3A_231 = arith.cmpi ne, %convert_element_type3A, %cond3A : i32
      scf.if %cond3A_231 {
        %add3A_300 = arith.constant 5 : i32
        %add3A_301 = arith.addi %add3A_221, %add3A_300 : i32
        %dma_start3A_302 = arith.constant 0 : i32
        %dma_start3A_303 = tpu.memref_slice %arg6[%add3A_301, %dma_start3A_302] : memref<160x125xi32, #tpu.memory_space<vmem>> -> memref<1x125xi32, #tpu.memory_space<vmem>>
        %dma_start3A_304 = tpu.memref_squeeze %dma_start3A_303 : memref<1x125xi32, #tpu.memory_space<vmem>> -> memref<125xi32, #tpu.memory_space<vmem>>
        %dma_start3A_305 = arith.constant 0 : i32
        %dma_start3A_306 = arith.constant 0 : i32
        %dma_start3A_307 = tpu.memref_slice %arg2[%arg0, %dma_start3A_305, %dma_start3A_306] : memref<2x10000x64xf32, #tpu.memory_space<hbm>> -> memref<1x10000x64xf32, #tpu.memory_space<hbm>>
        %dma_start3A_308 = tpu.memref_squeeze %dma_start3A_307 : memref<1x10000x64xf32, #tpu.memory_space<hbm>> -> memref<10000x64xf32, #tpu.memory_space<hbm>>
        %dma_start3A_309 = arith.constant 0 : i32
        %dma_start3A_310 = arith.constant 0 : i32
        %dma_start3A_311 = tpu.memref_slice %dma_start3A_308[%dma_start3A_309, %dma_start3A_310] : memref<10000x64xf32, #tpu.memory_space<hbm>> -> memref<10000x64xf32, #tpu.memory_space<hbm>>
        tpu.enqueue_indirect_dma source(%dma_start3A_311 : memref<10000x64xf32, #tpu.memory_space<hbm>>) target(%arg8 : memref<125x64xf32, #tpu.memory_space<vmem>>) offsets(%dma_start3A_304 : memref<125xi32, #tpu.memory_space<vmem>>) semaphore(%arg15 : memref<!tpu.dma_semaphore, #tpu.memory_space<semaphore_mem>>)
      } else {
      }
      %mul3A_232 = arith.constant 5 : i32
      %mul3A_233 = arith.muli %mul3A_232, %scan3A_117 : i32
      %add3A_234 = arith.constant 1 : i32
      %add3A_235 = arith.addi %mul3A_233, %add3A_234 : i32
      %dma_wait3A_236 = arith.constant 0 : i32
      %dma_wait3A_237 = tpu.memref_slice %arg7[%add3A_235, %dma_wait3A_236] : memref<160x125xi32, #tpu.memory_space<vmem>> -> memref<1x125xi32, #tpu.memory_space<vmem>>
      %dma_wait3A_238 = tpu.memref_squeeze %dma_wait3A_237 : memref<1x125xi32, #tpu.memory_space<vmem>> -> memref<125xi32, #tpu.memory_space<vmem>>
      %dma_wait3A_239 = arith.constant 0 : i32
      %dma_wait3A_240 = arith.constant 0 : i32
      %dma_wait3A_241 = tpu.memref_slice %arg14[%dma_wait3A_239, %dma_wait3A_240] : memref<10240x64xf32, #tpu.memory_space<vmem_shared>> -> memref<10240x64xf32, #tpu.memory_space<vmem_shared>>
      tpu.wait_indirect_dma semaphore(%arg21 : memref<!tpu.dma_semaphore, #tpu.memory_space<semaphore_mem>>) src(%arg9 : memref<125x64xf32, #tpu.memory_space<vmem>>) dst(%dma_wait3A_241 : memref<10240x64xf32, #tpu.memory_space<vmem_shared>>)
      %add3A_242 = arith.constant 5 : i32
      %add3A_243 = arith.addi %add3A_235, %add3A_242 : i32
      %lt3A_244 = arith.constant 160 : i32
      %lt3A_245 = arith.cmpi slt, %add3A_243, %lt3A_244 : i32
      %convert_element_type3A_246 = arith.extui %lt3A_245 : i1 to i32
      %cond3A_247 = arith.constant 0 : i32
      %cond3A_248 = arith.cmpi ne, %convert_element_type3A_246, %cond3A_247 : i32
      scf.if %cond3A_248 {
        %add3A_300 = arith.constant 5 : i32
        %add3A_301 = arith.addi %add3A_235, %add3A_300 : i32
        %dma_start3A_302 = arith.constant 0 : i32
        %dma_start3A_303 = tpu.memref_slice %arg6[%add3A_301, %dma_start3A_302] : memref<160x125xi32, #tpu.memory_space<vmem>> -> memref<1x125xi32, #tpu.memory_space<vmem>>
        %dma_start3A_304 = tpu.memref_squeeze %dma_start3A_303 : memref<1x125xi32, #tpu.memory_space<vmem>> -> memref<125xi32, #tpu.memory_space<vmem>>
        %dma_start3A_305 = arith.constant 0 : i32
        %dma_start3A_306 = arith.constant 0 : i32
        %dma_start3A_307 = tpu.memref_slice %arg2[%arg0, %dma_start3A_305, %dma_start3A_306] : memref<2x10000x64xf32, #tpu.memory_space<hbm>> -> memref<1x10000x64xf32, #tpu.memory_space<hbm>>
        %dma_start3A_308 = tpu.memref_squeeze %dma_start3A_307 : memref<1x10000x64xf32, #tpu.memory_space<hbm>> -> memref<10000x64xf32, #tpu.memory_space<hbm>>
        %dma_start3A_309 = arith.constant 0 : i32
        %dma_start3A_310 = arith.constant 0 : i32
        %dma_start3A_311 = tpu.memref_slice %dma_start3A_308[%dma_start3A_309, %dma_start3A_310] : memref<10000x64xf32, #tpu.memory_space<hbm>> -> memref<10000x64xf32, #tpu.memory_space<hbm>>
        tpu.enqueue_indirect_dma source(%dma_start3A_311 : memref<10000x64xf32, #tpu.memory_space<hbm>>) target(%arg9 : memref<125x64xf32, #tpu.memory_space<vmem>>) offsets(%dma_start3A_304 : memref<125xi32, #tpu.memory_space<vmem>>) semaphore(%arg16 : memref<!tpu.dma_semaphore, #tpu.memory_space<semaphore_mem>>)
      } else {
      }
      %mul3A_249 = arith.constant 5 : i32
      %mul3A_250 = arith.muli %mul3A_249, %scan3A_117 : i32
      %add3A_251 = arith.constant 2 : i32
      %add3A_252 = arith.addi %mul3A_250, %add3A_251 : i32
      %dma_wait3A_253 = arith.constant 0 : i32
      %dma_wait3A_254 = tpu.memref_slice %arg7[%add3A_252, %dma_wait3A_253] : memref<160x125xi32, #tpu.memory_space<vmem>> -> memref<1x125xi32, #tpu.memory_space<vmem>>
      %dma_wait3A_255 = tpu.memref_squeeze %dma_wait3A_254 : memref<1x125xi32, #tpu.memory_space<vmem>> -> memref<125xi32, #tpu.memory_space<vmem>>
      %dma_wait3A_256 = arith.constant 0 : i32
      %dma_wait3A_257 = arith.constant 0 : i32
      %dma_wait3A_258 = tpu.memref_slice %arg14[%dma_wait3A_256, %dma_wait3A_257] : memref<10240x64xf32, #tpu.memory_space<vmem_shared>> -> memref<10240x64xf32, #tpu.memory_space<vmem_shared>>
      tpu.wait_indirect_dma semaphore(%arg22 : memref<!tpu.dma_semaphore, #tpu.memory_space<semaphore_mem>>) src(%arg10 : memref<125x64xf32, #tpu.memory_space<vmem>>) dst(%dma_wait3A_258 : memref<10240x64xf32, #tpu.memory_space<vmem_shared>>)
      %add3A_259 = arith.constant 5 : i32
      %add3A_260 = arith.addi %add3A_252, %add3A_259 : i32
      %lt3A_261 = arith.constant 160 : i32
      %lt3A_262 = arith.cmpi slt, %add3A_260, %lt3A_261 : i32
      %convert_element_type3A_263 = arith.extui %lt3A_262 : i1 to i32
      %cond3A_264 = arith.constant 0 : i32
      %cond3A_265 = arith.cmpi ne, %convert_element_type3A_263, %cond3A_264 : i32
      scf.if %cond3A_265 {
        %add3A_300 = arith.constant 5 : i32
        %add3A_301 = arith.addi %add3A_252, %add3A_300 : i32
        %dma_start3A_302 = arith.constant 0 : i32
        %dma_start3A_303 = tpu.memref_slice %arg6[%add3A_301, %dma_start3A_302] : memref<160x125xi32, #tpu.memory_space<vmem>> -> memref<1x125xi32, #tpu.memory_space<vmem>>
        %dma_start3A_304 = tpu.memref_squeeze %dma_start3A_303 : memref<1x125xi32, #tpu.memory_space<vmem>> -> memref<125xi32, #tpu.memory_space<vmem>>
        %dma_start3A_305 = arith.constant 0 : i32
        %dma_start3A_306 = arith.constant 0 : i32
        %dma_start3A_307 = tpu.memref_slice %arg2[%arg0, %dma_start3A_305, %dma_start3A_306] : memref<2x10000x64xf32, #tpu.memory_space<hbm>> -> memref<1x10000x64xf32, #tpu.memory_space<hbm>>
        %dma_start3A_308 = tpu.memref_squeeze %dma_start3A_307 : memref<1x10000x64xf32, #tpu.memory_space<hbm>> -> memref<10000x64xf32, #tpu.memory_space<hbm>>
        %dma_start3A_309 = arith.constant 0 : i32
        %dma_start3A_310 = arith.constant 0 : i32
        %dma_start3A_311 = tpu.memref_slice %dma_start3A_308[%dma_start3A_309, %dma_start3A_310] : memref<10000x64xf32, #tpu.memory_space<hbm>> -> memref<10000x64xf32, #tpu.memory_space<hbm>>
        tpu.enqueue_indirect_dma source(%dma_start3A_311 : memref<10000x64xf32, #tpu.memory_space<hbm>>) target(%arg10 : memref<125x64xf32, #tpu.memory_space<vmem>>) offsets(%dma_start3A_304 : memref<125xi32, #tpu.memory_space<vmem>>) semaphore(%arg17 : memref<!tpu.dma_semaphore, #tpu.memory_space<semaphore_mem>>)
      } else {
      }
      %mul3A_266 = arith.constant 5 : i32
      %mul3A_267 = arith.muli %mul3A_266, %scan3A_117 : i32
      %add3A_268 = arith.constant 3 : i32
      %add3A_269 = arith.addi %mul3A_267, %add3A_268 : i32
      %dma_wait3A_270 = arith.constant 0 : i32
      %dma_wait3A_271 = tpu.memref_slice %arg7[%add3A_269, %dma_wait3A_270] : memref<160x125xi32, #tpu.memory_space<vmem>> -> memref<1x125xi32, #tpu.memory_space<vmem>>
      %dma_wait3A_272 = tpu.memref_squeeze %dma_wait3A_271 : memref<1x125xi32, #tpu.memory_space<vmem>> -> memref<125xi32, #tpu.memory_space<vmem>>
      %dma_wait3A_273 = arith.constant 0 : i32
      %dma_wait3A_274 = arith.constant 0 : i32
      %dma_wait3A_275 = tpu.memref_slice %arg14[%dma_wait3A_273, %dma_wait3A_274] : memref<10240x64xf32, #tpu.memory_space<vmem_shared>> -> memref<10240x64xf32, #tpu.memory_space<vmem_shared>>
      tpu.wait_indirect_dma semaphore(%arg23 : memref<!tpu.dma_semaphore, #tpu.memory_space<semaphore_mem>>) src(%arg11 : memref<125x64xf32, #tpu.memory_space<vmem>>) dst(%dma_wait3A_275 : memref<10240x64xf32, #tpu.memory_space<vmem_shared>>)
      %add3A_276 = arith.constant 5 : i32
      %add3A_277 = arith.addi %add3A_269, %add3A_276 : i32
      %lt3A_278 = arith.constant 160 : i32
      %lt3A_279 = arith.cmpi slt, %add3A_277, %lt3A_278 : i32
      %convert_element_type3A_280 = arith.extui %lt3A_279 : i1 to i32
      %cond3A_281 = arith.constant 0 : i32
      %cond3A_282 = arith.cmpi ne, %convert_element_type3A_280, %cond3A_281 : i32
      scf.if %cond3A_282 {
        %add3A_300 = arith.constant 5 : i32
        %add3A_301 = arith.addi %add3A_269, %add3A_300 : i32
        %dma_start3A_302 = arith.constant 0 : i32
        %dma_start3A_303 = tpu.memref_slice %arg6[%add3A_301, %dma_start3A_302] : memref<160x125xi32, #tpu.memory_space<vmem>> -> memref<1x125xi32, #tpu.memory_space<vmem>>
        %dma_start3A_304 = tpu.memref_squeeze %dma_start3A_303 : memref<1x125xi32, #tpu.memory_space<vmem>> -> memref<125xi32, #tpu.memory_space<vmem>>
        %dma_start3A_305 = arith.constant 0 : i32
        %dma_start3A_306 = arith.constant 0 : i32
        %dma_start3A_307 = tpu.memref_slice %arg2[%arg0, %dma_start3A_305, %dma_start3A_306] : memref<2x10000x64xf32, #tpu.memory_space<hbm>> -> memref<1x10000x64xf32, #tpu.memory_space<hbm>>
        %dma_start3A_308 = tpu.memref_squeeze %dma_start3A_307 : memref<1x10000x64xf32, #tpu.memory_space<hbm>> -> memref<10000x64xf32, #tpu.memory_space<hbm>>
        %dma_start3A_309 = arith.constant 0 : i32
        %dma_start3A_310 = arith.constant 0 : i32
        %dma_start3A_311 = tpu.memref_slice %dma_start3A_308[%dma_start3A_309, %dma_start3A_310] : memref<10000x64xf32, #tpu.memory_space<hbm>> -> memref<10000x64xf32, #tpu.memory_space<hbm>>
        tpu.enqueue_indirect_dma source(%dma_start3A_311 : memref<10000x64xf32, #tpu.memory_space<hbm>>) target(%arg11 : memref<125x64xf32, #tpu.memory_space<vmem>>) offsets(%dma_start3A_304 : memref<125xi32, #tpu.memory_space<vmem>>) semaphore(%arg18 : memref<!tpu.dma_semaphore, #tpu.memory_space<semaphore_mem>>)
      } else {
      }
      %mul3A_283 = arith.constant 5 : i32
      %mul3A_284 = arith.muli %mul3A_283, %scan3A_117 : i32
      %add3A_285 = arith.constant 4 : i32
      %add3A_286 = arith.addi %mul3A_284, %add3A_285 : i32
      %dma_wait3A_287 = arith.constant 0 : i32
      %dma_wait3A_288 = tpu.memref_slice %arg7[%add3A_286, %dma_wait3A_287] : memref<160x125xi32, #tpu.memory_space<vmem>> -> memref<1x125xi32, #tpu.memory_space<vmem>>
      %dma_wait3A_289 = tpu.memref_squeeze %dma_wait3A_288 : memref<1x125xi32, #tpu.memory_space<vmem>> -> memref<125xi32, #tpu.memory_space<vmem>>
      %dma_wait3A_290 = arith.constant 0 : i32
      %dma_wait3A_291 = arith.constant 0 : i32
      %dma_wait3A_292 = tpu.memref_slice %arg14[%dma_wait3A_290, %dma_wait3A_291] : memref<10240x64xf32, #tpu.memory_space<vmem_shared>> -> memref<10240x64xf32, #tpu.memory_space<vmem_shared>>
      tpu.wait_indirect_dma semaphore(%arg24 : memref<!tpu.dma_semaphore, #tpu.memory_space<semaphore_mem>>) src(%arg12 : memref<125x64xf32, #tpu.memory_space<vmem>>) dst(%dma_wait3A_292 : memref<10240x64xf32, #tpu.memory_space<vmem_shared>>)
      %add3A_293 = arith.constant 5 : i32
      %add3A_294 = arith.addi %add3A_286, %add3A_293 : i32
      %lt3A_295 = arith.constant 160 : i32
      %lt3A_296 = arith.cmpi slt, %add3A_294, %lt3A_295 : i32
      %convert_element_type3A_297 = arith.extui %lt3A_296 : i1 to i32
      %cond3A_298 = arith.constant 0 : i32
      %cond3A_299 = arith.cmpi ne, %convert_element_type3A_297, %cond3A_298 : i32
      scf.if %cond3A_299 {
        %add3A_300 = arith.constant 5 : i32
        %add3A_301 = arith.addi %add3A_286, %add3A_300 : i32
        %dma_start3A_302 = arith.constant 0 : i32
        %dma_start3A_303 = tpu.memref_slice %arg6[%add3A_301, %dma_start3A_302] : memref<160x125xi32, #tpu.memory_space<vmem>> -> memref<1x125xi32, #tpu.memory_space<vmem>>
        %dma_start3A_304 = tpu.memref_squeeze %dma_start3A_303 : memref<1x125xi32, #tpu.memory_space<vmem>> -> memref<125xi32, #tpu.memory_space<vmem>>
        %dma_start3A_305 = arith.constant 0 : i32
        %dma_start3A_306 = arith.constant 0 : i32
        %dma_start3A_307 = tpu.memref_slice %arg2[%arg0, %dma_start3A_305, %dma_start3A_306] : memref<2x10000x64xf32, #tpu.memory_space<hbm>> -> memref<1x10000x64xf32, #tpu.memory_space<hbm>>
        %dma_start3A_308 = tpu.memref_squeeze %dma_start3A_307 : memref<1x10000x64xf32, #tpu.memory_space<hbm>> -> memref<10000x64xf32, #tpu.memory_space<hbm>>
        %dma_start3A_309 = arith.constant 0 : i32
        %dma_start3A_310 = arith.constant 0 : i32
        %dma_start3A_311 = tpu.memref_slice %dma_start3A_308[%dma_start3A_309, %dma_start3A_310] : memref<10000x64xf32, #tpu.memory_space<hbm>> -> memref<10000x64xf32, #tpu.memory_space<hbm>>
        tpu.enqueue_indirect_dma source(%dma_start3A_311 : memref<10000x64xf32, #tpu.memory_space<hbm>>) target(%arg12 : memref<125x64xf32, #tpu.memory_space<vmem>>) offsets(%dma_start3A_304 : memref<125xi32, #tpu.memory_space<vmem>>) semaphore(%arg19 : memref<!tpu.dma_semaphore, #tpu.memory_space<semaphore_mem>>)
      } else {
      }
    }
    %scan3A_111 = arith.constant 32 : i32
    %barrier3A_112 = arith.constant 0 : index
    tpu.barrier barrier_id(%barrier3A_112)
    %mul3A_113 = arith.constant 640 : i32
    %mul3A_114 = arith.muli %arg1, %mul3A_113 : i32
    %mul3A_115 = arith.constant 640 : i32
    %mul3A_116 = arith.muli %arg1, %mul3A_115 : i32
    "tpu.region"() ({
      %run_scoped3A = tpu.sem_alloc : memref<!tpu.dma_semaphore, #tpu.memory_space<semaphore_mem>>
      %dma_start3A_117 = arith.constant 0 : i32
      %dma_start3A_118 = tpu.memref_slice %arg5[%arg0, %mul3A_116, %dma_start3A_117] : memref<2x10240x64xf32, #tpu.memory_space<hbm>> -> memref<1x640x64xf32, #tpu.memory_space<hbm>>
      %dma_start3A_119 = tpu.memref_squeeze %dma_start3A_118 : memref<1x640x64xf32, #tpu.memory_space<hbm>> -> memref<640x64xf32, #tpu.memory_space<hbm>>
      %dma_start3A_120 = arith.constant 0 : i32
      %dma_start3A_121 = tpu.memref_slice %arg14[%mul3A_114, %dma_start3A_120] : memref<10240x64xf32, #tpu.memory_space<vmem_shared>> -> memref<640x64xf32, #tpu.memory_space<vmem_shared>>
      tpu.enqueue_dma source(%dma_start3A_121 : memref<640x64xf32, #tpu.memory_space<vmem_shared>>) target(%dma_start3A_119 : memref<640x64xf32, #tpu.memory_space<hbm>>) target_semaphore(%run_scoped3A : memref<!tpu.dma_semaphore, #tpu.memory_space<semaphore_mem>>)
      %dma_wait3A_122 = arith.constant 0 : i32
      %dma_wait3A_123 = tpu.memref_slice %arg5[%arg0, %mul3A_116, %dma_wait3A_122] : memref<2x10240x64xf32, #tpu.memory_space<hbm>> -> memref<1x640x64xf32, #tpu.memory_space<hbm>>
      %dma_wait3A_124 = tpu.memref_squeeze %dma_wait3A_123 : memref<1x640x64xf32, #tpu.memory_space<hbm>> -> memref<640x64xf32, #tpu.memory_space<hbm>>
      %dma_wait3A_125 = arith.constant 0 : i32
      %dma_wait3A_126 = tpu.memref_slice %arg14[%mul3A_114, %dma_wait3A_125] : memref<10240x64xf32, #tpu.memory_space<vmem_shared>> -> memref<640x64xf32, #tpu.memory_space<vmem_shared>>
      tpu.wait_dma2 semaphore(%run_scoped3A : memref<!tpu.dma_semaphore, #tpu.memory_space<semaphore_mem>>) src(%dma_wait3A_126 : memref<640x64xf32, #tpu.memory_space<vmem_shared>>) dst(%dma_wait3A_124 : memref<640x64xf32, #tpu.memory_space<hbm>>)
      tpu.yield
    }) : () -> ()
    return
  }
}

#map = affine_map<(d0, d1) -> (0, 0, 0)>
module attributes {stable_mosaic.version = 14 : i64} {
  func.func @_sc_agg_body(%arg0: i32, %arg1: i32, %arg2: memref<2x10000x64xf32, #tpu.memory_space<hbm>>, %arg3: memref<16x160x125xi32, #tpu.memory_space<hbm>>, %arg4: memref<16x160x125xi32, #tpu.memory_space<hbm>>, %arg5: memref<2x10240x64xf32, #tpu.memory_space<hbm>>, %arg6: memref<160x125xi32, #tpu.memory_space<vmem>>, %arg7: memref<160x125xi32, #tpu.memory_space<vmem>>, %arg8: memref<125x64xf32, #tpu.memory_space<vmem>>, %arg9: memref<125x64xf32, #tpu.memory_space<vmem>>, %arg10: memref<125x64xf32, #tpu.memory_space<vmem>>, %arg11: memref<125x64xf32, #tpu.memory_space<vmem>>, %arg12: memref<125x64xf32, #tpu.memory_space<vmem>>, %arg13: memref<128x64xf32, #tpu.memory_space<vmem>>, %arg14: memref<10240x64xf32, #tpu.memory_space<vmem_shared>>, %arg15: memref<!tpu.dma_semaphore, #tpu.memory_space<semaphore_mem>>, %arg16: memref<!tpu.dma_semaphore, #tpu.memory_space<semaphore_mem>>, %arg17: memref<!tpu.dma_semaphore, #tpu.memory_space<semaphore_mem>>, %arg18: memref<!tpu.dma_semaphore, #tpu.memory_space<semaphore_mem>>, %arg19: memref<!tpu.dma_semaphore, #tpu.memory_space<semaphore_mem>>, %arg20: memref<!tpu.dma_semaphore, #tpu.memory_space<semaphore_mem>>, %arg21: memref<!tpu.dma_semaphore, #tpu.memory_space<semaphore_mem>>, %arg22: memref<!tpu.dma_semaphore, #tpu.memory_space<semaphore_mem>>, %arg23: memref<!tpu.dma_semaphore, #tpu.memory_space<semaphore_mem>>, %arg24: memref<!tpu.dma_semaphore, #tpu.memory_space<semaphore_mem>>) attributes {dimension_semantics = [#tpu.dimension_semantics<core_parallel>, #tpu.dimension_semantics<subcore_parallel>], iteration_bounds = array<i64: 2, 16>, scalar_prefetch = 0 : i64, scratch_operands = 19 : i64, tpu.core_type = #tpu.core_type<sc_vector_subcore>, window_params = [{transform_indices = #map}, {transform_indices = #map}, {transform_indices = #map}, {transform_indices = #map}]} {
    %dma_start3A = arith.constant 0 : i32
    %dma_start3A_0 = arith.constant 0 : i32
    %dma_start3A_1 = tpu.memref_slice %arg3[%arg1, %dma_start3A, %dma_start3A_0] : memref<16x160x125xi32, #tpu.memory_space<hbm>> -> memref<1x160x125xi32, #tpu.memory_space<hbm>>
    %dma_start3A_2 = tpu.memref_squeeze %dma_start3A_1 : memref<1x160x125xi32, #tpu.memory_space<hbm>> -> memref<160x125xi32, #tpu.memory_space<hbm>>
    %dma_start3A_3 = arith.constant 0 : i32
    %dma_start3A_4 = arith.constant 0 : i32
    %dma_start3A_5 = tpu.memref_slice %arg3[%arg1, %dma_start3A_3, %dma_start3A_4] : memref<16x160x125xi32, #tpu.memory_space<hbm>> -> memref<1x160x125xi32, #tpu.memory_space<hbm>>
    %dma_start3A_6 = tpu.memref_squeeze %dma_start3A_5 : memref<1x160x125xi32, #tpu.memory_space<hbm>> -> memref<160x125xi32, #tpu.memory_space<hbm>>
    tpu.enqueue_dma source(%dma_start3A_6 : memref<160x125xi32, #tpu.memory_space<hbm>>) target(%arg6 : memref<160x125xi32, #tpu.memory_space<vmem>>) target_semaphore(%arg15 : memref<!tpu.dma_semaphore, #tpu.memory_space<semaphore_mem>>)
    %dma_start3A_7 = arith.constant 0 : i32
    %dma_start3A_8 = arith.constant 0 : i32
    %dma_start3A_9 = tpu.memref_slice %arg4[%arg1, %dma_start3A_7, %dma_start3A_8] : memref<16x160x125xi32, #tpu.memory_space<hbm>> -> memref<1x160x125xi32, #tpu.memory_space<hbm>>
    %dma_start3A_10 = tpu.memref_squeeze %dma_start3A_9 : memref<1x160x125xi32, #tpu.memory_space<hbm>> -> memref<160x125xi32, #tpu.memory_space<hbm>>
    %dma_start3A_11 = arith.constant 0 : i32
    %dma_start3A_12 = arith.constant 0 : i32
    %dma_start3A_13 = tpu.memref_slice %arg4[%arg1, %dma_start3A_11, %dma_start3A_12] : memref<16x160x125xi32, #tpu.memory_space<hbm>> -> memref<1x160x125xi32, #tpu.memory_space<hbm>>
    %dma_start3A_14 = tpu.memref_squeeze %dma_start3A_13 : memref<1x160x125xi32, #tpu.memory_space<hbm>> -> memref<160x125xi32, #tpu.memory_space<hbm>>
    tpu.enqueue_dma source(%dma_start3A_14 : memref<160x125xi32, #tpu.memory_space<hbm>>) target(%arg7 : memref<160x125xi32, #tpu.memory_space<vmem>>) target_semaphore(%arg16 : memref<!tpu.dma_semaphore, #tpu.memory_space<semaphore_mem>>)
    %scan3A = arith.constant 0 : i32
    %scan3A_15 = arith.constant 128 : i32
    %scan3A_16 = arith.addi %scan3A, %scan3A_15 : i32
    %scan3A_17 = arith.constant 1 : i32
    scf.for %scan3A_117 = %scan3A to %scan3A_16 step %scan3A_17  : i32 {
      %scan3A_118 = arith.constant 0 : i32
      %scan3A_119 = arith.constant 4 : i32
      %scan3A_120 = arith.addi %scan3A_118, %scan3A_119 : i32
      %scan3A_121 = arith.constant 1 : i32
      scf.for %scan3A_123 = %scan3A_118 to %scan3A_120 step %scan3A_121  : i32 {
        %broadcast_in_dim3A = arith.constant 0.000000e+00 : f32
        %broadcast_in_dim3A_124 = vector.broadcast %broadcast_in_dim3A : f32 to vector<16xf32>
        %mul3A_125 = arith.constant 16 : i32
        %mul3A_126 = arith.muli %scan3A_123, %mul3A_125 : i32
        %swap3A = arith.index_cast %scan3A_117 : i32 to index
        %swap3A_127 = arith.index_cast %mul3A_126 : i32 to index
        %swap3A_128 = tpu.vector_load %arg13[%swap3A, %swap3A_127] {strides = array<i32>} : memref<128x64xf32, #tpu.memory_space<vmem>>, vector<1x16xf32>,
        %swap3A_129 = vector.shape_cast %swap3A_128 : vector<1x16xf32> to vector<16xf32>
        %swap3A_130 = vector.shape_cast %broadcast_in_dim3A_124 : vector<16xf32> to vector<1x16xf32>
        tpu.vector_store %arg13[%swap3A, %swap3A_127], %swap3A_130 {strides = array<i32>} : memref<128x64xf32, #tpu.memory_space<vmem>>, vector<1x16xf32>,
      }
      %scan3A_122 = arith.constant 4 : i32
    }
    %scan3A_18 = arith.constant 128 : i32
    %mul3A = arith.constant 640 : i32
    %mul3A_19 = arith.muli %arg1, %mul3A : i32
    %add3A = arith.constant 0 : i32
    %add3A_20 = arith.addi %mul3A_19, %add3A : i32
    "tpu.region"() ({
      %run_scoped3A = tpu.sem_alloc : memref<!tpu.dma_semaphore, #tpu.memory_space<semaphore_mem>>
      %dma_start3A_117 = arith.constant 0 : i32
      %dma_start3A_118 = tpu.memref_slice %arg14[%add3A_20, %dma_start3A_117] : memref<10240x64xf32, #tpu.memory_space<vmem_shared>> -> memref<128x64xf32, #tpu.memory_space<vmem_shared>>
      %dma_start3A_119 = arith.constant 0 : i32
      %dma_start3A_120 = tpu.memref_slice %arg14[%add3A_20, %dma_start3A_119] : memref<10240x64xf32, #tpu.memory_space<vmem_shared>> -> memref<128x64xf32, #tpu.memory_space<vmem_shared>>
      tpu.enqueue_dma source(%arg13 : memref<128x64xf32, #tpu.memory_space<vmem>>) target(%dma_start3A_120 : memref<128x64xf32, #tpu.memory_space<vmem_shared>>) target_semaphore(%run_scoped3A : memref<!tpu.dma_semaphore, #tpu.memory_space<semaphore_mem>>)
      %dma_wait3A_121 = arith.constant 0 : i32
      %dma_wait3A_122 = tpu.memref_slice %arg14[%add3A_20, %dma_wait3A_121] : memref<10240x64xf32, #tpu.memory_space<vmem_shared>> -> memref<128x64xf32, #tpu.memory_space<vmem_shared>>
      %dma_wait3A_123 = arith.constant 0 : i32
      %dma_wait3A_124 = tpu.memref_slice %arg14[%add3A_20, %dma_wait3A_123] : memref<10240x64xf32, #tpu.memory_space<vmem_shared>> -> memref<128x64xf32, #tpu.memory_space<vmem_shared>>
      tpu.wait_dma2 semaphore(%run_scoped3A : memref<!tpu.dma_semaphore, #tpu.memory_space<semaphore_mem>>) src(%arg13 : memref<128x64xf32, #tpu.memory_space<vmem>>) dst(%dma_wait3A_124 : memref<128x64xf32, #tpu.memory_space<vmem_shared>>)
      tpu.yield
    }) : () -> ()
    %mul3A_21 = arith.constant 640 : i32
    %mul3A_22 = arith.muli %arg1, %mul3A_21 : i32
    %add3A_23 = arith.constant 128 : i32
    %add3A_24 = arith.addi %mul3A_22, %add3A_23 : i32
    "tpu.region"() ({
      %run_scoped3A = tpu.sem_alloc : memref<!tpu.dma_semaphore, #tpu.memory_space<semaphore_mem>>
      %dma_start3A_117 = arith.constant 0 : i32
      %dma_start3A_118 = tpu.memref_slice %arg14[%add3A_24, %dma_start3A_117] : memref<10240x64xf32, #tpu.memory_space<vmem_shared>> -> memref<128x64xf32, #tpu.memory_space<vmem_shared>>
      %dma_start3A_119 = arith.constant 0 : i32
      %dma_start3A_120 = tpu.memref_slice %arg14[%add3A_24, %dma_start3A_119] : memref<10240x64xf32, #tpu.memory_space<vmem_shared>> -> memref<128x64xf32, #tpu.memory_space<vmem_shared>>
      tpu.enqueue_dma source(%arg13 : memref<128x64xf32, #tpu.memory_space<vmem>>) target(%dma_start3A_120 : memref<128x64xf32, #tpu.memory_space<vmem_shared>>) target_semaphore(%run_scoped3A : memref<!tpu.dma_semaphore, #tpu.memory_space<semaphore_mem>>)
      %dma_wait3A_121 = arith.constant 0 : i32
      %dma_wait3A_122 = tpu.memref_slice %arg14[%add3A_24, %dma_wait3A_121] : memref<10240x64xf32, #tpu.memory_space<vmem_shared>> -> memref<128x64xf32, #tpu.memory_space<vmem_shared>>
      %dma_wait3A_123 = arith.constant 0 : i32
      %dma_wait3A_124 = tpu.memref_slice %arg14[%add3A_24, %dma_wait3A_123] : memref<10240x64xf32, #tpu.memory_space<vmem_shared>> -> memref<128x64xf32, #tpu.memory_space<vmem_shared>>
      tpu.wait_dma2 semaphore(%run_scoped3A : memref<!tpu.dma_semaphore, #tpu.memory_space<semaphore_mem>>) src(%arg13 : memref<128x64xf32, #tpu.memory_space<vmem>>) dst(%dma_wait3A_124 : memref<128x64xf32, #tpu.memory_space<vmem_shared>>)
      tpu.yield
    }) : () -> ()
    %mul3A_25 = arith.constant 640 : i32
    %mul3A_26 = arith.muli %arg1, %mul3A_25 : i32
    %add3A_27 = arith.constant 256 : i32
    %add3A_28 = arith.addi %mul3A_26, %add3A_27 : i32
    "tpu.region"() ({
      %run_scoped3A = tpu.sem_alloc : memref<!tpu.dma_semaphore, #tpu.memory_space<semaphore_mem>>
      %dma_start3A_117 = arith.constant 0 : i32
      %dma_start3A_118 = tpu.memref_slice %arg14[%add3A_28, %dma_start3A_117] : memref<10240x64xf32, #tpu.memory_space<vmem_shared>> -> memref<128x64xf32, #tpu.memory_space<vmem_shared>>
      %dma_start3A_119 = arith.constant 0 : i32
      %dma_start3A_120 = tpu.memref_slice %arg14[%add3A_28, %dma_start3A_119] : memref<10240x64xf32, #tpu.memory_space<vmem_shared>> -> memref<128x64xf32, #tpu.memory_space<vmem_shared>>
      tpu.enqueue_dma source(%arg13 : memref<128x64xf32, #tpu.memory_space<vmem>>) target(%dma_start3A_120 : memref<128x64xf32, #tpu.memory_space<vmem_shared>>) target_semaphore(%run_scoped3A : memref<!tpu.dma_semaphore, #tpu.memory_space<semaphore_mem>>)
      %dma_wait3A_121 = arith.constant 0 : i32
      %dma_wait3A_122 = tpu.memref_slice %arg14[%add3A_28, %dma_wait3A_121] : memref<10240x64xf32, #tpu.memory_space<vmem_shared>> -> memref<128x64xf32, #tpu.memory_space<vmem_shared>>
      %dma_wait3A_123 = arith.constant 0 : i32
      %dma_wait3A_124 = tpu.memref_slice %arg14[%add3A_28, %dma_wait3A_123] : memref<10240x64xf32, #tpu.memory_space<vmem_shared>> -> memref<128x64xf32, #tpu.memory_space<vmem_shared>>
      tpu.wait_dma2 semaphore(%run_scoped3A : memref<!tpu.dma_semaphore, #tpu.memory_space<semaphore_mem>>) src(%arg13 : memref<128x64xf32, #tpu.memory_space<vmem>>) dst(%dma_wait3A_124 : memref<128x64xf32, #tpu.memory_space<vmem_shared>>)
      tpu.yield
    }) : () -> ()
    %mul3A_29 = arith.constant 640 : i32
    %mul3A_30 = arith.muli %arg1, %mul3A_29 : i32
    %add3A_31 = arith.constant 384 : i32
    %add3A_32 = arith.addi %mul3A_30, %add3A_31 : i32
    "tpu.region"() ({
      %run_scoped3A = tpu.sem_alloc : memref<!tpu.dma_semaphore, #tpu.memory_space<semaphore_mem>>
      %dma_start3A_117 = arith.constant 0 : i32
      %dma_start3A_118 = tpu.memref_slice %arg14[%add3A_32, %dma_start3A_117] : memref<10240x64xf32, #tpu.memory_space<vmem_shared>> -> memref<128x64xf32, #tpu.memory_space<vmem_shared>>
      %dma_start3A_119 = arith.constant 0 : i32
      %dma_start3A_120 = tpu.memref_slice %arg14[%add3A_32, %dma_start3A_119] : memref<10240x64xf32, #tpu.memory_space<vmem_shared>> -> memref<128x64xf32, #tpu.memory_space<vmem_shared>>
      tpu.enqueue_dma source(%arg13 : memref<128x64xf32, #tpu.memory_space<vmem>>) target(%dma_start3A_120 : memref<128x64xf32, #tpu.memory_space<vmem_shared>>) target_semaphore(%run_scoped3A : memref<!tpu.dma_semaphore, #tpu.memory_space<semaphore_mem>>)
      %dma_wait3A_121 = arith.constant 0 : i32
      %dma_wait3A_122 = tpu.memref_slice %arg14[%add3A_32, %dma_wait3A_121] : memref<10240x64xf32, #tpu.memory_space<vmem_shared>> -> memref<128x64xf32, #tpu.memory_space<vmem_shared>>
      %dma_wait3A_123 = arith.constant 0 : i32
      %dma_wait3A_124 = tpu.memref_slice %arg14[%add3A_32, %dma_wait3A_123] : memref<10240x64xf32, #tpu.memory_space<vmem_shared>> -> memref<128x64xf32, #tpu.memory_space<vmem_shared>>
      tpu.wait_dma2 semaphore(%run_scoped3A : memref<!tpu.dma_semaphore, #tpu.memory_space<semaphore_mem>>) src(%arg13 : memref<128x64xf32, #tpu.memory_space<vmem>>) dst(%dma_wait3A_124 : memref<128x64xf32, #tpu.memory_space<vmem_shared>>)
      tpu.yield
    }) : () -> ()
    %mul3A_33 = arith.constant 640 : i32
    %mul3A_34 = arith.muli %arg1, %mul3A_33 : i32
    %add3A_35 = arith.constant 512 : i32
    %add3A_36 = arith.addi %mul3A_34, %add3A_35 : i32
    "tpu.region"() ({
      %run_scoped3A = tpu.sem_alloc : memref<!tpu.dma_semaphore, #tpu.memory_space<semaphore_mem>>
      %dma_start3A_117 = arith.constant 0 : i32
      %dma_start3A_118 = tpu.memref_slice %arg14[%add3A_36, %dma_start3A_117] : memref<10240x64xf32, #tpu.memory_space<vmem_shared>> -> memref<128x64xf32, #tpu.memory_space<vmem_shared>>
      %dma_start3A_119 = arith.constant 0 : i32
      %dma_start3A_120 = tpu.memref_slice %arg14[%add3A_36, %dma_start3A_119] : memref<10240x64xf32, #tpu.memory_space<vmem_shared>> -> memref<128x64xf32, #tpu.memory_space<vmem_shared>>
      tpu.enqueue_dma source(%arg13 : memref<128x64xf32, #tpu.memory_space<vmem>>) target(%dma_start3A_120 : memref<128x64xf32, #tpu.memory_space<vmem_shared>>) target_semaphore(%run_scoped3A : memref<!tpu.dma_semaphore, #tpu.memory_space<semaphore_mem>>)
      %dma_wait3A_121 = arith.constant 0 : i32
      %dma_wait3A_122 = tpu.memref_slice %arg14[%add3A_36, %dma_wait3A_121] : memref<10240x64xf32, #tpu.memory_space<vmem_shared>> -> memref<128x64xf32, #tpu.memory_space<vmem_shared>>
      %dma_wait3A_123 = arith.constant 0 : i32
      %dma_wait3A_124 = tpu.memref_slice %arg14[%add3A_36, %dma_wait3A_123] : memref<10240x64xf32, #tpu.memory_space<vmem_shared>> -> memref<128x64xf32, #tpu.memory_space<vmem_shared>>
      tpu.wait_dma2 semaphore(%run_scoped3A : memref<!tpu.dma_semaphore, #tpu.memory_space<semaphore_mem>>) src(%arg13 : memref<128x64xf32, #tpu.memory_space<vmem>>) dst(%dma_wait3A_124 : memref<128x64xf32, #tpu.memory_space<vmem_shared>>)
      tpu.yield
    }) : () -> ()
    %dma_wait3A = arith.constant 0 : i32
    %dma_wait3A_37 = arith.constant 0 : i32
    %dma_wait3A_38 = tpu.memref_slice %arg3[%arg1, %dma_wait3A, %dma_wait3A_37] : memref<16x160x125xi32, #tpu.memory_space<hbm>> -> memref<1x160x125xi32, #tpu.memory_space<hbm>>
    %dma_wait3A_39 = tpu.memref_squeeze %dma_wait3A_38 : memref<1x160x125xi32, #tpu.memory_space<hbm>> -> memref<160x125xi32, #tpu.memory_space<hbm>>
    %dma_wait3A_40 = arith.constant 0 : i32
    %dma_wait3A_41 = arith.constant 0 : i32
    %dma_wait3A_42 = tpu.memref_slice %arg3[%arg1, %dma_wait3A_40, %dma_wait3A_41] : memref<16x160x125xi32, #tpu.memory_space<hbm>> -> memref<1x160x125xi32, #tpu.memory_space<hbm>>
    %dma_wait3A_43 = tpu.memref_squeeze %dma_wait3A_42 : memref<1x160x125xi32, #tpu.memory_space<hbm>> -> memref<160x125xi32, #tpu.memory_space<hbm>>
    tpu.wait_dma2 semaphore(%arg15 : memref<!tpu.dma_semaphore, #tpu.memory_space<semaphore_mem>>) src(%dma_wait3A_43 : memref<160x125xi32, #tpu.memory_space<hbm>>) dst(%arg6 : memref<160x125xi32, #tpu.memory_space<vmem>>)
    %dma_wait3A_44 = arith.constant 0 : i32
    %dma_wait3A_45 = arith.constant 0 : i32
    %dma_wait3A_46 = tpu.memref_slice %arg4[%arg1, %dma_wait3A_44, %dma_wait3A_45] : memref<16x160x125xi32, #tpu.memory_space<hbm>> -> memref<1x160x125xi32, #tpu.memory_space<hbm>>
    %dma_wait3A_47 = tpu.memref_squeeze %dma_wait3A_46 : memref<1x160x125xi32, #tpu.memory_space<hbm>> -> memref<160x125xi32, #tpu.memory_space<hbm>>
    %dma_wait3A_48 = arith.constant 0 : i32
    %dma_wait3A_49 = arith.constant 0 : i32
    %dma_wait3A_50 = tpu.memref_slice %arg4[%arg1, %dma_wait3A_48, %dma_wait3A_49] : memref<16x160x125xi32, #tpu.memory_space<hbm>> -> memref<1x160x125xi32, #tpu.memory_space<hbm>>
    %dma_wait3A_51 = tpu.memref_squeeze %dma_wait3A_50 : memref<1x160x125xi32, #tpu.memory_space<hbm>> -> memref<160x125xi32, #tpu.memory_space<hbm>>
    tpu.wait_dma2 semaphore(%arg16 : memref<!tpu.dma_semaphore, #tpu.memory_space<semaphore_mem>>) src(%dma_wait3A_51 : memref<160x125xi32, #tpu.memory_space<hbm>>) dst(%arg7 : memref<160x125xi32, #tpu.memory_space<vmem>>)
    %barrier3A = arith.constant 0 : index
    tpu.barrier barrier_id(%barrier3A)
    %dma_start3A_52 = arith.constant 0 : i32
    %dma_start3A_53 = arith.constant 0 : i32
    %dma_start3A_54 = tpu.memref_slice %arg6[%dma_start3A_52, %dma_start3A_53] : memref<160x125xi32, #tpu.memory_space<vmem>> -> memref<1x125xi32, #tpu.memory_space<vmem>>
    %dma_start3A_55 = tpu.memref_squeeze %dma_start3A_54 : memref<1x125xi32, #tpu.memory_space<vmem>> -> memref<125xi32, #tpu.memory_space<vmem>>
    %dma_start3A_56 = arith.constant 0 : i32
    %dma_start3A_57 = arith.constant 0 : i32
    %dma_start3A_58 = tpu.memref_slice %arg2[%arg0, %dma_start3A_56, %dma_start3A_57] : memref<2x10000x64xf32, #tpu.memory_space<hbm>> -> memref<1x10000x64xf32, #tpu.memory_space<hbm>>
    %dma_start3A_59 = tpu.memref_squeeze %dma_start3A_58 : memref<1x10000x64xf32, #tpu.memory_space<hbm>> -> memref<10000x64xf32, #tpu.memory_space<hbm>>
    %dma_start3A_60 = arith.constant 0 : i32
    %dma_start3A_61 = arith.constant 0 : i32
    %dma_start3A_62 = tpu.memref_slice %dma_start3A_59[%dma_start3A_60, %dma_start3A_61] : memref<10000x64xf32, #tpu.memory_space<hbm>> -> memref<10000x64xf32, #tpu.memory_space<hbm>>
    tpu.enqueue_indirect_dma source(%dma_start3A_62 : memref<10000x64xf32, #tpu.memory_space<hbm>>) target(%arg8 : memref<125x64xf32, #tpu.memory_space<vmem>>) offsets(%dma_start3A_55 : memref<125xi32, #tpu.memory_space<vmem>>) semaphore(%arg15 : memref<!tpu.dma_semaphore, #tpu.memory_space<semaphore_mem>>)
    %dma_start3A_63 = arith.constant 1 : i32
    %dma_start3A_64 = arith.constant 0 : i32
    %dma_start3A_65 = tpu.memref_slice %arg6[%dma_start3A_63, %dma_start3A_64] : memref<160x125xi32, #tpu.memory_space<vmem>> -> memref<1x125xi32, #tpu.memory_space<vmem>>
    %dma_start3A_66 = tpu.memref_squeeze %dma_start3A_65 : memref<1x125xi32, #tpu.memory_space<vmem>> -> memref<125xi32, #tpu.memory_space<vmem>>
    %dma_start3A_67 = arith.constant 0 : i32
    %dma_start3A_68 = arith.constant 0 : i32
    %dma_start3A_69 = tpu.memref_slice %arg2[%arg0, %dma_start3A_67, %dma_start3A_68] : memref<2x10000x64xf32, #tpu.memory_space<hbm>> -> memref<1x10000x64xf32, #tpu.memory_space<hbm>>
    %dma_start3A_70 = tpu.memref_squeeze %dma_start3A_69 : memref<1x10000x64xf32, #tpu.memory_space<hbm>> -> memref<10000x64xf32, #tpu.memory_space<hbm>>
    %dma_start3A_71 = arith.constant 0 : i32
    %dma_start3A_72 = arith.constant 0 : i32
    %dma_start3A_73 = tpu.memref_slice %dma_start3A_70[%dma_start3A_71, %dma_start3A_72] : memref<10000x64xf32, #tpu.memory_space<hbm>> -> memref<10000x64xf32, #tpu.memory_space<hbm>>
    tpu.enqueue_indirect_dma source(%dma_start3A_73 : memref<10000x64xf32, #tpu.memory_space<hbm>>) target(%arg9 : memref<125x64xf32, #tpu.memory_space<vmem>>) offsets(%dma_start3A_66 : memref<125xi32, #tpu.memory_space<vmem>>) semaphore(%arg16 : memref<!tpu.dma_semaphore, #tpu.memory_space<semaphore_mem>>)
    %dma_start3A_74 = arith.constant 2 : i32
    %dma_start3A_75 = arith.constant 0 : i32
    %dma_start3A_76 = tpu.memref_slice %arg6[%dma_start3A_74, %dma_start3A_75] : memref<160x125xi32, #tpu.memory_space<vmem>> -> memref<1x125xi32, #tpu.memory_space<vmem>>
    %dma_start3A_77 = tpu.memref_squeeze %dma_start3A_76 : memref<1x125xi32, #tpu.memory_space<vmem>> -> memref<125xi32, #tpu.memory_space<vmem>>
    %dma_start3A_78 = arith.constant 0 : i32
    %dma_start3A_79 = arith.constant 0 : i32
    %dma_start3A_80 = tpu.memref_slice %arg2[%arg0, %dma_start3A_78, %dma_start3A_79] : memref<2x10000x64xf32, #tpu.memory_space<hbm>> -> memref<1x10000x64xf32, #tpu.memory_space<hbm>>
    %dma_start3A_81 = tpu.memref_squeeze %dma_start3A_80 : memref<1x10000x64xf32, #tpu.memory_space<hbm>> -> memref<10000x64xf32, #tpu.memory_space<hbm>>
    %dma_start3A_82 = arith.constant 0 : i32
    %dma_start3A_83 = arith.constant 0 : i32
    %dma_start3A_84 = tpu.memref_slice %dma_start3A_81[%dma_start3A_82, %dma_start3A_83] : memref<10000x64xf32, #tpu.memory_space<hbm>> -> memref<10000x64xf32, #tpu.memory_space<hbm>>
    tpu.enqueue_indirect_dma source(%dma_start3A_84 : memref<10000x64xf32, #tpu.memory_space<hbm>>) target(%arg10 : memref<125x64xf32, #tpu.memory_space<vmem>>) offsets(%dma_start3A_77 : memref<125xi32, #tpu.memory_space<vmem>>) semaphore(%arg17 : memref<!tpu.dma_semaphore, #tpu.memory_space<semaphore_mem>>)
    %dma_start3A_85 = arith.constant 3 : i32
    %dma_start3A_86 = arith.constant 0 : i32
    %dma_start3A_87 = tpu.memref_slice %arg6[%dma_start3A_85, %dma_start3A_86] : memref<160x125xi32, #tpu.memory_space<vmem>> -> memref<1x125xi32, #tpu.memory_space<vmem>>
    %dma_start3A_88 = tpu.memref_squeeze %dma_start3A_87 : memref<1x125xi32, #tpu.memory_space<vmem>> -> memref<125xi32, #tpu.memory_space<vmem>>
    %dma_start3A_89 = arith.constant 0 : i32
    %dma_start3A_90 = arith.constant 0 : i32
    %dma_start3A_91 = tpu.memref_slice %arg2[%arg0, %dma_start3A_89, %dma_start3A_90] : memref<2x10000x64xf32, #tpu.memory_space<hbm>> -> memref<1x10000x64xf32, #tpu.memory_space<hbm>>
    %dma_start3A_92 = tpu.memref_squeeze %dma_start3A_91 : memref<1x10000x64xf32, #tpu.memory_space<hbm>> -> memref<10000x64xf32, #tpu.memory_space<hbm>>
    %dma_start3A_93 = arith.constant 0 : i32
    %dma_start3A_94 = arith.constant 0 : i32
    %dma_start3A_95 = tpu.memref_slice %dma_start3A_92[%dma_start3A_93, %dma_start3A_94] : memref<10000x64xf32, #tpu.memory_space<hbm>> -> memref<10000x64xf32, #tpu.memory_space<hbm>>
    tpu.enqueue_indirect_dma source(%dma_start3A_95 : memref<10000x64xf32, #tpu.memory_space<hbm>>) target(%arg11 : memref<125x64xf32, #tpu.memory_space<vmem>>) offsets(%dma_start3A_88 : memref<125xi32, #tpu.memory_space<vmem>>) semaphore(%arg18 : memref<!tpu.dma_semaphore, #tpu.memory_space<semaphore_mem>>)
    %dma_start3A_96 = arith.constant 4 : i32
    %dma_start3A_97 = arith.constant 0 : i32
    %dma_start3A_98 = tpu.memref_slice %arg6[%dma_start3A_96, %dma_start3A_97] : memref<160x125xi32, #tpu.memory_space<vmem>> -> memref<1x125xi32, #tpu.memory_space<vmem>>
    %dma_start3A_99 = tpu.memref_squeeze %dma_start3A_98 : memref<1x125xi32, #tpu.memory_space<vmem>> -> memref<125xi32, #tpu.memory_space<vmem>>
    %dma_start3A_100 = arith.constant 0 : i32
    %dma_start3A_101 = arith.constant 0 : i32
    %dma_start3A_102 = tpu.memref_slice %arg2[%arg0, %dma_start3A_100, %dma_start3A_101] : memref<2x10000x64xf32, #tpu.memory_space<hbm>> -> memref<1x10000x64xf32, #tpu.memory_space<hbm>>
    %dma_start3A_103 = tpu.memref_squeeze %dma_start3A_102 : memref<1x10000x64xf32, #tpu.memory_space<hbm>> -> memref<10000x64xf32, #tpu.memory_space<hbm>>
    %dma_start3A_104 = arith.constant 0 : i32
    %dma_start3A_105 = arith.constant 0 : i32
    %dma_start3A_106 = tpu.memref_slice %dma_start3A_103[%dma_start3A_104, %dma_start3A_105] : memref<10000x64xf32, #tpu.memory_space<hbm>> -> memref<10000x64xf32, #tpu.memory_space<hbm>>
    tpu.enqueue_indirect_dma source(%dma_start3A_106 : memref<10000x64xf32, #tpu.memory_space<hbm>>) target(%arg12 : memref<125x64xf32, #tpu.memory_space<vmem>>) offsets(%dma_start3A_99 : memref<125xi32, #tpu.memory_space<vmem>>) semaphore(%arg19 : memref<!tpu.dma_semaphore, #tpu.memory_space<semaphore_mem>>)
    %scan3A_107 = arith.constant 0 : i32
    %scan3A_108 = arith.constant 32 : i32
    %scan3A_109 = arith.addi %scan3A_107, %scan3A_108 : i32
    %scan3A_110 = arith.constant 1 : i32
    scf.for %scan3A_117 = %scan3A_107 to %scan3A_109 step %scan3A_110  : i32 {
      %mul3A_118 = arith.constant 5 : i32
      %mul3A_119 = arith.muli %mul3A_118, %scan3A_117 : i32
      %add3A_120 = arith.constant 0 : i32
      %add3A_121 = arith.addi %mul3A_119, %add3A_120 : i32
      %dma_wait3A_122 = arith.constant 0 : i32
      %dma_wait3A_123 = tpu.memref_slice %arg6[%add3A_121, %dma_wait3A_122] : memref<160x125xi32, #tpu.memory_space<vmem>> -> memref<1x125xi32, #tpu.memory_space<vmem>>
      %dma_wait3A_124 = tpu.memref_squeeze %dma_wait3A_123 : memref<1x125xi32, #tpu.memory_space<vmem>> -> memref<125xi32, #tpu.memory_space<vmem>>
      %dma_wait3A_125 = arith.constant 0 : i32
      %dma_wait3A_126 = arith.constant 0 : i32
      %dma_wait3A_127 = tpu.memref_slice %arg2[%arg0, %dma_wait3A_125, %dma_wait3A_126] : memref<2x10000x64xf32, #tpu.memory_space<hbm>> -> memref<1x10000x64xf32, #tpu.memory_space<hbm>>
      %dma_wait3A_128 = tpu.memref_squeeze %dma_wait3A_127 : memref<1x10000x64xf32, #tpu.memory_space<hbm>> -> memref<10000x64xf32, #tpu.memory_space<hbm>>
      %dma_wait3A_129 = arith.constant 0 : i32
      %dma_wait3A_130 = arith.constant 0 : i32
      %dma_wait3A_131 = tpu.memref_slice %dma_wait3A_128[%dma_wait3A_129, %dma_wait3A_130] : memref<10000x64xf32, #tpu.memory_space<hbm>> -> memref<10000x64xf32, #tpu.memory_space<hbm>>
      tpu.wait_indirect_dma semaphore(%arg15 : memref<!tpu.dma_semaphore, #tpu.memory_space<semaphore_mem>>) src(%dma_wait3A_131 : memref<10000x64xf32, #tpu.memory_space<hbm>>) dst(%arg8 : memref<125x64xf32, #tpu.memory_space<vmem>>)
      %dma_start3A_132 = arith.constant 0 : i32
      %dma_start3A_133 = tpu.memref_slice %arg7[%add3A_121, %dma_start3A_132] : memref<160x125xi32, #tpu.memory_space<vmem>> -> memref<1x125xi32, #tpu.memory_space<vmem>>
      %dma_start3A_134 = tpu.memref_squeeze %dma_start3A_133 : memref<1x125xi32, #tpu.memory_space<vmem>> -> memref<125xi32, #tpu.memory_space<vmem>>
      %dma_start3A_135 = arith.constant 0 : i32
      %dma_start3A_136 = arith.constant 0 : i32
      %dma_start3A_137 = tpu.memref_slice %arg14[%dma_start3A_135, %dma_start3A_136] : memref<10240x64xf32, #tpu.memory_space<vmem_shared>> -> memref<10240x64xf32, #tpu.memory_space<vmem_shared>>
      tpu.enqueue_indirect_dma source(%arg8 : memref<125x64xf32, #tpu.memory_space<vmem>>) target(%dma_start3A_137 : memref<10240x64xf32, #tpu.memory_space<vmem_shared>>) offsets(%dma_start3A_134 : memref<125xi32, #tpu.memory_space<vmem>>) semaphore(%arg20 : memref<!tpu.dma_semaphore, #tpu.memory_space<semaphore_mem>>) {add = true}
      %mul3A_138 = arith.constant 5 : i32
      %mul3A_139 = arith.muli %mul3A_138, %scan3A_117 : i32
      %add3A_140 = arith.constant 1 : i32
      %add3A_141 = arith.addi %mul3A_139, %add3A_140 : i32
      %dma_wait3A_142 = arith.constant 0 : i32
      %dma_wait3A_143 = tpu.memref_slice %arg6[%add3A_141, %dma_wait3A_142] : memref<160x125xi32, #tpu.memory_space<vmem>> -> memref<1x125xi32, #tpu.memory_space<vmem>>
      %dma_wait3A_144 = tpu.memref_squeeze %dma_wait3A_143 : memref<1x125xi32, #tpu.memory_space<vmem>> -> memref<125xi32, #tpu.memory_space<vmem>>
      %dma_wait3A_145 = arith.constant 0 : i32
      %dma_wait3A_146 = arith.constant 0 : i32
      %dma_wait3A_147 = tpu.memref_slice %arg2[%arg0, %dma_wait3A_145, %dma_wait3A_146] : memref<2x10000x64xf32, #tpu.memory_space<hbm>> -> memref<1x10000x64xf32, #tpu.memory_space<hbm>>
      %dma_wait3A_148 = tpu.memref_squeeze %dma_wait3A_147 : memref<1x10000x64xf32, #tpu.memory_space<hbm>> -> memref<10000x64xf32, #tpu.memory_space<hbm>>
      %dma_wait3A_149 = arith.constant 0 : i32
      %dma_wait3A_150 = arith.constant 0 : i32
      %dma_wait3A_151 = tpu.memref_slice %dma_wait3A_148[%dma_wait3A_149, %dma_wait3A_150] : memref<10000x64xf32, #tpu.memory_space<hbm>> -> memref<10000x64xf32, #tpu.memory_space<hbm>>
      tpu.wait_indirect_dma semaphore(%arg16 : memref<!tpu.dma_semaphore, #tpu.memory_space<semaphore_mem>>) src(%dma_wait3A_151 : memref<10000x64xf32, #tpu.memory_space<hbm>>) dst(%arg9 : memref<125x64xf32, #tpu.memory_space<vmem>>)
      %dma_start3A_152 = arith.constant 0 : i32
      %dma_start3A_153 = tpu.memref_slice %arg7[%add3A_141, %dma_start3A_152] : memref<160x125xi32, #tpu.memory_space<vmem>> -> memref<1x125xi32, #tpu.memory_space<vmem>>
      %dma_start3A_154 = tpu.memref_squeeze %dma_start3A_153 : memref<1x125xi32, #tpu.memory_space<vmem>> -> memref<125xi32, #tpu.memory_space<vmem>>
      %dma_start3A_155 = arith.constant 0 : i32
      %dma_start3A_156 = arith.constant 0 : i32
      %dma_start3A_157 = tpu.memref_slice %arg14[%dma_start3A_155, %dma_start3A_156] : memref<10240x64xf32, #tpu.memory_space<vmem_shared>> -> memref<10240x64xf32, #tpu.memory_space<vmem_shared>>
      tpu.enqueue_indirect_dma source(%arg9 : memref<125x64xf32, #tpu.memory_space<vmem>>) target(%dma_start3A_157 : memref<10240x64xf32, #tpu.memory_space<vmem_shared>>) offsets(%dma_start3A_154 : memref<125xi32, #tpu.memory_space<vmem>>) semaphore(%arg21 : memref<!tpu.dma_semaphore, #tpu.memory_space<semaphore_mem>>) {add = true}
      %mul3A_158 = arith.constant 5 : i32
      %mul3A_159 = arith.muli %mul3A_158, %scan3A_117 : i32
      %add3A_160 = arith.constant 2 : i32
      %add3A_161 = arith.addi %mul3A_159, %add3A_160 : i32
      %dma_wait3A_162 = arith.constant 0 : i32
      %dma_wait3A_163 = tpu.memref_slice %arg6[%add3A_161, %dma_wait3A_162] : memref<160x125xi32, #tpu.memory_space<vmem>> -> memref<1x125xi32, #tpu.memory_space<vmem>>
      %dma_wait3A_164 = tpu.memref_squeeze %dma_wait3A_163 : memref<1x125xi32, #tpu.memory_space<vmem>> -> memref<125xi32, #tpu.memory_space<vmem>>
      %dma_wait3A_165 = arith.constant 0 : i32
      %dma_wait3A_166 = arith.constant 0 : i32
      %dma_wait3A_167 = tpu.memref_slice %arg2[%arg0, %dma_wait3A_165, %dma_wait3A_166] : memref<2x10000x64xf32, #tpu.memory_space<hbm>> -> memref<1x10000x64xf32, #tpu.memory_space<hbm>>
      %dma_wait3A_168 = tpu.memref_squeeze %dma_wait3A_167 : memref<1x10000x64xf32, #tpu.memory_space<hbm>> -> memref<10000x64xf32, #tpu.memory_space<hbm>>
      %dma_wait3A_169 = arith.constant 0 : i32
      %dma_wait3A_170 = arith.constant 0 : i32
      %dma_wait3A_171 = tpu.memref_slice %dma_wait3A_168[%dma_wait3A_169, %dma_wait3A_170] : memref<10000x64xf32, #tpu.memory_space<hbm>> -> memref<10000x64xf32, #tpu.memory_space<hbm>>
      tpu.wait_indirect_dma semaphore(%arg17 : memref<!tpu.dma_semaphore, #tpu.memory_space<semaphore_mem>>) src(%dma_wait3A_171 : memref<10000x64xf32, #tpu.memory_space<hbm>>) dst(%arg10 : memref<125x64xf32, #tpu.memory_space<vmem>>)
      %dma_start3A_172 = arith.constant 0 : i32
      %dma_start3A_173 = tpu.memref_slice %arg7[%add3A_161, %dma_start3A_172] : memref<160x125xi32, #tpu.memory_space<vmem>> -> memref<1x125xi32, #tpu.memory_space<vmem>>
      %dma_start3A_174 = tpu.memref_squeeze %dma_start3A_173 : memref<1x125xi32, #tpu.memory_space<vmem>> -> memref<125xi32, #tpu.memory_space<vmem>>
      %dma_start3A_175 = arith.constant 0 : i32
      %dma_start3A_176 = arith.constant 0 : i32
      %dma_start3A_177 = tpu.memref_slice %arg14[%dma_start3A_175, %dma_start3A_176] : memref<10240x64xf32, #tpu.memory_space<vmem_shared>> -> memref<10240x64xf32, #tpu.memory_space<vmem_shared>>
      tpu.enqueue_indirect_dma source(%arg10 : memref<125x64xf32, #tpu.memory_space<vmem>>) target(%dma_start3A_177 : memref<10240x64xf32, #tpu.memory_space<vmem_shared>>) offsets(%dma_start3A_174 : memref<125xi32, #tpu.memory_space<vmem>>) semaphore(%arg22 : memref<!tpu.dma_semaphore, #tpu.memory_space<semaphore_mem>>) {add = true}
      %mul3A_178 = arith.constant 5 : i32
      %mul3A_179 = arith.muli %mul3A_178, %scan3A_117 : i32
      %add3A_180 = arith.constant 3 : i32
      %add3A_181 = arith.addi %mul3A_179, %add3A_180 : i32
      %dma_wait3A_182 = arith.constant 0 : i32
      %dma_wait3A_183 = tpu.memref_slice %arg6[%add3A_181, %dma_wait3A_182] : memref<160x125xi32, #tpu.memory_space<vmem>> -> memref<1x125xi32, #tpu.memory_space<vmem>>
      %dma_wait3A_184 = tpu.memref_squeeze %dma_wait3A_183 : memref<1x125xi32, #tpu.memory_space<vmem>> -> memref<125xi32, #tpu.memory_space<vmem>>
      %dma_wait3A_185 = arith.constant 0 : i32
      %dma_wait3A_186 = arith.constant 0 : i32
      %dma_wait3A_187 = tpu.memref_slice %arg2[%arg0, %dma_wait3A_185, %dma_wait3A_186] : memref<2x10000x64xf32, #tpu.memory_space<hbm>> -> memref<1x10000x64xf32, #tpu.memory_space<hbm>>
      %dma_wait3A_188 = tpu.memref_squeeze %dma_wait3A_187 : memref<1x10000x64xf32, #tpu.memory_space<hbm>> -> memref<10000x64xf32, #tpu.memory_space<hbm>>
      %dma_wait3A_189 = arith.constant 0 : i32
      %dma_wait3A_190 = arith.constant 0 : i32
      %dma_wait3A_191 = tpu.memref_slice %dma_wait3A_188[%dma_wait3A_189, %dma_wait3A_190] : memref<10000x64xf32, #tpu.memory_space<hbm>> -> memref<10000x64xf32, #tpu.memory_space<hbm>>
      tpu.wait_indirect_dma semaphore(%arg18 : memref<!tpu.dma_semaphore, #tpu.memory_space<semaphore_mem>>) src(%dma_wait3A_191 : memref<10000x64xf32, #tpu.memory_space<hbm>>) dst(%arg11 : memref<125x64xf32, #tpu.memory_space<vmem>>)
      %dma_start3A_192 = arith.constant 0 : i32
      %dma_start3A_193 = tpu.memref_slice %arg7[%add3A_181, %dma_start3A_192] : memref<160x125xi32, #tpu.memory_space<vmem>> -> memref<1x125xi32, #tpu.memory_space<vmem>>
      %dma_start3A_194 = tpu.memref_squeeze %dma_start3A_193 : memref<1x125xi32, #tpu.memory_space<vmem>> -> memref<125xi32, #tpu.memory_space<vmem>>
      %dma_start3A_195 = arith.constant 0 : i32
      %dma_start3A_196 = arith.constant 0 : i32
      %dma_start3A_197 = tpu.memref_slice %arg14[%dma_start3A_195, %dma_start3A_196] : memref<10240x64xf32, #tpu.memory_space<vmem_shared>> -> memref<10240x64xf32, #tpu.memory_space<vmem_shared>>
      tpu.enqueue_indirect_dma source(%arg11 : memref<125x64xf32, #tpu.memory_space<vmem>>) target(%dma_start3A_197 : memref<10240x64xf32, #tpu.memory_space<vmem_shared>>) offsets(%dma_start3A_194 : memref<125xi32, #tpu.memory_space<vmem>>) semaphore(%arg23 : memref<!tpu.dma_semaphore, #tpu.memory_space<semaphore_mem>>) {add = true}
      %mul3A_198 = arith.constant 5 : i32
      %mul3A_199 = arith.muli %mul3A_198, %scan3A_117 : i32
      %add3A_200 = arith.constant 4 : i32
      %add3A_201 = arith.addi %mul3A_199, %add3A_200 : i32
      %dma_wait3A_202 = arith.constant 0 : i32
      %dma_wait3A_203 = tpu.memref_slice %arg6[%add3A_201, %dma_wait3A_202] : memref<160x125xi32, #tpu.memory_space<vmem>> -> memref<1x125xi32, #tpu.memory_space<vmem>>
      %dma_wait3A_204 = tpu.memref_squeeze %dma_wait3A_203 : memref<1x125xi32, #tpu.memory_space<vmem>> -> memref<125xi32, #tpu.memory_space<vmem>>
      %dma_wait3A_205 = arith.constant 0 : i32
      %dma_wait3A_206 = arith.constant 0 : i32
      %dma_wait3A_207 = tpu.memref_slice %arg2[%arg0, %dma_wait3A_205, %dma_wait3A_206] : memref<2x10000x64xf32, #tpu.memory_space<hbm>> -> memref<1x10000x64xf32, #tpu.memory_space<hbm>>
      %dma_wait3A_208 = tpu.memref_squeeze %dma_wait3A_207 : memref<1x10000x64xf32, #tpu.memory_space<hbm>> -> memref<10000x64xf32, #tpu.memory_space<hbm>>
      %dma_wait3A_209 = arith.constant 0 : i32
      %dma_wait3A_210 = arith.constant 0 : i32
      %dma_wait3A_211 = tpu.memref_slice %dma_wait3A_208[%dma_wait3A_209, %dma_wait3A_210] : memref<10000x64xf32, #tpu.memory_space<hbm>> -> memref<10000x64xf32, #tpu.memory_space<hbm>>
      tpu.wait_indirect_dma semaphore(%arg19 : memref<!tpu.dma_semaphore, #tpu.memory_space<semaphore_mem>>) src(%dma_wait3A_211 : memref<10000x64xf32, #tpu.memory_space<hbm>>) dst(%arg12 : memref<125x64xf32, #tpu.memory_space<vmem>>)
      %dma_start3A_212 = arith.constant 0 : i32
      %dma_start3A_213 = tpu.memref_slice %arg7[%add3A_201, %dma_start3A_212] : memref<160x125xi32, #tpu.memory_space<vmem>> -> memref<1x125xi32, #tpu.memory_space<vmem>>
      %dma_start3A_214 = tpu.memref_squeeze %dma_start3A_213 : memref<1x125xi32, #tpu.memory_space<vmem>> -> memref<125xi32, #tpu.memory_space<vmem>>
      %dma_start3A_215 = arith.constant 0 : i32
      %dma_start3A_216 = arith.constant 0 : i32
      %dma_start3A_217 = tpu.memref_slice %arg14[%dma_start3A_215, %dma_start3A_216] : memref<10240x64xf32, #tpu.memory_space<vmem_shared>> -> memref<10240x64xf32, #tpu.memory_space<vmem_shared>>
      tpu.enqueue_indirect_dma source(%arg12 : memref<125x64xf32, #tpu.memory_space<vmem>>) target(%dma_start3A_217 : memref<10240x64xf32, #tpu.memory_space<vmem_shared>>) offsets(%dma_start3A_214 : memref<125xi32, #tpu.memory_space<vmem>>) semaphore(%arg24 : memref<!tpu.dma_semaphore, #tpu.memory_space<semaphore_mem>>) {add = true}
      %mul3A_218 = arith.constant 5 : i32
      %mul3A_219 = arith.muli %mul3A_218, %scan3A_117 : i32
      %add3A_220 = arith.constant 0 : i32
      %add3A_221 = arith.addi %mul3A_219, %add3A_220 : i32
      %dma_wait3A_222 = arith.constant 0 : i32
      %dma_wait3A_223 = tpu.memref_slice %arg7[%add3A_221, %dma_wait3A_222] : memref<160x125xi32, #tpu.memory_space<vmem>> -> memref<1x125xi32, #tpu.memory_space<vmem>>
      %dma_wait3A_224 = tpu.memref_squeeze %dma_wait3A_223 : memref<1x125xi32, #tpu.memory_space<vmem>> -> memref<125xi32, #tpu.memory_space<vmem>>
      %dma_wait3A_225 = arith.constant 0 : i32
      %dma_wait3A_226 = arith.constant 0 : i32
      %dma_wait3A_227 = tpu.memref_slice %arg14[%dma_wait3A_225, %dma_wait3A_226] : memref<10240x64xf32, #tpu.memory_space<vmem_shared>> -> memref<10240x64xf32, #tpu.memory_space<vmem_shared>>
      tpu.wait_indirect_dma semaphore(%arg20 : memref<!tpu.dma_semaphore, #tpu.memory_space<semaphore_mem>>) src(%arg8 : memref<125x64xf32, #tpu.memory_space<vmem>>) dst(%dma_wait3A_227 : memref<10240x64xf32, #tpu.memory_space<vmem_shared>>)
      %add3A_228 = arith.constant 5 : i32
      %add3A_229 = arith.addi %add3A_221, %add3A_228 : i32
      %lt3A = arith.constant 160 : i32
      %lt3A_230 = arith.cmpi slt, %add3A_229, %lt3A : i32
      %convert_element_type3A = arith.extui %lt3A_230 : i1 to i32
      %cond3A = arith.constant 0 : i32
      %cond3A_231 = arith.cmpi ne, %convert_element_type3A, %cond3A : i32
      scf.if %cond3A_231 {
        %add3A_300 = arith.constant 5 : i32
        %add3A_301 = arith.addi %add3A_221, %add3A_300 : i32
        %dma_start3A_302 = arith.constant 0 : i32
        %dma_start3A_303 = tpu.memref_slice %arg6[%add3A_301, %dma_start3A_302] : memref<160x125xi32, #tpu.memory_space<vmem>> -> memref<1x125xi32, #tpu.memory_space<vmem>>
        %dma_start3A_304 = tpu.memref_squeeze %dma_start3A_303 : memref<1x125xi32, #tpu.memory_space<vmem>> -> memref<125xi32, #tpu.memory_space<vmem>>
        %dma_start3A_305 = arith.constant 0 : i32
        %dma_start3A_306 = arith.constant 0 : i32
        %dma_start3A_307 = tpu.memref_slice %arg2[%arg0, %dma_start3A_305, %dma_start3A_306] : memref<2x10000x64xf32, #tpu.memory_space<hbm>> -> memref<1x10000x64xf32, #tpu.memory_space<hbm>>
        %dma_start3A_308 = tpu.memref_squeeze %dma_start3A_307 : memref<1x10000x64xf32, #tpu.memory_space<hbm>> -> memref<10000x64xf32, #tpu.memory_space<hbm>>
        %dma_start3A_309 = arith.constant 0 : i32
        %dma_start3A_310 = arith.constant 0 : i32
        %dma_start3A_311 = tpu.memref_slice %dma_start3A_308[%dma_start3A_309, %dma_start3A_310] : memref<10000x64xf32, #tpu.memory_space<hbm>> -> memref<10000x64xf32, #tpu.memory_space<hbm>>
        tpu.enqueue_indirect_dma source(%dma_start3A_311 : memref<10000x64xf32, #tpu.memory_space<hbm>>) target(%arg8 : memref<125x64xf32, #tpu.memory_space<vmem>>) offsets(%dma_start3A_304 : memref<125xi32, #tpu.memory_space<vmem>>) semaphore(%arg15 : memref<!tpu.dma_semaphore, #tpu.memory_space<semaphore_mem>>)
      } else {
      }
      %mul3A_232 = arith.constant 5 : i32
      %mul3A_233 = arith.muli %mul3A_232, %scan3A_117 : i32
      %add3A_234 = arith.constant 1 : i32
      %add3A_235 = arith.addi %mul3A_233, %add3A_234 : i32
      %dma_wait3A_236 = arith.constant 0 : i32
      %dma_wait3A_237 = tpu.memref_slice %arg7[%add3A_235, %dma_wait3A_236] : memref<160x125xi32, #tpu.memory_space<vmem>> -> memref<1x125xi32, #tpu.memory_space<vmem>>
      %dma_wait3A_238 = tpu.memref_squeeze %dma_wait3A_237 : memref<1x125xi32, #tpu.memory_space<vmem>> -> memref<125xi32, #tpu.memory_space<vmem>>
      %dma_wait3A_239 = arith.constant 0 : i32
      %dma_wait3A_240 = arith.constant 0 : i32
      %dma_wait3A_241 = tpu.memref_slice %arg14[%dma_wait3A_239, %dma_wait3A_240] : memref<10240x64xf32, #tpu.memory_space<vmem_shared>> -> memref<10240x64xf32, #tpu.memory_space<vmem_shared>>
      tpu.wait_indirect_dma semaphore(%arg21 : memref<!tpu.dma_semaphore, #tpu.memory_space<semaphore_mem>>) src(%arg9 : memref<125x64xf32, #tpu.memory_space<vmem>>) dst(%dma_wait3A_241 : memref<10240x64xf32, #tpu.memory_space<vmem_shared>>)
      %add3A_242 = arith.constant 5 : i32
      %add3A_243 = arith.addi %add3A_235, %add3A_242 : i32
      %lt3A_244 = arith.constant 160 : i32
      %lt3A_245 = arith.cmpi slt, %add3A_243, %lt3A_244 : i32
      %convert_element_type3A_246 = arith.extui %lt3A_245 : i1 to i32
      %cond3A_247 = arith.constant 0 : i32
      %cond3A_248 = arith.cmpi ne, %convert_element_type3A_246, %cond3A_247 : i32
      scf.if %cond3A_248 {
        %add3A_300 = arith.constant 5 : i32
        %add3A_301 = arith.addi %add3A_235, %add3A_300 : i32
        %dma_start3A_302 = arith.constant 0 : i32
        %dma_start3A_303 = tpu.memref_slice %arg6[%add3A_301, %dma_start3A_302] : memref<160x125xi32, #tpu.memory_space<vmem>> -> memref<1x125xi32, #tpu.memory_space<vmem>>
        %dma_start3A_304 = tpu.memref_squeeze %dma_start3A_303 : memref<1x125xi32, #tpu.memory_space<vmem>> -> memref<125xi32, #tpu.memory_space<vmem>>
        %dma_start3A_305 = arith.constant 0 : i32
        %dma_start3A_306 = arith.constant 0 : i32
        %dma_start3A_307 = tpu.memref_slice %arg2[%arg0, %dma_start3A_305, %dma_start3A_306] : memref<2x10000x64xf32, #tpu.memory_space<hbm>> -> memref<1x10000x64xf32, #tpu.memory_space<hbm>>
        %dma_start3A_308 = tpu.memref_squeeze %dma_start3A_307 : memref<1x10000x64xf32, #tpu.memory_space<hbm>> -> memref<10000x64xf32, #tpu.memory_space<hbm>>
        %dma_start3A_309 = arith.constant 0 : i32
        %dma_start3A_310 = arith.constant 0 : i32
        %dma_start3A_311 = tpu.memref_slice %dma_start3A_308[%dma_start3A_309, %dma_start3A_310] : memref<10000x64xf32, #tpu.memory_space<hbm>> -> memref<10000x64xf32, #tpu.memory_space<hbm>>
        tpu.enqueue_indirect_dma source(%dma_start3A_311 : memref<10000x64xf32, #tpu.memory_space<hbm>>) target(%arg9 : memref<125x64xf32, #tpu.memory_space<vmem>>) offsets(%dma_start3A_304 : memref<125xi32, #tpu.memory_space<vmem>>) semaphore(%arg16 : memref<!tpu.dma_semaphore, #tpu.memory_space<semaphore_mem>>)
      } else {
      }
      %mul3A_249 = arith.constant 5 : i32
      %mul3A_250 = arith.muli %mul3A_249, %scan3A_117 : i32
      %add3A_251 = arith.constant 2 : i32
      %add3A_252 = arith.addi %mul3A_250, %add3A_251 : i32
      %dma_wait3A_253 = arith.constant 0 : i32
      %dma_wait3A_254 = tpu.memref_slice %arg7[%add3A_252, %dma_wait3A_253] : memref<160x125xi32, #tpu.memory_space<vmem>> -> memref<1x125xi32, #tpu.memory_space<vmem>>
      %dma_wait3A_255 = tpu.memref_squeeze %dma_wait3A_254 : memref<1x125xi32, #tpu.memory_space<vmem>> -> memref<125xi32, #tpu.memory_space<vmem>>
      %dma_wait3A_256 = arith.constant 0 : i32
      %dma_wait3A_257 = arith.constant 0 : i32
      %dma_wait3A_258 = tpu.memref_slice %arg14[%dma_wait3A_256, %dma_wait3A_257] : memref<10240x64xf32, #tpu.memory_space<vmem_shared>> -> memref<10240x64xf32, #tpu.memory_space<vmem_shared>>
      tpu.wait_indirect_dma semaphore(%arg22 : memref<!tpu.dma_semaphore, #tpu.memory_space<semaphore_mem>>) src(%arg10 : memref<125x64xf32, #tpu.memory_space<vmem>>) dst(%dma_wait3A_258 : memref<10240x64xf32, #tpu.memory_space<vmem_shared>>)
      %add3A_259 = arith.constant 5 : i32
      %add3A_260 = arith.addi %add3A_252, %add3A_259 : i32
      %lt3A_261 = arith.constant 160 : i32
      %lt3A_262 = arith.cmpi slt, %add3A_260, %lt3A_261 : i32
      %convert_element_type3A_263 = arith.extui %lt3A_262 : i1 to i32
      %cond3A_264 = arith.constant 0 : i32
      %cond3A_265 = arith.cmpi ne, %convert_element_type3A_263, %cond3A_264 : i32
      scf.if %cond3A_265 {
        %add3A_300 = arith.constant 5 : i32
        %add3A_301 = arith.addi %add3A_252, %add3A_300 : i32
        %dma_start3A_302 = arith.constant 0 : i32
        %dma_start3A_303 = tpu.memref_slice %arg6[%add3A_301, %dma_start3A_302] : memref<160x125xi32, #tpu.memory_space<vmem>> -> memref<1x125xi32, #tpu.memory_space<vmem>>
        %dma_start3A_304 = tpu.memref_squeeze %dma_start3A_303 : memref<1x125xi32, #tpu.memory_space<vmem>> -> memref<125xi32, #tpu.memory_space<vmem>>
        %dma_start3A_305 = arith.constant 0 : i32
        %dma_start3A_306 = arith.constant 0 : i32
        %dma_start3A_307 = tpu.memref_slice %arg2[%arg0, %dma_start3A_305, %dma_start3A_306] : memref<2x10000x64xf32, #tpu.memory_space<hbm>> -> memref<1x10000x64xf32, #tpu.memory_space<hbm>>
        %dma_start3A_308 = tpu.memref_squeeze %dma_start3A_307 : memref<1x10000x64xf32, #tpu.memory_space<hbm>> -> memref<10000x64xf32, #tpu.memory_space<hbm>>
        %dma_start3A_309 = arith.constant 0 : i32
        %dma_start3A_310 = arith.constant 0 : i32
        %dma_start3A_311 = tpu.memref_slice %dma_start3A_308[%dma_start3A_309, %dma_start3A_310] : memref<10000x64xf32, #tpu.memory_space<hbm>> -> memref<10000x64xf32, #tpu.memory_space<hbm>>
        tpu.enqueue_indirect_dma source(%dma_start3A_311 : memref<10000x64xf32, #tpu.memory_space<hbm>>) target(%arg10 : memref<125x64xf32, #tpu.memory_space<vmem>>) offsets(%dma_start3A_304 : memref<125xi32, #tpu.memory_space<vmem>>) semaphore(%arg17 : memref<!tpu.dma_semaphore, #tpu.memory_space<semaphore_mem>>)
      } else {
      }
      %mul3A_266 = arith.constant 5 : i32
      %mul3A_267 = arith.muli %mul3A_266, %scan3A_117 : i32
      %add3A_268 = arith.constant 3 : i32
      %add3A_269 = arith.addi %mul3A_267, %add3A_268 : i32
      %dma_wait3A_270 = arith.constant 0 : i32
      %dma_wait3A_271 = tpu.memref_slice %arg7[%add3A_269, %dma_wait3A_270] : memref<160x125xi32, #tpu.memory_space<vmem>> -> memref<1x125xi32, #tpu.memory_space<vmem>>
      %dma_wait3A_272 = tpu.memref_squeeze %dma_wait3A_271 : memref<1x125xi32, #tpu.memory_space<vmem>> -> memref<125xi32, #tpu.memory_space<vmem>>
      %dma_wait3A_273 = arith.constant 0 : i32
      %dma_wait3A_274 = arith.constant 0 : i32
      %dma_wait3A_275 = tpu.memref_slice %arg14[%dma_wait3A_273, %dma_wait3A_274] : memref<10240x64xf32, #tpu.memory_space<vmem_shared>> -> memref<10240x64xf32, #tpu.memory_space<vmem_shared>>
      tpu.wait_indirect_dma semaphore(%arg23 : memref<!tpu.dma_semaphore, #tpu.memory_space<semaphore_mem>>) src(%arg11 : memref<125x64xf32, #tpu.memory_space<vmem>>) dst(%dma_wait3A_275 : memref<10240x64xf32, #tpu.memory_space<vmem_shared>>)
      %add3A_276 = arith.constant 5 : i32
      %add3A_277 = arith.addi %add3A_269, %add3A_276 : i32
      %lt3A_278 = arith.constant 160 : i32
      %lt3A_279 = arith.cmpi slt, %add3A_277, %lt3A_278 : i32
      %convert_element_type3A_280 = arith.extui %lt3A_279 : i1 to i32
      %cond3A_281 = arith.constant 0 : i32
      %cond3A_282 = arith.cmpi ne, %convert_element_type3A_280, %cond3A_281 : i32
      scf.if %cond3A_282 {
        %add3A_300 = arith.constant 5 : i32
        %add3A_301 = arith.addi %add3A_269, %add3A_300 : i32
        %dma_start3A_302 = arith.constant 0 : i32
        %dma_start3A_303 = tpu.memref_slice %arg6[%add3A_301, %dma_start3A_302] : memref<160x125xi32, #tpu.memory_space<vmem>> -> memref<1x125xi32, #tpu.memory_space<vmem>>
        %dma_start3A_304 = tpu.memref_squeeze %dma_start3A_303 : memref<1x125xi32, #tpu.memory_space<vmem>> -> memref<125xi32, #tpu.memory_space<vmem>>
        %dma_start3A_305 = arith.constant 0 : i32
        %dma_start3A_306 = arith.constant 0 : i32
        %dma_start3A_307 = tpu.memref_slice %arg2[%arg0, %dma_start3A_305, %dma_start3A_306] : memref<2x10000x64xf32, #tpu.memory_space<hbm>> -> memref<1x10000x64xf32, #tpu.memory_space<hbm>>
        %dma_start3A_308 = tpu.memref_squeeze %dma_start3A_307 : memref<1x10000x64xf32, #tpu.memory_space<hbm>> -> memref<10000x64xf32, #tpu.memory_space<hbm>>
        %dma_start3A_309 = arith.constant 0 : i32
        %dma_start3A_310 = arith.constant 0 : i32
        %dma_start3A_311 = tpu.memref_slice %dma_start3A_308[%dma_start3A_309, %dma_start3A_310] : memref<10000x64xf32, #tpu.memory_space<hbm>> -> memref<10000x64xf32, #tpu.memory_space<hbm>>
        tpu.enqueue_indirect_dma source(%dma_start3A_311 : memref<10000x64xf32, #tpu.memory_space<hbm>>) target(%arg11 : memref<125x64xf32, #tpu.memory_space<vmem>>) offsets(%dma_start3A_304 : memref<125xi32, #tpu.memory_space<vmem>>) semaphore(%arg18 : memref<!tpu.dma_semaphore, #tpu.memory_space<semaphore_mem>>)
      } else {
      }
      %mul3A_283 = arith.constant 5 : i32
      %mul3A_284 = arith.muli %mul3A_283, %scan3A_117 : i32
      %add3A_285 = arith.constant 4 : i32
      %add3A_286 = arith.addi %mul3A_284, %add3A_285 : i32
      %dma_wait3A_287 = arith.constant 0 : i32
      %dma_wait3A_288 = tpu.memref_slice %arg7[%add3A_286, %dma_wait3A_287] : memref<160x125xi32, #tpu.memory_space<vmem>> -> memref<1x125xi32, #tpu.memory_space<vmem>>
      %dma_wait3A_289 = tpu.memref_squeeze %dma_wait3A_288 : memref<1x125xi32, #tpu.memory_space<vmem>> -> memref<125xi32, #tpu.memory_space<vmem>>
      %dma_wait3A_290 = arith.constant 0 : i32
      %dma_wait3A_291 = arith.constant 0 : i32
      %dma_wait3A_292 = tpu.memref_slice %arg14[%dma_wait3A_290, %dma_wait3A_291] : memref<10240x64xf32, #tpu.memory_space<vmem_shared>> -> memref<10240x64xf32, #tpu.memory_space<vmem_shared>>
      tpu.wait_indirect_dma semaphore(%arg24 : memref<!tpu.dma_semaphore, #tpu.memory_space<semaphore_mem>>) src(%arg12 : memref<125x64xf32, #tpu.memory_space<vmem>>) dst(%dma_wait3A_292 : memref<10240x64xf32, #tpu.memory_space<vmem_shared>>)
      %add3A_293 = arith.constant 5 : i32
      %add3A_294 = arith.addi %add3A_286, %add3A_293 : i32
      %lt3A_295 = arith.constant 160 : i32
      %lt3A_296 = arith.cmpi slt, %add3A_294, %lt3A_295 : i32
      %convert_element_type3A_297 = arith.extui %lt3A_296 : i1 to i32
      %cond3A_298 = arith.constant 0 : i32
      %cond3A_299 = arith.cmpi ne, %convert_element_type3A_297, %cond3A_298 : i32
      scf.if %cond3A_299 {
        %add3A_300 = arith.constant 5 : i32
        %add3A_301 = arith.addi %add3A_286, %add3A_300 : i32
        %dma_start3A_302 = arith.constant 0 : i32
        %dma_start3A_303 = tpu.memref_slice %arg6[%add3A_301, %dma_start3A_302] : memref<160x125xi32, #tpu.memory_space<vmem>> -> memref<1x125xi32, #tpu.memory_space<vmem>>
        %dma_start3A_304 = tpu.memref_squeeze %dma_start3A_303 : memref<1x125xi32, #tpu.memory_space<vmem>> -> memref<125xi32, #tpu.memory_space<vmem>>
        %dma_start3A_305 = arith.constant 0 : i32
        %dma_start3A_306 = arith.constant 0 : i32
        %dma_start3A_307 = tpu.memref_slice %arg2[%arg0, %dma_start3A_305, %dma_start3A_306] : memref<2x10000x64xf32, #tpu.memory_space<hbm>> -> memref<1x10000x64xf32, #tpu.memory_space<hbm>>
        %dma_start3A_308 = tpu.memref_squeeze %dma_start3A_307 : memref<1x10000x64xf32, #tpu.memory_space<hbm>> -> memref<10000x64xf32, #tpu.memory_space<hbm>>
        %dma_start3A_309 = arith.constant 0 : i32
        %dma_start3A_310 = arith.constant 0 : i32
        %dma_start3A_311 = tpu.memref_slice %dma_start3A_308[%dma_start3A_309, %dma_start3A_310] : memref<10000x64xf32, #tpu.memory_space<hbm>> -> memref<10000x64xf32, #tpu.memory_space<hbm>>
        tpu.enqueue_indirect_dma source(%dma_start3A_311 : memref<10000x64xf32, #tpu.memory_space<hbm>>) target(%arg12 : memref<125x64xf32, #tpu.memory_space<vmem>>) offsets(%dma_start3A_304 : memref<125xi32, #tpu.memory_space<vmem>>) semaphore(%arg19 : memref<!tpu.dma_semaphore, #tpu.memory_space<semaphore_mem>>)
      } else {
      }
    }
    %scan3A_111 = arith.constant 32 : i32
    %barrier3A_112 = arith.constant 0 : index
    tpu.barrier barrier_id(%barrier3A_112)
    %mul3A_113 = arith.constant 640 : i32
    %mul3A_114 = arith.muli %arg1, %mul3A_113 : i32
    %mul3A_115 = arith.constant 640 : i32
    %mul3A_116 = arith.muli %arg1, %mul3A_115 : i32
    "tpu.region"() ({
      %run_scoped3A = tpu.sem_alloc : memref<!tpu.dma_semaphore, #tpu.memory_space<semaphore_mem>>
      %dma_start3A_117 = arith.constant 0 : i32
      %dma_start3A_118 = tpu.memref_slice %arg5[%arg0, %mul3A_116, %dma_start3A_117] : memref<2x10240x64xf32, #tpu.memory_space<hbm>> -> memref<1x640x64xf32, #tpu.memory_space<hbm>>
      %dma_start3A_119 = tpu.memref_squeeze %dma_start3A_118 : memref<1x640x64xf32, #tpu.memory_space<hbm>> -> memref<640x64xf32, #tpu.memory_space<hbm>>
      %dma_start3A_120 = arith.constant 0 : i32
      %dma_start3A_121 = tpu.memref_slice %arg14[%mul3A_114, %dma_start3A_120] : memref<10240x64xf32, #tpu.memory_space<vmem_shared>> -> memref<640x64xf32, #tpu.memory_space<vmem_shared>>
      tpu.enqueue_dma source(%dma_start3A_121 : memref<640x64xf32, #tpu.memory_space<vmem_shared>>) target(%dma_start3A_119 : memref<640x64xf32, #tpu.memory_space<hbm>>) target_semaphore(%run_scoped3A : memref<!tpu.dma_semaphore, #tpu.memory_space<semaphore_mem>>)
      %dma_wait3A_122 = arith.constant 0 : i32
      %dma_wait3A_123 = tpu.memref_slice %arg5[%arg0, %mul3A_116, %dma_wait3A_122] : memref<2x10240x64xf32, #tpu.memory_space<hbm>> -> memref<1x640x64xf32, #tpu.memory_space<hbm>>
      %dma_wait3A_124 = tpu.memref_squeeze %dma_wait3A_123 : memref<1x640x64xf32, #tpu.memory_space<hbm>> -> memref<640x64xf32, #tpu.memory_space<hbm>>
      %dma_wait3A_125 = arith.constant 0 : i32
      %dma_wait3A_126 = tpu.memref_slice %arg14[%mul3A_114, %dma_wait3A_125] : memref<10240x64xf32, #tpu.memory_space<vmem_shared>> -> memref<640x64xf32, #tpu.memory_space<vmem_shared>>
      tpu.wait_dma2 semaphore(%run_scoped3A : memref<!tpu.dma_semaphore, #tpu.memory_space<semaphore_mem>>) src(%dma_wait3A_126 : memref<640x64xf32, #tpu.memory_space<vmem_shared>>) dst(%dma_wait3A_124 : memref<640x64xf32, #tpu.memory_space<hbm>>)
      tpu.yield
    }) : () -> ()
    return
  }
}

#map = affine_map<(d0, d1) -> (0, 0, 0)>
module attributes {stable_mosaic.version = 14 : i64} {
  func.func @_sc_deg_body(%arg0: i32, %arg1: i32, %arg2: memref<16x160x125xi32, #tpu.memory_space<hbm>>, %arg3: memref<2x10240x16xf32, #tpu.memory_space<hbm>>, %arg4: memref<160x125xi32, #tpu.memory_space<vmem>>, %arg5: memref<125x16xf32, #tpu.memory_space<vmem>>, %arg6: memref<128x16xf32, #tpu.memory_space<vmem>>, %arg7: memref<10240x16xf32, #tpu.memory_space<vmem_shared>>, %arg8: memref<!tpu.dma_semaphore, #tpu.memory_space<semaphore_mem>>, %arg9: memref<!tpu.dma_semaphore, #tpu.memory_space<semaphore_mem>>) attributes {dimension_semantics = [#tpu.dimension_semantics<core_parallel>, #tpu.dimension_semantics<subcore_parallel>], iteration_bounds = array<i64: 2, 16>, scalar_prefetch = 0 : i64, scratch_operands = 6 : i64, tpu.core_type = #tpu.core_type<sc_vector_subcore>, window_params = [{transform_indices = #map}, {transform_indices = #map}]} {
    %dma_start3A = arith.constant 0 : i32
    %dma_start3A_0 = arith.constant 0 : i32
    %dma_start3A_1 = tpu.memref_slice %arg2[%arg1, %dma_start3A, %dma_start3A_0] : memref<16x160x125xi32, #tpu.memory_space<hbm>> -> memref<1x160x125xi32, #tpu.memory_space<hbm>>
    %dma_start3A_2 = tpu.memref_squeeze %dma_start3A_1 : memref<1x160x125xi32, #tpu.memory_space<hbm>> -> memref<160x125xi32, #tpu.memory_space<hbm>>
    %dma_start3A_3 = arith.constant 0 : i32
    %dma_start3A_4 = arith.constant 0 : i32
    %dma_start3A_5 = tpu.memref_slice %arg2[%arg1, %dma_start3A_3, %dma_start3A_4] : memref<16x160x125xi32, #tpu.memory_space<hbm>> -> memref<1x160x125xi32, #tpu.memory_space<hbm>>
    %dma_start3A_6 = tpu.memref_squeeze %dma_start3A_5 : memref<1x160x125xi32, #tpu.memory_space<hbm>> -> memref<160x125xi32, #tpu.memory_space<hbm>>
    tpu.enqueue_dma source(%dma_start3A_6 : memref<160x125xi32, #tpu.memory_space<hbm>>) target(%arg4 : memref<160x125xi32, #tpu.memory_space<vmem>>) target_semaphore(%arg8 : memref<!tpu.dma_semaphore, #tpu.memory_space<semaphore_mem>>)
    %scan3A = arith.constant 0 : i32
    %scan3A_7 = arith.constant 128 : i32
    %scan3A_8 = arith.addi %scan3A, %scan3A_7 : i32
    %scan3A_9 = arith.constant 1 : i32
    scf.for %scan3A_51 = %scan3A to %scan3A_8 step %scan3A_9  : i32 {
      %broadcast_in_dim3A = arith.constant 0.000000e+00 : f32
      %broadcast_in_dim3A_52 = vector.broadcast %broadcast_in_dim3A : f32 to vector<16xf32>
      %swap3A = arith.index_cast %scan3A_51 : i32 to index
      %swap3A_53 = arith.constant 0 : index
      %swap3A_54 = tpu.vector_load %arg6[%swap3A, %swap3A_53] {strides = array<i32>} : memref<128x16xf32, #tpu.memory_space<vmem>>, vector<1x16xf32>,
      %swap3A_55 = vector.shape_cast %swap3A_54 : vector<1x16xf32> to vector<16xf32>
      %swap3A_56 = vector.shape_cast %broadcast_in_dim3A_52 : vector<16xf32> to vector<1x16xf32>
      tpu.vector_store %arg6[%swap3A, %swap3A_53], %swap3A_56 {strides = array<i32>} : memref<128x16xf32, #tpu.memory_space<vmem>>, vector<1x16xf32>,
    }
    %scan3A_10 = arith.constant 128 : i32
    %mul3A = arith.constant 640 : i32
    %mul3A_11 = arith.muli %arg1, %mul3A : i32
    %add3A = arith.constant 0 : i32
    %add3A_12 = arith.addi %mul3A_11, %add3A : i32
    "tpu.region"() ({
      %run_scoped3A = tpu.sem_alloc : memref<!tpu.dma_semaphore, #tpu.memory_space<semaphore_mem>>
      %dma_start3A_51 = arith.constant 0 : i32
      %dma_start3A_52 = tpu.memref_slice %arg7[%add3A_12, %dma_start3A_51] : memref<10240x16xf32, #tpu.memory_space<vmem_shared>> -> memref<128x16xf32, #tpu.memory_space<vmem_shared>>
      %dma_start3A_53 = arith.constant 0 : i32
      %dma_start3A_54 = tpu.memref_slice %arg7[%add3A_12, %dma_start3A_53] : memref<10240x16xf32, #tpu.memory_space<vmem_shared>> -> memref<128x16xf32, #tpu.memory_space<vmem_shared>>
      tpu.enqueue_dma source(%arg6 : memref<128x16xf32, #tpu.memory_space<vmem>>) target(%dma_start3A_54 : memref<128x16xf32, #tpu.memory_space<vmem_shared>>) target_semaphore(%run_scoped3A : memref<!tpu.dma_semaphore, #tpu.memory_space<semaphore_mem>>)
      %dma_wait3A_55 = arith.constant 0 : i32
      %dma_wait3A_56 = tpu.memref_slice %arg7[%add3A_12, %dma_wait3A_55] : memref<10240x16xf32, #tpu.memory_space<vmem_shared>> -> memref<128x16xf32, #tpu.memory_space<vmem_shared>>
      %dma_wait3A_57 = arith.constant 0 : i32
      %dma_wait3A_58 = tpu.memref_slice %arg7[%add3A_12, %dma_wait3A_57] : memref<10240x16xf32, #tpu.memory_space<vmem_shared>> -> memref<128x16xf32, #tpu.memory_space<vmem_shared>>
      tpu.wait_dma2 semaphore(%run_scoped3A : memref<!tpu.dma_semaphore, #tpu.memory_space<semaphore_mem>>) src(%arg6 : memref<128x16xf32, #tpu.memory_space<vmem>>) dst(%dma_wait3A_58 : memref<128x16xf32, #tpu.memory_space<vmem_shared>>)
      tpu.yield
    }) : () -> ()
    %mul3A_13 = arith.constant 640 : i32
    %mul3A_14 = arith.muli %arg1, %mul3A_13 : i32
    %add3A_15 = arith.constant 128 : i32
    %add3A_16 = arith.addi %mul3A_14, %add3A_15 : i32
    "tpu.region"() ({
      %run_scoped3A = tpu.sem_alloc : memref<!tpu.dma_semaphore, #tpu.memory_space<semaphore_mem>>
      %dma_start3A_51 = arith.constant 0 : i32
      %dma_start3A_52 = tpu.memref_slice %arg7[%add3A_16, %dma_start3A_51] : memref<10240x16xf32, #tpu.memory_space<vmem_shared>> -> memref<128x16xf32, #tpu.memory_space<vmem_shared>>
      %dma_start3A_53 = arith.constant 0 : i32
      %dma_start3A_54 = tpu.memref_slice %arg7[%add3A_16, %dma_start3A_53] : memref<10240x16xf32, #tpu.memory_space<vmem_shared>> -> memref<128x16xf32, #tpu.memory_space<vmem_shared>>
      tpu.enqueue_dma source(%arg6 : memref<128x16xf32, #tpu.memory_space<vmem>>) target(%dma_start3A_54 : memref<128x16xf32, #tpu.memory_space<vmem_shared>>) target_semaphore(%run_scoped3A : memref<!tpu.dma_semaphore, #tpu.memory_space<semaphore_mem>>)
      %dma_wait3A_55 = arith.constant 0 : i32
      %dma_wait3A_56 = tpu.memref_slice %arg7[%add3A_16, %dma_wait3A_55] : memref<10240x16xf32, #tpu.memory_space<vmem_shared>> -> memref<128x16xf32, #tpu.memory_space<vmem_shared>>
      %dma_wait3A_57 = arith.constant 0 : i32
      %dma_wait3A_58 = tpu.memref_slice %arg7[%add3A_16, %dma_wait3A_57] : memref<10240x16xf32, #tpu.memory_space<vmem_shared>> -> memref<128x16xf32, #tpu.memory_space<vmem_shared>>
      tpu.wait_dma2 semaphore(%run_scoped3A : memref<!tpu.dma_semaphore, #tpu.memory_space<semaphore_mem>>) src(%arg6 : memref<128x16xf32, #tpu.memory_space<vmem>>) dst(%dma_wait3A_58 : memref<128x16xf32, #tpu.memory_space<vmem_shared>>)
      tpu.yield
    }) : () -> ()
    %mul3A_17 = arith.constant 640 : i32
    %mul3A_18 = arith.muli %arg1, %mul3A_17 : i32
    %add3A_19 = arith.constant 256 : i32
    %add3A_20 = arith.addi %mul3A_18, %add3A_19 : i32
    "tpu.region"() ({
      %run_scoped3A = tpu.sem_alloc : memref<!tpu.dma_semaphore, #tpu.memory_space<semaphore_mem>>
      %dma_start3A_51 = arith.constant 0 : i32
      %dma_start3A_52 = tpu.memref_slice %arg7[%add3A_20, %dma_start3A_51] : memref<10240x16xf32, #tpu.memory_space<vmem_shared>> -> memref<128x16xf32, #tpu.memory_space<vmem_shared>>
      %dma_start3A_53 = arith.constant 0 : i32
      %dma_start3A_54 = tpu.memref_slice %arg7[%add3A_20, %dma_start3A_53] : memref<10240x16xf32, #tpu.memory_space<vmem_shared>> -> memref<128x16xf32, #tpu.memory_space<vmem_shared>>
      tpu.enqueue_dma source(%arg6 : memref<128x16xf32, #tpu.memory_space<vmem>>) target(%dma_start3A_54 : memref<128x16xf32, #tpu.memory_space<vmem_shared>>) target_semaphore(%run_scoped3A : memref<!tpu.dma_semaphore, #tpu.memory_space<semaphore_mem>>)
      %dma_wait3A_55 = arith.constant 0 : i32
      %dma_wait3A_56 = tpu.memref_slice %arg7[%add3A_20, %dma_wait3A_55] : memref<10240x16xf32, #tpu.memory_space<vmem_shared>> -> memref<128x16xf32, #tpu.memory_space<vmem_shared>>
      %dma_wait3A_57 = arith.constant 0 : i32
      %dma_wait3A_58 = tpu.memref_slice %arg7[%add3A_20, %dma_wait3A_57] : memref<10240x16xf32, #tpu.memory_space<vmem_shared>> -> memref<128x16xf32, #tpu.memory_space<vmem_shared>>
      tpu.wait_dma2 semaphore(%run_scoped3A : memref<!tpu.dma_semaphore, #tpu.memory_space<semaphore_mem>>) src(%arg6 : memref<128x16xf32, #tpu.memory_space<vmem>>) dst(%dma_wait3A_58 : memref<128x16xf32, #tpu.memory_space<vmem_shared>>)
      tpu.yield
    }) : () -> ()
    %mul3A_21 = arith.constant 640 : i32
    %mul3A_22 = arith.muli %arg1, %mul3A_21 : i32
    %add3A_23 = arith.constant 384 : i32
    %add3A_24 = arith.addi %mul3A_22, %add3A_23 : i32
    "tpu.region"() ({
      %run_scoped3A = tpu.sem_alloc : memref<!tpu.dma_semaphore, #tpu.memory_space<semaphore_mem>>
      %dma_start3A_51 = arith.constant 0 : i32
      %dma_start3A_52 = tpu.memref_slice %arg7[%add3A_24, %dma_start3A_51] : memref<10240x16xf32, #tpu.memory_space<vmem_shared>> -> memref<128x16xf32, #tpu.memory_space<vmem_shared>>
      %dma_start3A_53 = arith.constant 0 : i32
      %dma_start3A_54 = tpu.memref_slice %arg7[%add3A_24, %dma_start3A_53] : memref<10240x16xf32, #tpu.memory_space<vmem_shared>> -> memref<128x16xf32, #tpu.memory_space<vmem_shared>>
      tpu.enqueue_dma source(%arg6 : memref<128x16xf32, #tpu.memory_space<vmem>>) target(%dma_start3A_54 : memref<128x16xf32, #tpu.memory_space<vmem_shared>>) target_semaphore(%run_scoped3A : memref<!tpu.dma_semaphore, #tpu.memory_space<semaphore_mem>>)
      %dma_wait3A_55 = arith.constant 0 : i32
      %dma_wait3A_56 = tpu.memref_slice %arg7[%add3A_24, %dma_wait3A_55] : memref<10240x16xf32, #tpu.memory_space<vmem_shared>> -> memref<128x16xf32, #tpu.memory_space<vmem_shared>>
      %dma_wait3A_57 = arith.constant 0 : i32
      %dma_wait3A_58 = tpu.memref_slice %arg7[%add3A_24, %dma_wait3A_57] : memref<10240x16xf32, #tpu.memory_space<vmem_shared>> -> memref<128x16xf32, #tpu.memory_space<vmem_shared>>
      tpu.wait_dma2 semaphore(%run_scoped3A : memref<!tpu.dma_semaphore, #tpu.memory_space<semaphore_mem>>) src(%arg6 : memref<128x16xf32, #tpu.memory_space<vmem>>) dst(%dma_wait3A_58 : memref<128x16xf32, #tpu.memory_space<vmem_shared>>)
      tpu.yield
    }) : () -> ()
    %mul3A_25 = arith.constant 640 : i32
    %mul3A_26 = arith.muli %arg1, %mul3A_25 : i32
    %add3A_27 = arith.constant 512 : i32
    %add3A_28 = arith.addi %mul3A_26, %add3A_27 : i32
    "tpu.region"() ({
      %run_scoped3A = tpu.sem_alloc : memref<!tpu.dma_semaphore, #tpu.memory_space<semaphore_mem>>
      %dma_start3A_51 = arith.constant 0 : i32
      %dma_start3A_52 = tpu.memref_slice %arg7[%add3A_28, %dma_start3A_51] : memref<10240x16xf32, #tpu.memory_space<vmem_shared>> -> memref<128x16xf32, #tpu.memory_space<vmem_shared>>
      %dma_start3A_53 = arith.constant 0 : i32
      %dma_start3A_54 = tpu.memref_slice %arg7[%add3A_28, %dma_start3A_53] : memref<10240x16xf32, #tpu.memory_space<vmem_shared>> -> memref<128x16xf32, #tpu.memory_space<vmem_shared>>
      tpu.enqueue_dma source(%arg6 : memref<128x16xf32, #tpu.memory_space<vmem>>) target(%dma_start3A_54 : memref<128x16xf32, #tpu.memory_space<vmem_shared>>) target_semaphore(%run_scoped3A : memref<!tpu.dma_semaphore, #tpu.memory_space<semaphore_mem>>)
      %dma_wait3A_55 = arith.constant 0 : i32
      %dma_wait3A_56 = tpu.memref_slice %arg7[%add3A_28, %dma_wait3A_55] : memref<10240x16xf32, #tpu.memory_space<vmem_shared>> -> memref<128x16xf32, #tpu.memory_space<vmem_shared>>
      %dma_wait3A_57 = arith.constant 0 : i32
      %dma_wait3A_58 = tpu.memref_slice %arg7[%add3A_28, %dma_wait3A_57] : memref<10240x16xf32, #tpu.memory_space<vmem_shared>> -> memref<128x16xf32, #tpu.memory_space<vmem_shared>>
      tpu.wait_dma2 semaphore(%run_scoped3A : memref<!tpu.dma_semaphore, #tpu.memory_space<semaphore_mem>>) src(%arg6 : memref<128x16xf32, #tpu.memory_space<vmem>>) dst(%dma_wait3A_58 : memref<128x16xf32, #tpu.memory_space<vmem_shared>>)
      tpu.yield
    }) : () -> ()
    %scan3A_29 = arith.constant 0 : i32
    %scan3A_30 = arith.constant 125 : i32
    %scan3A_31 = arith.addi %scan3A_29, %scan3A_30 : i32
    %scan3A_32 = arith.constant 1 : i32
    scf.for %scan3A_51 = %scan3A_29 to %scan3A_31 step %scan3A_32  : i32 {
      %broadcast_in_dim3A = arith.constant 1.000000e+00 : f32
      %broadcast_in_dim3A_52 = vector.broadcast %broadcast_in_dim3A : f32 to vector<16xf32>
      %swap3A = arith.index_cast %scan3A_51 : i32 to index
      %swap3A_53 = arith.constant 0 : index
      %swap3A_54 = tpu.vector_load %arg5[%swap3A, %swap3A_53] {strides = array<i32>} : memref<125x16xf32, #tpu.memory_space<vmem>>, vector<1x16xf32>,
      %swap3A_55 = vector.shape_cast %swap3A_54 : vector<1x16xf32> to vector<16xf32>
      %swap3A_56 = vector.shape_cast %broadcast_in_dim3A_52 : vector<16xf32> to vector<1x16xf32>
      tpu.vector_store %arg5[%swap3A, %swap3A_53], %swap3A_56 {strides = array<i32>} : memref<125x16xf32, #tpu.memory_space<vmem>>, vector<1x16xf32>,
    }
    %scan3A_33 = arith.constant 125 : i32
    %dma_wait3A = arith.constant 0 : i32
    %dma_wait3A_34 = arith.constant 0 : i32
    %dma_wait3A_35 = tpu.memref_slice %arg2[%arg1, %dma_wait3A, %dma_wait3A_34] : memref<16x160x125xi32, #tpu.memory_space<hbm>> -> memref<1x160x125xi32, #tpu.memory_space<hbm>>
    %dma_wait3A_36 = tpu.memref_squeeze %dma_wait3A_35 : memref<1x160x125xi32, #tpu.memory_space<hbm>> -> memref<160x125xi32, #tpu.memory_space<hbm>>
    %dma_wait3A_37 = arith.constant 0 : i32
    %dma_wait3A_38 = arith.constant 0 : i32
    %dma_wait3A_39 = tpu.memref_slice %arg2[%arg1, %dma_wait3A_37, %dma_wait3A_38] : memref<16x160x125xi32, #tpu.memory_space<hbm>> -> memref<1x160x125xi32, #tpu.memory_space<hbm>>
    %dma_wait3A_40 = tpu.memref_squeeze %dma_wait3A_39 : memref<1x160x125xi32, #tpu.memory_space<hbm>> -> memref<160x125xi32, #tpu.memory_space<hbm>>
    tpu.wait_dma2 semaphore(%arg8 : memref<!tpu.dma_semaphore, #tpu.memory_space<semaphore_mem>>) src(%dma_wait3A_40 : memref<160x125xi32, #tpu.memory_space<hbm>>) dst(%arg4 : memref<160x125xi32, #tpu.memory_space<vmem>>)
    %barrier3A = arith.constant 0 : index
    tpu.barrier barrier_id(%barrier3A)
    %scan3A_41 = arith.constant 0 : i32
    %scan3A_42 = arith.constant 80 : i32
    %scan3A_43 = arith.addi %scan3A_41, %scan3A_42 : i32
    %scan3A_44 = arith.constant 1 : i32
    scf.for %scan3A_51 = %scan3A_41 to %scan3A_43 step %scan3A_44  : i32 {
      %mul3A_52 = arith.constant 2 : i32
      %mul3A_53 = arith.muli %mul3A_52, %scan3A_51 : i32
      %add3A_54 = arith.addi %mul3A_53, %arg0 : i32
      %dma_start3A_55 = arith.constant 0 : i32
      %dma_start3A_56 = tpu.memref_slice %arg4[%add3A_54, %dma_start3A_55] : memref<160x125xi32, #tpu.memory_space<vmem>> -> memref<1x125xi32, #tpu.memory_space<vmem>>
      %dma_start3A_57 = tpu.memref_squeeze %dma_start3A_56 : memref<1x125xi32, #tpu.memory_space<vmem>> -> memref<125xi32, #tpu.memory_space<vmem>>
      %dma_start3A_58 = arith.constant 0 : i32
      %dma_start3A_59 = arith.constant 0 : i32
      %dma_start3A_60 = tpu.memref_slice %arg7[%dma_start3A_58, %dma_start3A_59] : memref<10240x16xf32, #tpu.memory_space<vmem_shared>> -> memref<10240x16xf32, #tpu.memory_space<vmem_shared>>
      tpu.enqueue_indirect_dma source(%arg5 : memref<125x16xf32, #tpu.memory_space<vmem>>) target(%dma_start3A_60 : memref<10240x16xf32, #tpu.memory_space<vmem_shared>>) offsets(%dma_start3A_57 : memref<125xi32, #tpu.memory_space<vmem>>) semaphore(%arg9 : memref<!tpu.dma_semaphore, #tpu.memory_space<semaphore_mem>>) {add = true}
      %dma_wait3A_61 = arith.constant 0 : i32
      %dma_wait3A_62 = tpu.memref_slice %arg4[%add3A_54, %dma_wait3A_61] : memref<160x125xi32, #tpu.memory_space<vmem>> -> memref<1x125xi32, #tpu.memory_space<vmem>>
      %dma_wait3A_63 = tpu.memref_squeeze %dma_wait3A_62 : memref<1x125xi32, #tpu.memory_space<vmem>> -> memref<125xi32, #tpu.memory_space<vmem>>
      %dma_wait3A_64 = arith.constant 0 : i32
      %dma_wait3A_65 = arith.constant 0 : i32
      %dma_wait3A_66 = tpu.memref_slice %arg7[%dma_wait3A_64, %dma_wait3A_65] : memref<10240x16xf32, #tpu.memory_space<vmem_shared>> -> memref<10240x16xf32, #tpu.memory_space<vmem_shared>>
      tpu.wait_indirect_dma semaphore(%arg9 : memref<!tpu.dma_semaphore, #tpu.memory_space<semaphore_mem>>) src(%arg5 : memref<125x16xf32, #tpu.memory_space<vmem>>) dst(%dma_wait3A_66 : memref<10240x16xf32, #tpu.memory_space<vmem_shared>>)
    }
    %scan3A_45 = arith.constant 80 : i32
    %barrier3A_46 = arith.constant 0 : index
    tpu.barrier barrier_id(%barrier3A_46)
    %mul3A_47 = arith.constant 640 : i32
    %mul3A_48 = arith.muli %arg1, %mul3A_47 : i32
    %mul3A_49 = arith.constant 640 : i32
    %mul3A_50 = arith.muli %arg1, %mul3A_49 : i32
    "tpu.region"() ({
      %run_scoped3A = tpu.sem_alloc : memref<!tpu.dma_semaphore, #tpu.memory_space<semaphore_mem>>
      %dma_start3A_51 = arith.constant 0 : i32
      %dma_start3A_52 = tpu.memref_slice %arg3[%arg0, %mul3A_50, %dma_start3A_51] : memref<2x10240x16xf32, #tpu.memory_space<hbm>> -> memref<1x640x16xf32, #tpu.memory_space<hbm>>
      %dma_start3A_53 = tpu.memref_squeeze %dma_start3A_52 : memref<1x640x16xf32, #tpu.memory_space<hbm>> -> memref<640x16xf32, #tpu.memory_space<hbm>>
      %dma_start3A_54 = arith.constant 0 : i32
      %dma_start3A_55 = tpu.memref_slice %arg7[%mul3A_48, %dma_start3A_54] : memref<10240x16xf32, #tpu.memory_space<vmem_shared>> -> memref<640x16xf32, #tpu.memory_space<vmem_shared>>
      tpu.enqueue_dma source(%dma_start3A_55 : memref<640x16xf32, #tpu.memory_space<vmem_shared>>) target(%dma_start3A_53 : memref<640x16xf32, #tpu.memory_space<hbm>>) target_semaphore(%run_scoped3A : memref<!tpu.dma_semaphore, #tpu.memory_space<semaphore_mem>>)
      %dma_wait3A_56 = arith.constant 0 : i32
      %dma_wait3A_57 = tpu.memref_slice %arg3[%arg0, %mul3A_50, %dma_wait3A_56] : memref<2x10240x16xf32, #tpu.memory_space<hbm>> -> memref<1x640x16xf32, #tpu.memory_space<hbm>>
      %dma_wait3A_58 = tpu.memref_squeeze %dma_wait3A_57 : memref<1x640x16xf32, #tpu.memory_space<hbm>> -> memref<640x16xf32, #tpu.memory_space<hbm>>
      %dma_wait3A_59 = arith.constant 0 : i32
      %dma_wait3A_60 = tpu.memref_slice %arg7[%mul3A_48, %dma_wait3A_59] : memref<10240x16xf32, #tpu.memory_space<vmem_shared>> -> memref<640x16xf32, #tpu.memory_space<vmem_shared>>
      tpu.wait_dma2 semaphore(%run_scoped3A : memref<!tpu.dma_semaphore, #tpu.memory_space<semaphore_mem>>) src(%dma_wait3A_60 : memref<640x16xf32, #tpu.memory_space<vmem_shared>>) dst(%dma_wait3A_58 : memref<640x16xf32, #tpu.memory_space<hbm>>)
      tpu.yield
    }) : () -> ()
    return
  }
}

module attributes {stable_mosaic.version = 14 : i64} {
  func.func @_tc_emb(%arg0: memref<10000x128xf32, #tpu.memory_space<vmem>>, %arg1: memref<128x128xf32, #tpu.memory_space<vmem>>, %arg2: memref<1x128xf32, #tpu.memory_space<vmem>>, %arg3: memref<128x128xf32, #tpu.memory_space<vmem>>, %arg4: memref<2x10000x64xf32, #tpu.memory_space<vmem>>, %arg5: memref<10000x128xf32, #tpu.memory_space<vmem>>) attributes {dimension_semantics = [], scalar_prefetch = 0 : i64, scratch_operands = 0 : i64, tpu.core_type = #tpu.core_type<tc>} {
    %get3A = arith.constant 0 : index
    %get3A_0 = arith.constant 0 : index
    %get3A_1 = vector.load %arg0[%get3A, %get3A_0] : memref<10000x128xf32, #tpu.memory_space<vmem>>, vector<10000x128xf32>
    %get3A_2 = arith.constant 0 : index
    %get3A_3 = arith.constant 0 : index
    %get3A_4 = vector.load %arg1[%get3A_2, %get3A_3] : memref<128x128xf32, #tpu.memory_space<vmem>>, vector<128x128xf32>
    %dot_general3A = arith.constant dense<0.000000e+00> : vector<10000x128xf32>
    %dot_general3A_5 = tpu.matmul %get3A_1, %get3A_4, %dot_general3A {dimension_numbers = #tpu.dot_dimension_numbers<[1], [0], [0], [1], [0, 0, 1, 1], [], []>, transpose_lhs_hint = false} : vector<10000x128xf32>, vector<128x128xf32>, vector<10000x128xf32> -> vector<10000x128xf32>
    %get3A_6 = arith.constant 0 : index
    %get3A_7 = arith.constant 0 : index
    %get3A_8 = vector.load %arg2[%get3A_6, %get3A_7] : memref<1x128xf32, #tpu.memory_space<vmem>>, vector<1x128xf32>
    %add3A = vector.broadcast %get3A_8 : vector<1x128xf32> to vector<10000x128xf32>
    %add3A_9 = arith.addf %dot_general3A_5, %add3A : vector<10000x128xf32>
    %slice3A = vector.extract_strided_slice %add3A_9 {offsets = [0, 0], sizes = [10000, 64], strides = [1, 1]} : vector<10000x128xf32> to vector<10000x64xf32>
    %swap3A = arith.constant 0 : index
    %swap3A_10 = arith.constant 0 : index
    %swap3A_11 = arith.constant 0 : index
    %swap3A_12 = vector.load %arg4[%swap3A, %swap3A_10, %swap3A_11] : memref<2x10000x64xf32, #tpu.memory_space<vmem>>, vector<1x10000x64xf32>
    %swap3A_13 = vector.shape_cast %swap3A_12 : vector<1x10000x64xf32> to vector<10000x64xf32>
    %swap3A_14 = vector.shape_cast %slice3A : vector<10000x64xf32> to vector<1x10000x64xf32>
    tpu.vector_store %arg4[%swap3A, %swap3A_10, %swap3A_11], %swap3A_14 {strides = array<i32>} : memref<2x10000x64xf32, #tpu.memory_space<vmem>>, vector<1x10000x64xf32>,
    %slice3A_15 = vector.extract_strided_slice %add3A_9 {offsets = [0, 64], sizes = [10000, 64], strides = [1, 1]} : vector<10000x128xf32> to vector<10000x64xf32>
    %swap3A_16 = arith.constant 1 : index
    %swap3A_17 = arith.constant 0 : index
    %swap3A_18 = arith.constant 0 : index
    %swap3A_19 = vector.load %arg4[%swap3A_16, %swap3A_17, %swap3A_18] : memref<2x10000x64xf32, #tpu.memory_space<vmem>>, vector<1x10000x64xf32>
    %swap3A_20 = vector.shape_cast %swap3A_19 : vector<1x10000x64xf32> to vector<10000x64xf32>
    %swap3A_21 = vector.shape_cast %slice3A_15 : vector<10000x64xf32> to vector<1x10000x64xf32>
    tpu.vector_store %arg4[%swap3A_16, %swap3A_17, %swap3A_18], %swap3A_21 {strides = array<i32>} : memref<2x10000x64xf32, #tpu.memory_space<vmem>>, vector<1x10000x64xf32>,
    %get3A_22 = arith.constant 0 : index
    %get3A_23 = arith.constant 0 : index
    %get3A_24 = vector.load %arg3[%get3A_22, %get3A_23] : memref<128x128xf32, #tpu.memory_space<vmem>>, vector<128x128xf32>
    %dot_general3A_25 = arith.constant dense<0.000000e+00> : vector<10000x128xf32>
    %dot_general3A_26 = tpu.matmul %add3A_9, %get3A_24, %dot_general3A_25 {dimension_numbers = #tpu.dot_dimension_numbers<[1], [0], [0], [1], [0, 0, 1, 1], [], []>, transpose_lhs_hint = false} : vector<10000x128xf32>, vector<128x128xf32>, vector<10000x128xf32> -> vector<10000x128xf32>
    %swap3A_27 = arith.constant 0 : index
    %swap3A_28 = arith.constant 0 : index
    %swap3A_29 = vector.load %arg5[%swap3A_27, %swap3A_28] : memref<10000x128xf32, #tpu.memory_space<vmem>>, vector<10000x128xf32>
    tpu.vector_store %arg5[%swap3A_27, %swap3A_28], %dot_general3A_26 {strides = array<i32>} : memref<10000x128xf32, #tpu.memory_space<vmem>>, vector<10000x128xf32>,
    return
  }
}

module attributes {stable_mosaic.version = 14 : i64} {
  func.func @_tc_layer(%arg0: memref<2x10240x64xf32, #tpu.memory_space<vmem>>, %arg1: memref<2x10240x16xf32, #tpu.memory_space<vmem>>, %arg2: memref<10000x128xf32, #tpu.memory_space<vmem>>, %arg3: memref<128x128xf32, #tpu.memory_space<vmem>>, %arg4: memref<1x128xf32, #tpu.memory_space<vmem>>, %arg5: memref<128x128xf32, #tpu.memory_space<vmem>>, %arg6: memref<2x10000x64xf32, #tpu.memory_space<vmem>>, %arg7: memref<10000x128xf32, #tpu.memory_space<vmem>>) attributes {dimension_semantics = [], scalar_prefetch = 0 : i64, scratch_operands = 0 : i64, tpu.core_type = #tpu.core_type<tc>} {
    %get3A = arith.constant 0 : index
    %get3A_0 = arith.constant 0 : index
    %get3A_1 = arith.constant 0 : index
    %get3A_2 = vector.load %arg0[%get3A, %get3A_0, %get3A_1] : memref<2x10240x64xf32, #tpu.memory_space<vmem>>, vector<1x10000x64xf32>
    %get3A_3 = vector.shape_cast %get3A_2 : vector<1x10000x64xf32> to vector<10000x64xf32>
    %get3A_4 = arith.constant 1 : index
    %get3A_5 = arith.constant 0 : index
    %get3A_6 = arith.constant 0 : index
    %get3A_7 = vector.load %arg0[%get3A_4, %get3A_5, %get3A_6] : memref<2x10240x64xf32, #tpu.memory_space<vmem>>, vector<1x10000x64xf32>
    %get3A_8 = vector.shape_cast %get3A_7 : vector<1x10000x64xf32> to vector<10000x64xf32>
    %concatenate3A = tpu.concatenate %get3A_3, %get3A_8 in 1 : vector<10000x64xf32>, vector<10000x64xf32> -> vector<10000x128xf32>
    %get3A_9 = arith.constant 0 : index
    %get3A_10 = arith.constant 0 : index
    %get3A_11 = arith.constant 0 : index
    %get3A_12 = vector.load %arg1[%get3A_9, %get3A_10, %get3A_11] : memref<2x10240x16xf32, #tpu.memory_space<vmem>>, vector<1x10000x1xf32>
    %get3A_13 = vector.shape_cast %get3A_12 : vector<1x10000x1xf32> to vector<10000x1xf32>
    %get3A_14 = arith.constant 1 : index
    %get3A_15 = arith.constant 0 : index
    %get3A_16 = arith.constant 0 : index
    %get3A_17 = vector.load %arg1[%get3A_14, %get3A_15, %get3A_16] : memref<2x10240x16xf32, #tpu.memory_space<vmem>>, vector<1x10000x1xf32>
    %get3A_18 = vector.shape_cast %get3A_17 : vector<1x10000x1xf32> to vector<10000x1xf32>
    %add3A = arith.addf %get3A_13, %get3A_18 : vector<10000x1xf32>
    %max3A = arith.constant 1.000000e+00 : f32
    %max3A_19 = vector.broadcast %max3A : f32 to vector<10000x1xf32>
    %max3A_20 = arith.maximumf %add3A, %max3A_19 : vector<10000x1xf32>
    %div3A = vector.broadcast %max3A_20 : vector<10000x1xf32> to vector<10000x128xf32>
    %div3A_21 = arith.divf %concatenate3A, %div3A : vector<10000x128xf32>
    %get3A_22 = arith.constant 0 : index
    %get3A_23 = arith.constant 0 : index
    %get3A_24 = vector.load %arg3[%get3A_22, %get3A_23] : memref<128x128xf32, #tpu.memory_space<vmem>>, vector<128x128xf32>
    %dot_general3A = arith.constant dense<0.000000e+00> : vector<10000x128xf32>
    %dot_general3A_25 = tpu.matmul %div3A_21, %get3A_24, %dot_general3A {dimension_numbers = #tpu.dot_dimension_numbers<[1], [0], [0], [1], [0, 0, 1, 1], [], []>, transpose_lhs_hint = false} : vector<10000x128xf32>, vector<128x128xf32>, vector<10000x128xf32> -> vector<10000x128xf32>
    %get3A_26 = arith.constant 0 : index
    %get3A_27 = arith.constant 0 : index
    %get3A_28 = vector.load %arg4[%get3A_26, %get3A_27] : memref<1x128xf32, #tpu.memory_space<vmem>>, vector<1x128xf32>
    %add3A_29 = vector.broadcast %get3A_28 : vector<1x128xf32> to vector<10000x128xf32>
    %add3A_30 = arith.addf %dot_general3A_25, %add3A_29 : vector<10000x128xf32>
    %get3A_31 = arith.constant 0 : index
    %get3A_32 = arith.constant 0 : index
    %get3A_33 = vector.load %arg2[%get3A_31, %get3A_32] : memref<10000x128xf32, #tpu.memory_space<vmem>>, vector<10000x128xf32>
    %add3A_34 = arith.addf %add3A_30, %get3A_33 : vector<10000x128xf32>
    %max3A_35 = arith.constant 0.000000e+00 : f32
    %max3A_36 = vector.broadcast %max3A_35 : f32 to vector<10000x128xf32>
    %max3A_37 = arith.maximumf %add3A_34, %max3A_36 : vector<10000x128xf32>
    %slice3A = vector.extract_strided_slice %max3A_37 {offsets = [0, 0], sizes = [10000, 64], strides = [1, 1]} : vector<10000x128xf32> to vector<10000x64xf32>
    %swap3A = arith.constant 0 : index
    %swap3A_38 = arith.constant 0 : index
    %swap3A_39 = arith.constant 0 : index
    %swap3A_40 = vector.load %arg6[%swap3A, %swap3A_38, %swap3A_39] : memref<2x10000x64xf32, #tpu.memory_space<vmem>>, vector<1x10000x64xf32>
    %swap3A_41 = vector.shape_cast %swap3A_40 : vector<1x10000x64xf32> to vector<10000x64xf32>
    %swap3A_42 = vector.shape_cast %slice3A : vector<10000x64xf32> to vector<1x10000x64xf32>
    tpu.vector_store %arg6[%swap3A, %swap3A_38, %swap3A_39], %swap3A_42 {strides = array<i32>} : memref<2x10000x64xf32, #tpu.memory_space<vmem>>, vector<1x10000x64xf32>,
    %slice3A_43 = vector.extract_strided_slice %max3A_37 {offsets = [0, 64], sizes = [10000, 64], strides = [1, 1]} : vector<10000x128xf32> to vector<10000x64xf32>
    %swap3A_44 = arith.constant 1 : index
    %swap3A_45 = arith.constant 0 : index
    %swap3A_46 = arith.constant 0 : index
    %swap3A_47 = vector.load %arg6[%swap3A_44, %swap3A_45, %swap3A_46] : memref<2x10000x64xf32, #tpu.memory_space<vmem>>, vector<1x10000x64xf32>
    %swap3A_48 = vector.shape_cast %swap3A_47 : vector<1x10000x64xf32> to vector<10000x64xf32>
    %swap3A_49 = vector.shape_cast %slice3A_43 : vector<10000x64xf32> to vector<1x10000x64xf32>
    tpu.vector_store %arg6[%swap3A_44, %swap3A_45, %swap3A_46], %swap3A_49 {strides = array<i32>} : memref<2x10000x64xf32, #tpu.memory_space<vmem>>, vector<1x10000x64xf32>,
    %get3A_50 = arith.constant 0 : index
    %get3A_51 = arith.constant 0 : index
    %get3A_52 = vector.load %arg5[%get3A_50, %get3A_51] : memref<128x128xf32, #tpu.memory_space<vmem>>, vector<128x128xf32>
    %dot_general3A_53 = arith.constant dense<0.000000e+00> : vector<10000x128xf32>
    %dot_general3A_54 = tpu.matmul %max3A_37, %get3A_52, %dot_general3A_53 {dimension_numbers = #tpu.dot_dimension_numbers<[1], [0], [0], [1], [0, 0, 1, 1], [], []>, transpose_lhs_hint = false} : vector<10000x128xf32>, vector<128x128xf32>, vector<10000x128xf32> -> vector<10000x128xf32>
    %swap3A_55 = arith.constant 0 : index
    %swap3A_56 = arith.constant 0 : index
    %swap3A_57 = vector.load %arg7[%swap3A_55, %swap3A_56] : memref<10000x128xf32, #tpu.memory_space<vmem>>, vector<10000x128xf32>
    tpu.vector_store %arg7[%swap3A_55, %swap3A_56], %dot_general3A_54 {strides = array<i32>} : memref<10000x128xf32, #tpu.memory_space<vmem>>, vector<10000x128xf32>,
    return
  }
}

module attributes {stable_mosaic.version = 14 : i64} {
  func.func @_tc_final(%arg0: memref<2x10240x64xf32, #tpu.memory_space<vmem>>, %arg1: memref<2x10240x16xf32, #tpu.memory_space<vmem>>, %arg2: memref<10000x128xf32, #tpu.memory_space<vmem>>, %arg3: memref<128x128xf32, #tpu.memory_space<vmem>>, %arg4: memref<1x128xf32, #tpu.memory_space<vmem>>, %arg5: memref<128x1xf32, #tpu.memory_space<vmem>>, %arg6: memref<1x1xf32, #tpu.memory_space<vmem>>, %arg7: memref<128x128xf32, #tpu.memory_space<vmem>>, %arg8: memref<1x128xf32, #tpu.memory_space<vmem>>, %arg9: memref<10000x1xi32, #tpu.memory_space<vmem>>, %arg10: memref<16x128xf32, #tpu.memory_space<vmem>>) attributes {dimension_semantics = [], scalar_prefetch = 0 : i64, scratch_operands = 0 : i64, tpu.core_type = #tpu.core_type<tc>} {
    %get3A = arith.constant 0 : index
    %get3A_0 = arith.constant 0 : index
    %get3A_1 = arith.constant 0 : index
    %get3A_2 = vector.load %arg0[%get3A, %get3A_0, %get3A_1] : memref<2x10240x64xf32, #tpu.memory_space<vmem>>, vector<1x10000x64xf32>
    %get3A_3 = vector.shape_cast %get3A_2 : vector<1x10000x64xf32> to vector<10000x64xf32>
    %get3A_4 = arith.constant 1 : index
    %get3A_5 = arith.constant 0 : index
    %get3A_6 = arith.constant 0 : index
    %get3A_7 = vector.load %arg0[%get3A_4, %get3A_5, %get3A_6] : memref<2x10240x64xf32, #tpu.memory_space<vmem>>, vector<1x10000x64xf32>
    %get3A_8 = vector.shape_cast %get3A_7 : vector<1x10000x64xf32> to vector<10000x64xf32>
    %concatenate3A = tpu.concatenate %get3A_3, %get3A_8 in 1 : vector<10000x64xf32>, vector<10000x64xf32> -> vector<10000x128xf32>
    %get3A_9 = arith.constant 0 : index
    %get3A_10 = arith.constant 0 : index
    %get3A_11 = arith.constant 0 : index
    %get3A_12 = vector.load %arg1[%get3A_9, %get3A_10, %get3A_11] : memref<2x10240x16xf32, #tpu.memory_space<vmem>>, vector<1x10000x1xf32>
    %get3A_13 = vector.shape_cast %get3A_12 : vector<1x10000x1xf32> to vector<10000x1xf32>
    %get3A_14 = arith.constant 1 : index
    %get3A_15 = arith.constant 0 : index
    %get3A_16 = arith.constant 0 : index
    %get3A_17 = vector.load %arg1[%get3A_14, %get3A_15, %get3A_16] : memref<2x10240x16xf32, #tpu.memory_space<vmem>>, vector<1x10000x1xf32>
    %get3A_18 = vector.shape_cast %get3A_17 : vector<1x10000x1xf32> to vector<10000x1xf32>
    %add3A = arith.addf %get3A_13, %get3A_18 : vector<10000x1xf32>
    %max3A = arith.constant 1.000000e+00 : f32
    %max3A_19 = vector.broadcast %max3A : f32 to vector<10000x1xf32>
    %max3A_20 = arith.maximumf %add3A, %max3A_19 : vector<10000x1xf32>
    %div3A = vector.broadcast %max3A_20 : vector<10000x1xf32> to vector<10000x128xf32>
    %div3A_21 = arith.divf %concatenate3A, %div3A : vector<10000x128xf32>
    %get3A_22 = arith.constant 0 : index
    %get3A_23 = arith.constant 0 : index
    %get3A_24 = vector.load %arg3[%get3A_22, %get3A_23] : memref<128x128xf32, #tpu.memory_space<vmem>>, vector<128x128xf32>
    %dot_general3A = arith.constant dense<0.000000e+00> : vector<10000x128xf32>
    %dot_general3A_25 = tpu.matmul %div3A_21, %get3A_24, %dot_general3A {dimension_numbers = #tpu.dot_dimension_numbers<[1], [0], [0], [1], [0, 0, 1, 1], [], []>, transpose_lhs_hint = false} : vector<10000x128xf32>, vector<128x128xf32>, vector<10000x128xf32> -> vector<10000x128xf32>
    %get3A_26 = arith.constant 0 : index
    %get3A_27 = arith.constant 0 : index
    %get3A_28 = vector.load %arg4[%get3A_26, %get3A_27] : memref<1x128xf32, #tpu.memory_space<vmem>>, vector<1x128xf32>
    %add3A_29 = vector.broadcast %get3A_28 : vector<1x128xf32> to vector<10000x128xf32>
    %add3A_30 = arith.addf %dot_general3A_25, %add3A_29 : vector<10000x128xf32>
    %get3A_31 = arith.constant 0 : index
    %get3A_32 = arith.constant 0 : index
    %get3A_33 = vector.load %arg2[%get3A_31, %get3A_32] : memref<10000x128xf32, #tpu.memory_space<vmem>>, vector<10000x128xf32>
    %add3A_34 = arith.addf %add3A_30, %get3A_33 : vector<10000x128xf32>
    %max3A_35 = arith.constant 0.000000e+00 : f32
    %max3A_36 = vector.broadcast %max3A_35 : f32 to vector<10000x128xf32>
    %max3A_37 = arith.maximumf %add3A_34, %max3A_36 : vector<10000x128xf32>
    %get3A_38 = arith.constant 0 : index
    %get3A_39 = arith.constant 0 : index
    %get3A_40 = vector.load %arg5[%get3A_38, %get3A_39] : memref<128x1xf32, #tpu.memory_space<vmem>>, vector<128x1xf32>
    %dot_general3A_41 = arith.constant dense<0.000000e+00> : vector<10000x1xf32>
    %dot_general3A_42 = tpu.matmul %max3A_37, %get3A_40, %dot_general3A_41 {dimension_numbers = #tpu.dot_dimension_numbers<[1], [0], [0], [1], [0, 0, 1, 1], [], []>, transpose_lhs_hint = false} : vector<10000x128xf32>, vector<128x1xf32>, vector<10000x1xf32> -> vector<10000x1xf32>
    %get3A_43 = arith.constant 0 : index
    %get3A_44 = arith.constant 0 : index
    %get3A_45 = vector.load %arg6[%get3A_43, %get3A_44] : memref<1x1xf32, #tpu.memory_space<vmem>>, vector<1x1xf32>
    %add3A_46 = vector.broadcast %get3A_45 : vector<1x1xf32> to vector<10000x1xf32>
    %add3A_47 = arith.addf %dot_general3A_42, %add3A_46 : vector<10000x1xf32>
    %reduce_max3A = vector.shape_cast %add3A_47 : vector<10000x1xf32> to vector<1x10000x1xf32>
    %reduce_max3A_48 = arith.constant dense<0xFF800000> : vector<1xf32>
    %reduce_max3A_49 = vector.multi_reduction <maximumf>, %reduce_max3A, %reduce_max3A_48 [1, 2] : vector<1x10000x1xf32> to vector<1xf32>
    %reduce_max3A_50 = vector.shape_cast %reduce_max3A_49 : vector<1xf32> to vector<1x1x1xf32>
    %reduce_max3A_51 = vector.extract %reduce_max3A_50[0, 0, 0] : f32 from vector<1x1x1xf32>
    %sub3A = vector.broadcast %reduce_max3A_51 : f32 to vector<10000x1xf32>
    %sub3A_52 = arith.subf %add3A_47, %sub3A : vector<10000x1xf32>
    %exp3A = math.exp %sub3A_52 : vector<10000x1xf32>
    %reduce_sum3A = vector.shape_cast %exp3A : vector<10000x1xf32> to vector<1x10000x1xf32>
    %reduce_sum3A_53 = arith.constant dense<0.000000e+00> : vector<1xf32>
    %reduce_sum3A_54 = vector.multi_reduction <add>, %reduce_sum3A, %reduce_sum3A_53 [1, 2] : vector<1x10000x1xf32> to vector<1xf32>
    %reduce_sum3A_55 = vector.shape_cast %reduce_sum3A_54 : vector<1xf32> to vector<1x1x1xf32>
    %reduce_sum3A_56 = vector.extract %reduce_sum3A_55[0, 0, 0] : f32 from vector<1x1x1xf32>
    %div3A_57 = vector.broadcast %reduce_sum3A_56 : f32 to vector<10000x1xf32>
    %div3A_58 = arith.divf %exp3A, %div3A_57 : vector<10000x1xf32>
    %mul3A = vector.broadcast %div3A_58 : vector<10000x1xf32> to vector<10000x128xf32>
    %mul3A_59 = arith.mulf %max3A_37, %mul3A : vector<10000x128xf32>
    %iota3A = tpu.iota {dimensions = array<i32: 1>} : vector<10000x16xi32>
    %get3A_60 = arith.constant 0 : index
    %get3A_61 = arith.constant 0 : index
    %get3A_62 = vector.load %arg9[%get3A_60, %get3A_61] : memref<10000x1xi32, #tpu.memory_space<vmem>>, vector<10000x1xi32>
    %eq3A = vector.broadcast %get3A_62 : vector<10000x1xi32> to vector<10000x16xi32>
    %eq3A_63 = arith.cmpi eq, %iota3A, %eq3A : vector<10000x16xi32>
    %convert_element_type3A = arith.extui %eq3A_63 : vector<10000x16xi1> to vector<10000x16xi32>
    %convert_element_type3A_64 = arith.sitofp %convert_element_type3A : vector<10000x16xi32> to vector<10000x16xf32>
    %dot_general3A_65 = arith.constant dense<0.000000e+00> : vector<16x128xf32>
    %dot_general3A_66 = tpu.matmul %convert_element_type3A_64, %mul3A_59, %dot_general3A_65 {dimension_numbers = #tpu.dot_dimension_numbers<[0], [0], [1], [1], [0, 1, 1, 1], [], []>, transpose_lhs_hint = false} : vector<10000x16xf32>, vector<10000x128xf32>, vector<16x128xf32> -> vector<16x128xf32>
    %get3A_67 = arith.constant 0 : index
    %get3A_68 = arith.constant 0 : index
    %get3A_69 = vector.load %arg7[%get3A_67, %get3A_68] : memref<128x128xf32, #tpu.memory_space<vmem>>, vector<128x128xf32>
    %dot_general3A_70 = arith.constant dense<0.000000e+00> : vector<16x128xf32>
    %dot_general3A_71 = tpu.matmul %dot_general3A_66, %get3A_69, %dot_general3A_70 {dimension_numbers = #tpu.dot_dimension_numbers<[1], [0], [0], [1], [0, 0, 1, 1], [], []>, transpose_lhs_hint = false} : vector<16x128xf32>, vector<128x128xf32>, vector<16x128xf32> -> vector<16x128xf32>
    %get3A_72 = arith.constant 0 : index
    %get3A_73 = arith.constant 0 : index
    %get3A_74 = vector.load %arg8[%get3A_72, %get3A_73] : memref<1x128xf32, #tpu.memory_space<vmem>>, vector<1x128xf32>
    %add3A_75 = vector.broadcast %get3A_74 : vector<1x128xf32> to vector<16x128xf32>
    %add3A_76 = arith.addf %dot_general3A_71, %add3A_75 : vector<16x128xf32>
    %swap3A = arith.constant 0 : index
    %swap3A_77 = arith.constant 0 : index
    %swap3A_78 = vector.load %arg10[%swap3A, %swap3A_77] : memref<16x128xf32, #tpu.memory_space<vmem>>, vector<16x128xf32>
    tpu.vector_store %arg10[%swap3A, %swap3A_77], %add3A_76 {strides = array<i32>} : memref<16x128xf32, #tpu.memory_space<vmem>>, vector<16x128xf32>,
    return
  }
}

</mosaic_0001>

<sc_bundles>
// kernel: kernel.11.cloned.1.call-start
scs
__scs_entry_jumppad:
0x0: {  	(pc) =	sbr.rel $0x88, $3  }
0x1: {  	(tag) =	ssettag $0x0;
	lr =	simm.s32 $0x1  }
0x2: {  	[smem:$0x3F92] =	sst lr;
	_ =	strace $0xD0000000  }
0x3: {  	_ = 	snop  }
0x4: {  	_ = 	snop  }
0x5: {  	_ = 	snop  }
0x6: {  	_ = 	snop  }
0x7: {  	_ = 	snop  }
__scs_overlays_trampoline_lowered:
0x8: {  	[smem:$0x3FA1] =	sst s0  }
0x9: {  	[smem:$0x3FA2] =	sst s1  }
0xa: {  	[smem:$0x3FA3] =	sst s2  }
0xb: {  	[smem:$0x3FA4] =	sst s3  }
0xc: {  	[smem:$0x3FA5] =	sst s4  }
0xd: {  	[smem:$0x3FA6] =	sst s5  }
0xe: {  	[smem:$0x3FA7] =	sst s6  }
0xf: {  	[smem:$0x3FA8] =	sst s7  }
0x10: {  	[smem:$0x3FA9] =	sst s8  }
0x11: {  	[smem:$0x3FAA] =	sst s9;
	s0 =	simm.s32 @!p0 $0x0  }
0x12: {  	s1 =	sld [smem:$0x3F90];
	s0 =	simm.s32 @p0 $0x1  }
0x13: {  	[smem:$0x3FAB] =	sst s0;
	s0 =	simm.s32 @!p1 $0x0  }
0x14: {  	s2 =	sld [smem:$0x3F8F];
	s0 =	simm.s32 @p1 $0x1  }
0x15: {  	[smem:$0x3FAC] =	sst s0;
	s0 =	simm.s32 @!p2 $0x0  }
0x16: {  	s3 =	sld [smem:$0x3FDB];
	s0 =	simm.s32 @p2 $0x1  }
0x17: {  	s4 =	simm.s32 $0x1BF5;
	[smem:$0x3FAE] =	sst s0  }
0x18: {  	s0 =	sld [smem:$0x3F91];
	_ =	swait.ge [sflag:s4], $0x0  }
0x19: {  	s7 =	sld [smem:$0x3F92]  }
0x1a: {  	s8 =	sadd.s32 $0xFFFFE003, lr  }
0x1b: {  	s9 =	sadd.s32 $0xFFFFFEF7, lr;
	s5 =	simm.s32 $0xFFFFFFFF;
	p2 =	slt.u32 s8, $0xFFFFF086  }
0x1c: {  	p1 =	slt.u32 s9, $0xF7A;
	s5 =	simm.s32 @!p2 $0x0  }
0x1d: {  	s5 =	simm.s32 @p1 $0x1;
	p0 =	seq.s32 s7, s2  }
0x1e: {  	s7 =	smul.u32 @!p0 $0xF7A, s2;
	p2 =	seq.s32 @!p0 s5, $0x0  }
0x1f: {  	s9 =	smul.u32 $0xF7A, s1;
	s8 =	simm.s32 @!p0 $0x1BF5;
	p2 =	por !p2, p0  }
0x20: {  	[sflag:s8] =	ssyncset.s32 @!p0 $0xFFFFF086;
	s6 =	sadd.s32 @!p0 s3, s7;
	s7 =	simm.s32 @!p0 $0x108  }
0x21: {  	s3 =	sadd.s32 s3, s9;
	s6 =	sadd.s32 @!p0 $0x88, s6;
	s7 =	simm.s32 @p2 $0x1082  }
0x22: {  	[simem:s7], [sflag:s8] =	dma.local @!p0 [hbm:s6], $0xF7A  }
0x23: {  	s9 =	sor.u32 $0xD0000000, s2;
	s6 =	simm.s32 $0x108;
	_ =	swait.ge @!p0 [sflag:s8], $0x0  }
0x24: {  	s3 =	sadd.s32 $0x88, s3;
	s6 =	simm.s32 @!p1 $0x1082;
	[sflag:s4] =	ssyncset.s32 $0xFFFFF086  }
0x25: {  	[simem:s6], [sflag:s4] =	dma.local [hbm:s3], $0xF7A  }
0x26: {  	[smem:$0x3F92] =	sst s1;
	(tag) =	ssettag s2;
	_ =	strace s9  }
0x27: {  	s1 =	sld [smem:$0x3FA2]  }
0x28: {  	s2 =	sld [smem:$0x3FA3]  }
0x29: {  	s4 =	sld [smem:$0x3FA5]  }
0x2a: {  	p0 =	seq.s32 s5, $0x0;
	s5 =	sld [smem:$0x3FA6]  }
0x2b: {  	s6 =	sld [smem:$0x3FA7]  }
0x2c: {  	s7 =	sld [smem:$0x3FA8]  }
0x2d: {  	s3 =	simm.s32 $0x108;
	s8 =	sld [smem:$0x3FA9]  }
0x2e: {  	s3 =	simm.s32 @!p0 $0x1082;
	s9 =	sld [smem:$0x3FAA]  }
0x2f: {  	lr =	sadd.s32 s0, s3;
	s0 =	sld [smem:$0x3FA1]  }
0x30: {  	s3 =	sld [smem:$0x3FA4]  }
0x31: {  	[smem:$0x3FAD] =	sst s10  }
0x32: {  	s10 =	sld [smem:$0x3FAB];
	_ =	sdelay $0x3  }
0x33: {  	p0 =	seq.s32 s10, $0x1;
	s10 =	sld [smem:$0x3FAD];
	_ =	sdelay $0x3  }
0x34: {  	[smem:$0x3FAD] =	sst s10  }
0x35: {  	s10 =	sld [smem:$0x3FAC];
	_ =	sdelay $0x3  }
0x36: {  	p1 =	seq.s32 s10, $0x1;
	s10 =	sld [smem:$0x3FAD];
	_ =	sdelay $0x3  }
0x37: {  	[smem:$0x3FAD] =	sst s10  }
0x38: {  	s10 =	sld [smem:$0x3FAE]  }
0x39: {  	_ = 	snop;
	(pc) =	sbr.ind lr, $3  }
0x3a: {  	_ = 	snop  }
0x3b: {  	_ = 	snop  }
0x3c: {  	p2 =	seq.s32 s10, $0x1;
	s10 =	sld [smem:$0x3FAD]  }
0x3d: {  	_ =	shalt  }
0x3e: {  	_ =	shalt  }
0x3f: {  	_ =	shalt  }
0x40: {  	_ =	shalt  }
0x41: {  	_ =	shalt  }
0x42: {  	_ =	shalt  }
0x43: {  	_ =	shalt  }
0x44: {  	_ =	shalt  }
0x45: {  	_ =	shalt  }
0x46: {  	_ =	shalt  }
0x47: {  	_ =	shalt  }
0x48: {  	_ =	shalt  }
0x49: {  	_ =	shalt  }
0x4a: {  	_ =	shalt  }
0x4b: {  	_ =	shalt  }
0x4c: {  	_ =	shalt  }
0x4d: {  	_ =	shalt  }
0x4e: {  	_ =	shalt  }
0x4f: {  	_ =	shalt  }
0x50: {  	_ =	shalt  }
0x51: {  	_ =	shalt  }
0x52: {  	_ =	shalt  }
0x53: {  	_ =	shalt  }
0x54: {  	_ =	shalt  }
0x55: {  	_ =	shalt  }
0x56: {  	_ =	shalt  }
0x57: {  	_ =	shalt  }
0x58: {  	_ =	shalt  }
0x59: {  	_ =	shalt  }
0x5a: {  	_ =	shalt  }
0x5b: {  	_ =	shalt  }
0x5c: {  	_ =	shalt  }
0x5d: {  	_ =	shalt  }
0x5e: {  	_ =	shalt  }
0x5f: {  	_ =	shalt  }
0x60: {  	_ =	shalt  }
0x61: {  	_ =	shalt  }
0x62: {  	_ =	shalt  }
0x63: {  	_ =	shalt  }
0x64: {  	_ =	shalt  }
0x65: {  	_ =	shalt  }
0x66: {  	_ =	shalt  }
0x67: {  	_ =	shalt  }
0x68: {  	_ =	shalt  }
0x69: {  	_ =	shalt  }
0x6a: {  	_ =	shalt  }
0x6b: {  	_ =	shalt  }
0x6c: {  	_ =	shalt  }
0x6d: {  	_ =	shalt  }
0x6e: {  	_ =	shalt  }
0x6f: {  	_ =	shalt  }
0x70: {  	_ =	shalt  }
0x71: {  	_ =	shalt  }
0x72: {  	_ =	shalt  }
0x73: {  	_ =	shalt  }
0x74: {  	_ =	shalt  }
0x75: {  	_ =	shalt  }
0x76: {  	_ =	shalt  }
0x77: {  	_ =	shalt  }
0x78: {  	_ =	shalt  }
0x79: {  	_ =	shalt  }
0x7a: {  	_ =	shalt  }
0x7b: {  	_ =	shalt  }
0x7c: {  	_ =	shalt  }
0x7d: {  	_ =	shalt  }
0x7e: {  	_ =	shalt  }
0x7f: {  	_ =	shalt  }
0x80: {  	_ =	shalt  }
0x81: {  	_ =	shalt  }
0x82: {  	_ =	shalt  }
0x83: {  	_ =	shalt  }
0x84: {  	_ =	shalt  }
0x85: {  	_ =	shalt  }
0x86: {  	_ =	shalt  }
0x87: {  	_ =	shalt  }
.Lfunc_end0:
.L_simem_size_0:
called_computation.1_lowered:
.L_overlay_start_0:
0x88: {  	s2 =	sld [smem:$0x3FD9]  }
0x89: {  	s3 =	sld [smem:$0x3FFE];
	_ =	sdelay $0x1  }
0x8a: {  	s1 =	srdreg.scid  }
0x8b: {  	s0 =	sand.u32 $0x1, s1  }
0x8c: {  	s16 =	sshll.u32 s0, $0xA;
	s2 =	sadd.s32 s3, s2  }
0x8d: {  	s2 =	sadd.s32 s2, s16  }
0x8e: {  	[smem:$0x3FB9] =	sst s2  }
0x8f: {  	_ = 	snop  }
0x90: {  	(tm) =	ssettm $0x1  }
0x91: {  	s17 =	sld [smem:$0x3FFB];
	_ =	sdelay $0x3  }
0x92: {  	_ =	strace s17  }
0x93: {  	s2 =	sld [smem:$0x3FFC];
	_ =	sdelay $0x3  }
0x94: {  	_ =	strace s2  }
0x95: {  	s2 =	sld [smem:$0x3FFD];
	_ =	sdelay $0x3  }
0x96: {  	_ =	strace s2  }
0x97: {  	_ =	strace $0x8FFFFFFF  }
0x98: {  	s18 =	sld [smem:$0x3FDB];
	_ =	sdelay $0x1  }
0x99: {  	s19 =	simm.s32 $_scs_section_size  }
0x9a: {  	s4 =	simm.s32 $_size__tile_overlayer_lowered;
	s5 =	simm.s32 $_tile_overlayer_lowered  }
0x9b: {  	s22 =	simm.s32 $0x1BFF;
	s21 =	sshll.u32 s5, $0x1;
	s2 =	sadd.s32 s19, s18  }
0x9c: {  	s6 =	simm.s32 $0x0;
	s20 =	sshll.u32 s4, $0x1;
	s4 =	sadd.s32 s21, s2  }
0x9d: {  	[timem:s6], [sflag:s22] =	dma.local [hbm:s4], s20  }
0x9e: {  	_ =	swait.ge [sflag:s22], s20  }
0x9f: {  	s3 =	ssub.s32 $0x0, s20;
	[sflag:s22] =	ssyncset.done $0x0  }
0xa0: {  	[sflag:s22] =	ssyncadd.s32 s3;
	_ =	sdelay $0x1  }
0xa1: {  	s23 =	simm.s32 $0x1B8B  }
0xa2: {  	_ =	swait.ge [sflag:s23], $0x1  }
0xa3: {  	[sflag:s23] =	ssyncset.done $0x0  }
0xa4: {  	s25 =	simm.s32 $0x1B8E;
	s24 =	sld [smem:$0x3FFE];
	[sflag:s23] =	ssyncadd.s32 $0xFFFFFFFF  }
0xa5: {  	s26 =	simm.s32 $execute0_lowered;
	[smem:$0x3FD2] =	sst s25  }
0xa6: {  	s4 =	sshll.u32 s26, $0x1;
	_ =	strace $0x80000046;
	[dreg:$0x1] =	wrdreg $0xFFFFFFFF  }
0xa7: {  	s28 =	simm.s32 $_size_execute0_lowered;
	s2 =	sadd.s32 s2, s4;
	[dreg:$0x0] =	wrdreg $0x0  }
0xa8: {  	s4 =	sshll.u32 s28, $0x1;
	[dreg:$0x2] =	wrdreg s2  }
0xa9: {  	[dreg:$0x3] =	wrdreg s4  }
0xaa: {  	[dreg:$0x4] =	wrdreg $0xC0  }
0xab: {  	_ =	task [dreg:s6], $0x5FFFF  }
0xac: {  	[dreg:$0x1] =	wrdreg $0xFFFFFFFF  }
0xad: {  	[dreg:$0x0] =	wrdreg $0x60  }
0xae: {  	[dreg:$0x2] =	wrdreg s24  }
0xaf: {  	[dreg:$0x3] =	wrdreg $0x15C400  }
0xb0: {  	[dreg:$0x4] =	wrdreg $0xA  }
0xb1: {  	_ =	task.clear_ibuf [dreg:s6], $0x5FFFF;
	_ =	strace $0x90000046  }
0xb2: {  	s29 =	simm.s32 $0xA;
	_ =	strace $0x80000048  }
0xb3: {  	_ =	swait.ge [sflag:s29], $0x1  }
0xb4: {  	[sflag:s29] =	ssyncadd.s32 $0xFFFFFFFF  }
0xb5: {  	_ =	strace $0x90000048  }
0xb6: {  	_ =	sfence  }
0xb7: {  	s30 =	sld [smem:$0x0];
	_ =	sdelay $0x2  }
0xb8: {  	s31 =	sshll.u32 s1, $0xD;
	s1 =	sshrl.u32 s1, $0x2  }
0xb9: {  	s3 =	sand.u32 $0x4000, s31;
	s1 =	sadd.s32 s1, s30  }
0xba: {  	s0 =	sor.u32 s3, s0;
	s1 =	sshll.u32 s1, $0x11  }
0xbb: {  	s0 =	sor.u32 s1, s0  }
0xbc: {  	s0 =	sadd.s32 $0x8F2B, s0  }
0xbd: {  	[sflag:s0] =	ssyncadd.remote.s32 $0x1  }
0xbe: {  	_ =	sfence.sel $0xFFFF  }
0xbf: {  	[dreg:$0x0] =	wrdreg $0xFFFFFFFF;
	(pc) =	sbr.abs _section_cstart, $3  }
0xc0: {  	[dreg:$0x1] =	wrdreg $0xFFFFFFFF  }
0xc1: {  	_ =	task.clear_ibuf [dreg:s6], $0x2FFFF;
	_ =	strace $0x9FFFFFFF  }
0xc2: {  	(tm) =	ssettm $0x7FFFFFFF  }
0xc3: {  	_ =	shalt  }
tec
execute0_lowered:
.L_overlay_start_1:
0x0: {  	(tag) =	ssettag $0x1  }
0x1: {  	s0 =	rddreg [dreg:$0x0]  }
0x2: {  	s1 =	srdreg.scid;
	s2 =	rddreg [dreg:$0x1]  }
0x3: {  	s7 =	stileid.u32;
	s5 =	simm.s32 $0x0;
	s15 =	simm.s32 $0x13C40  }
0x4: {  	s16 =	simm.s32 $0xB;
	s17 =	simm.s32 $0x1;
	s18 =	simm.s32 $0x2  }
0x5: {  	s19 =	simm.s32 $0x7D;
	s20 =	simm.s32 $0xA000;
	s4 =	smul.u32 $0xA000, s7  }
0x6: {  	s29 =	simm.s32 $0x11D00;
	s30 =	simm.s32 $0x3;
	s6 =	smul.u32 $0xA00, s7  }
0x7: {  	s31 =	simm.s32 $0x4;
	s1 =	sand.u32 $0x1, s1;
	s7 =	smul.u32 $0x28000, s7  }
0x8: {  	s14 =	simm.s32 $0x6;
	s21 =	simm.s32 $0x8;
	s3 =	smul.u32 $0x13880, s1  }
0x9: {  	s28 =	simm.s32 $0x0;
	[smem:$0x7FF] =	sst s5;
	s22 =	smul.u32 $0xA0000, s1  }
0xa: {  	_ =	strace $0x80000047;
	s1 =	ssub.s32 $0x2, s1;
	s6 =	sadd.s32 s6, s0  }
0xb: {  	s23 =	sshrl.u32 s1, $0x1;
	s7 =	sshrl.u32 s7, $0x2;
	s3 =	sadd.s32 s3, s0  }
0xc: {  	s5 =	sadd.s32 s4, s22;
	s1 =	ssub.s32 s1, s23;
	s24 =	sadd.s32 $0xC800, s6  }
0xd: {  	s25 =	sadd.s32 $0x2800, s6;
	s6 =	sadd.s32 s4, s2;
	s26 =	sadd.s32 s7, s2  }
0xe: {  	s22 =	simm.s32 $0xBF40;
	s23 =	simm.s32 $0x9;
	[dreg:$0x3] =	wrdreg s24  }
0xf: {  	s5 =	sshrl.u32 s5, $0x3;
	[dreg:$0x4] =	wrdreg s25;
	s7 =	sadd.s32 $0x2000, s26  }
0x10: {  	s8 =	sadd.s32 $0x4000, s26;
	s9 =	sadd.s32 $0x6000, s26;
	s10 =	sadd.s32 $0x8000, s26  }
0x11: {  	s11 =	sadd.s32 $0x16800, s3;
	s13 =	smax.u32 s1, $0x1;
	s24 =	simm.s32 $0xDE80  }
0x12: {  	s26 =	simm.s32 $0xFDC0;
	s1 =	simm.s32 $0x7;
	s0 =	sadd.s32 s5, s0  }
0x13: {  	v0 =	vimm.f32 $0.0e+00;
	s25 =	simm.s32 $0xA;
	s12 =	sadd.s32 $0x3DA00, s0;
	s0 =	simm.s32 $0x5  }
.LBB2_1:
0x14: {  	s3 =	simm.s32 $0x0;
	s4 =	rddreg [dreg:$0x3]  }
0x15: {  	[tilespmem:s3], [sflag:$0x1] =	stream.linear.gather [hbm4b:s4+s3], $0x5000, $0x38;
	[tilespmem:$0x1FC40] =	vst v63  }
0x16: {  	s5 =	simm.s32 $0x5000;
	s4 =	rddreg [dreg:$0x4]  }
0x17: {  	[tilespmem:s5], [sflag:$0x2] =	stream.linear.gather [hbm4b:s4+s3], $0x5000, $0x38;
	[tilespmem:$0x1FC40] =	vst v63  }
0x18: {  	s4 =	simm.s32 $0x100;
	s3 =	simm.s32 $0x0  }
.LBB2_2:
0x19: {  	p0 =	sne.s32 s4, $0x7F00;
	[tilespmem:s3+$0x13C70] =	vst v0;
	s5 =	smov.u32 s4;
	s4 =	sadd.s32 $0x100, s4  }
.Ltmp0:
0x1a: {  	[tilespmem:s3+$0x13C60] =	vst v0;
	(pc) =	sbr.rel @p0 .LBB2_2-.Ltmp0, $3  }
0x1b: {  	[tilespmem:s3+$0x13C40] =	vst v0  }
0x1c: {  	[tilespmem:s3+$0x13C50] =	vst v0;
	_ =	sdelay $0x1  }
0x1d: {  	s3 =	sshra.s32 s5, $0x2  }
0x1e: {  	[tilespmem:s3+$0x13C70] =	vst v0  }
0x1f: {  	[tilespmem:s3+$0x13C60] =	vst v0  }
0x20: {  	[tilespmem:s3+$0x13C40] =	vst v0  }
0x21: {  	[tilespmem:s3+$0x13C50] =	vst v0  }
0x22: {  	[spmem:s6] =	stream.linear.scatter [tilespmem:s15], [sflag:$0xB], $0x2000, $0x38;
	[tilespmem:$0x1FC40] =	vst v63  }
0x23: {  	_ =	swait.ge [sflag:s16], $0x2000  }
0x24: {  	[sflag:s16] =	ssyncset.done $0x0  }
0x25: {  	[sflag:s16] =	ssyncadd.s32 $0xFFFFE000  }
0x26: {  	[spmem:s7] =	stream.linear.scatter [tilespmem:s15], [sflag:$0xB], $0x2000, $0x38;
	[tilespmem:$0x1FC40] =	vst v63  }
0x27: {  	_ =	swait.ge [sflag:s16], $0x2000  }
0x28: {  	[sflag:s16] =	ssyncset.done $0x0  }
0x29: {  	[sflag:s16] =	ssyncadd.s32 $0xFFFFE000  }
0x2a: {  	[spmem:s8] =	stream.linear.scatter [tilespmem:s15], [sflag:$0xB], $0x2000, $0x38;
	[tilespmem:$0x1FC40] =	vst v63  }
0x2b: {  	_ =	swait.ge [sflag:s16], $0x2000  }
0x2c: {  	[sflag:s16] =	ssyncset.done $0x0  }
0x2d: {  	[sflag:s16] =	ssyncadd.s32 $0xFFFFE000  }
0x2e: {  	[spmem:s9] =	stream.linear.scatter [tilespmem:s15], [sflag:$0xB], $0x2000, $0x38;
	[tilespmem:$0x1FC40] =	vst v63  }
0x2f: {  	_ =	swait.ge [sflag:s16], $0x2000  }
0x30: {  	[sflag:s16] =	ssyncset.done $0x0  }
0x31: {  	[sflag:s16] =	ssyncadd.s32 $0xFFFFE000  }
0x32: {  	[spmem:s10] =	stream.linear.scatter [tilespmem:s15], [sflag:$0xB], $0x2000, $0x38;
	[tilespmem:$0x1FC40] =	vst v63  }
0x33: {  	_ =	swait.ge [sflag:s16], $0x2000  }
0x34: {  	[sflag:s16] =	ssyncset.done $0x0  }
0x35: {  	[sflag:s16] =	ssyncadd.s32 $0xFFFFE000  }
0x36: {  	_ =	swait.ge [sflag:s17], $0x5000  }
0x37: {  	[sflag:s17] =	ssyncset.done $0x0  }
0x38: {  	[sflag:s17] =	ssyncadd.s32 $0xFFFFB000  }
0x39: {  	_ =	swait.ge [sflag:s18], $0x5000  }
0x3a: {  	[sflag:s18] =	ssyncset.done $0x0  }
0x3b: {  	[sflag:s18] =	ssyncadd.s32 $0xFFFFB000  }
0x3c: {  	s4 =	simm.s32 $0x0;
	[bflag:$0x0] =	sbarrier.arrive $0xFFFF  }
0x3d: {  	[tilespmem:s20], [sflag:$0x1] =	stream.indirect.gather [hbm4b:s11+s19], $0x40, s4, s19, $0xb8;
	[tilespmem:$0x1FC40] =	vst v63  }
0x3e: {  	s5 =	simm.s32 $0x80  }
0x3f: {  	[tilespmem:s22], [sflag:$0x2] =	stream.indirect.gather [hbm4b:s11+s19], $0x40, s5, s19, $0xb8;
	[tilespmem:$0x1FC40] =	vst v63  }
0x40: {  	s4 =	simm.s32 $0x100  }
0x41: {  	[tilespmem:s24], [sflag:$0x3] =	stream.indirect.gather [hbm4b:s11+s19], $0x40, s4, s19, $0xb8;
	[tilespmem:$0x1FC40] =	vst v63  }
0x42: {  	s5 =	simm.s32 $0x180  }
0x43: {  	[tilespmem:s26], [sflag:$0x4] =	stream.indirect.gather [hbm4b:s11+s19], $0x40, s5, s19, $0xb8;
	[tilespmem:$0x1FC40] =	vst v63  }
0x44: {  	s4 =	simm.s32 $0x200  }
0x45: {  	[tilespmem:s29], [sflag:$0x5] =	stream.indirect.gather [hbm4b:s11+s19], $0x40, s4, s19, $0xb8;
	[tilespmem:$0x1FC40] =	vst v63  }
0x46: {  	_ =	swait.ge [sflag:s17], $0x1F40  }
0x47: {  	[sflag:s17] =	ssyncset.done $0x0  }
0x48: {  	s5 =	simm.s32 $0x5000;
	[sflag:s17] =	ssyncadd.s32 $0xFFFFE0C0  }
0x49: {  	[spmem:s2] =	stream.indirect.scatter.add.f32 [tilespmem:s20], [sflag:$0x6], $0x40, s5, s19, $0xb8;
	[tilespmem:$0x1FC40] =	vst v63  }
0x4a: {  	_ =	swait.ge [sflag:s18], $0x1F40  }
0x4b: {  	[sflag:s18] =	ssyncset.done $0x0  }
0x4c: {  	s4 =	simm.s32 $0x5080;
	[sflag:s18] =	ssyncadd.s32 $0xFFFFE0C0  }
0x4d: {  	[spmem:s2] =	stream.indirect.scatter.add.f32 [tilespmem:s22], [sflag:$0x7], $0x40, s4, s19, $0xb8;
	[tilespmem:$0x1FC40] =	vst v63  }
0x4e: {  	_ =	swait.ge [sflag:s30], $0x1F40  }
0x4f: {  	[sflag:s30] =	ssyncset.done $0x0  }
0x50: {  	s5 =	simm.s32 $0x5100;
	[sflag:s30] =	ssyncadd.s32 $0xFFFFE0C0  }
0x51: {  	[spmem:s2] =	stream.indirect.scatter.add.f32 [tilespmem:s24], [sflag:$0x8], $0x40, s5, s19, $0xb8;
	[tilespmem:$0x1FC40] =	vst v63  }
0x52: {  	_ =	swait.ge [sflag:s31], $0x1F40  }
0x53: {  	[sflag:s31] =	ssyncset.done $0x0  }
0x54: {  	s4 =	simm.s32 $0x5180;
	[sflag:s31] =	ssyncadd.s32 $0xFFFFE0C0  }
0x55: {  	[spmem:s2] =	stream.indirect.scatter.add.f32 [tilespmem:s26], [sflag:$0x9], $0x40, s4, s19, $0xb8;
	[tilespmem:$0x1FC40] =	vst v63  }
0x56: {  	_ =	swait.ge [sflag:s0], $0x1F40  }
0x57: {  	[sflag:s0] =	ssyncset.done $0x0  }
0x58: {  	s5 =	simm.s32 $0x5200;
	[sflag:s0] =	ssyncadd.s32 $0xFFFFE0C0  }
0x59: {  	[spmem:s2] =	stream.indirect.scatter.add.f32 [tilespmem:s29], [sflag:$0xA], $0x40, s5, s19, $0xb8;
	[tilespmem:$0x1FC40] =	vst v63  }
0x5a: {  	_ =	swait.ge [sflag:s14], $0x1F40  }
0x5b: {  	[sflag:s14] =	ssyncset.done $0x0  }
0x5c: {  	s4 =	simm.s32 $0x280;
	[sflag:s14] =	ssyncadd.s32 $0xFFFFE0C0  }
0x5d: {  	[tilespmem:s20], [sflag:$0x1] =	stream.indirect.gather [hbm4b:s11+s19], $0x40, s4, s19, $0xb8;
	[tilespmem:$0x1FC40] =	vst v63  }
0x5e: {  	_ =	swait.ge [sflag:s1], $0x1F40  }
0x5f: {  	[sflag:s1] =	ssyncset.done $0x0  }
0x60: {  	s5 =	simm.s32 $0x300;
	[sflag:s1] =	ssyncadd.s32 $0xFFFFE0C0  }
0x61: {  	[tilespmem:s22], [sflag:$0x2] =	stream.indirect.gather [hbm4b:s11+s19], $0x40, s5, s19, $0xb8;
	[tilespmem:$0x1FC40] =	vst v63  }
0x62: {  	_ =	swait.ge [sflag:s21], $0x1F40  }
0x63: {  	[sflag:s21] =	ssyncset.done $0x0  }
0x64: {  	s4 =	simm.s32 $0x380;
	[sflag:s21] =	ssyncadd.s32 $0xFFFFE0C0  }
0x65: {  	[tilespmem:s24], [sflag:$0x3] =	stream.indirect.gather [hbm4b:s11+s19], $0x40, s4, s19, $0xb8;
	[tilespmem:$0x1FC40] =	vst v63  }
0x66: {  	_ =	swait.ge [sflag:s23], $0x1F40  }
0x67: {  	[sflag:s23] =	ssyncset.done $0x0  }
0x68: {  	s5 =	simm.s32 $0x400;
	[sflag:s23] =	ssyncadd.s32 $0xFFFFE0C0  }
0x69: {  	[tilespmem:s26], [sflag:$0x4] =	stream.indirect.gather [hbm4b:s11+s19], $0x40, s5, s19, $0xb8;
	[tilespmem:$0x1FC40] =	vst v63  }
0x6a: {  	_ =	swait.ge [sflag:s25], $0x1F40  }
0x6b: {  	[sflag:s25] =	ssyncset.done $0x0  }
0x6c: {  	s3 =	simm.s32 $0xA00;
	s4 =	simm.s32 $0x480;
	[sflag:s25] =	ssyncadd.s32 $0xFFFFE0C0  }
.LBB2_4:
0x6d: {  	[tilespmem:s29], [sflag:$0x5] =	stream.indirect.gather [hbm4b:s11+s19], $0x40, s4, s19, $0xb8;
	[tilespmem:$0x1FC40] =	vst v63  }
0x6e: {  	s4 =	smov.u32 s3  }
0x6f: {  	p0 =	sne.s32 s3, $0x12C00;
	s3 =	sadd.s32 $0xA00, s3;
	_ =	swait.ge [sflag:s17], $0x1F40  }
0x70: {  	s4 =	sshra.s32 s4, $0x2;
	[sflag:s17] =	ssyncset.done $0x0  }
0x71: {  	s5 =	sadd.s32 $0x5000, s4;
	[sflag:s17] =	ssyncadd.s32 $0xFFFFE0C0  }
0x72: {  	[spmem:s2] =	stream.indirect.scatter.add.f32 [tilespmem:s20], [sflag:$0x6], $0x40, s5, s19, $0xb8;
	[tilespmem:$0x1FC40] =	vst v63  }
0x73: {  	_ =	swait.ge [sflag:s18], $0x1F40  }
0x74: {  	[sflag:s18] =	ssyncset.done $0x0  }
0x75: {  	s5 =	sadd.s32 $0x5080, s4;
	[sflag:s18] =	ssyncadd.s32 $0xFFFFE0C0  }
0x76: {  	[spmem:s2] =	stream.indirect.scatter.add.f32 [tilespmem:s22], [sflag:$0x7], $0x40, s5, s19, $0xb8;
	[tilespmem:$0x1FC40] =	vst v63  }
0x77: {  	_ =	swait.ge [sflag:s30], $0x1F40  }
0x78: {  	[sflag:s30] =	ssyncset.done $0x0  }
0x79: {  	s5 =	sadd.s32 $0x5100, s4;
	[sflag:s30] =	ssyncadd.s32 $0xFFFFE0C0  }
0x7a: {  	[spmem:s2] =	stream.indirect.scatter.add.f32 [tilespmem:s24], [sflag:$0x8], $0x40, s5, s19, $0xb8;
	[tilespmem:$0x1FC40] =	vst v63  }
0x7b: {  	_ =	swait.ge [sflag:s31], $0x1F40  }
0x7c: {  	[sflag:s31] =	ssyncset.done $0x0  }
0x7d: {  	s5 =	sadd.s32 $0x5180, s4;
	[sflag:s31] =	ssyncadd.s32 $0xFFFFE0C0  }
0x7e: {  	[spmem:s2] =	stream.indirect.scatter.add.f32 [tilespmem:s26], [sflag:$0x9], $0x40, s5, s19, $0xb8;
	[tilespmem:$0x1FC40] =	vst v63  }
0x7f: {  	_ =	swait.ge [sflag:s0], $0x1F40  }
0x80: {  	[sflag:s0] =	ssyncset.done $0x0  }
0x81: {  	s5 =	sadd.s32 $0x5200, s4;
	[sflag:s0] =	ssyncadd.s32 $0xFFFFE0C0  }
0x82: {  	[spmem:s2] =	stream.indirect.scatter.add.f32 [tilespmem:s29], [sflag:$0xA], $0x40, s5, s19, $0xb8;
	[tilespmem:$0x1FC40] =	vst v63  }
0x83: {  	_ =	swait.ge [sflag:s14], $0x1F40  }
0x84: {  	[sflag:s14] =	ssyncset.done $0x0  }
0x85: {  	s5 =	sadd.s32 $0x280, s4;
	[sflag:s14] =	ssyncadd.s32 $0xFFFFE0C0  }
0x86: {  	[tilespmem:s20], [sflag:$0x1] =	stream.indirect.gather [hbm4b:s11+s19], $0x40, s5, s19, $0xb8;
	[tilespmem:$0x1FC40] =	vst v63  }
0x87: {  	_ =	swait.ge [sflag:s1], $0x1F40  }
0x88: {  	[sflag:s1] =	ssyncset.done $0x0  }
0x89: {  	s5 =	sadd.s32 $0x300, s4;
	[sflag:s1] =	ssyncadd.s32 $0xFFFFE0C0  }
0x8a: {  	[tilespmem:s22], [sflag:$0x2] =	stream.indirect.gather [hbm4b:s11+s19], $0x40, s5, s19, $0xb8;
	[tilespmem:$0x1FC40] =	vst v63  }
0x8b: {  	_ =	swait.ge [sflag:s21], $0x1F40  }
0x8c: {  	[sflag:s21] =	ssyncset.done $0x0  }
0x8d: {  	s5 =	sadd.s32 $0x380, s4;
	[sflag:s21] =	ssyncadd.s32 $0xFFFFE0C0  }
0x8e: {  	[tilespmem:s24], [sflag:$0x3] =	stream.indirect.gather [hbm4b:s11+s19], $0x40, s5, s19, $0xb8;
	[tilespmem:$0x1FC40] =	vst v63  }
0x8f: {  	_ =	swait.ge [sflag:s23], $0x1F40  }
0x90: {  	[sflag:s23] =	ssyncset.done $0x0  }
.Ltmp1:
0x91: {  	s5 =	sadd.s32 $0x400, s4;
	[sflag:s23] =	ssyncadd.s32 $0xFFFFE0C0;
	(pc) =	sbr.rel @p0 .LBB2_4-.Ltmp1, $4  }
0x92: {  	[tilespmem:s26], [sflag:$0x4] =	stream.indirect.gather [hbm4b:s11+s19], $0x40, s5, s19, $0xb8;
	[tilespmem:$0x1FC40] =	vst v63  }
0x93: {  	_ =	swait.ge [sflag:s25], $0x1F40  }
0x94: {  	[sflag:s25] =	ssyncset.done $0x0  }
0x95: {  	s4 =	sadd.s32 $0x480, s4;
	[sflag:s25] =	ssyncadd.s32 $0xFFFFE0C0  }
0x96: {  	[tilespmem:s29], [sflag:$0x5] =	stream.indirect.gather [hbm4b:s11+s19], $0x40, s4, s19, $0xb8;
	[tilespmem:$0x1FC40] =	vst v63  }
0x97: {  	_ =	swait.ge [sflag:s17], $0x1F40  }
0x98: {  	[sflag:s17] =	ssyncset.done $0x0  }
0x99: {  	s3 =	simm.s32 $0x9D80;
	[sflag:s17] =	ssyncadd.s32 $0xFFFFE0C0  }
0x9a: {  	[spmem:s2] =	stream.indirect.scatter.add.f32 [tilespmem:s20], [sflag:$0x6], $0x40, s3, s19, $0xb8;
	[tilespmem:$0x1FC40] =	vst v63  }
0x9b: {  	_ =	swait.ge [sflag:s18], $0x1F40  }
0x9c: {  	[sflag:s18] =	ssyncset.done $0x0  }
0x9d: {  	s4 =	simm.s32 $0x9E00;
	[sflag:s18] =	ssyncadd.s32 $0xFFFFE0C0  }
0x9e: {  	[spmem:s2] =	stream.indirect.scatter.add.f32 [tilespmem:s22], [sflag:$0x7], $0x40, s4, s19, $0xb8;
	[tilespmem:$0x1FC40] =	vst v63  }
0x9f: {  	_ =	swait.ge [sflag:s30], $0x1F40  }
0xa0: {  	[sflag:s30] =	ssyncset.done $0x0  }
0xa1: {  	s5 =	simm.s32 $0x9E80;
	[sflag:s30] =	ssyncadd.s32 $0xFFFFE0C0  }
0xa2: {  	[spmem:s2] =	stream.indirect.scatter.add.f32 [tilespmem:s24], [sflag:$0x8], $0x40, s5, s19, $0xb8;
	[tilespmem:$0x1FC40] =	vst v63  }
0xa3: {  	_ =	swait.ge [sflag:s31], $0x1F40  }
0xa4: {  	[sflag:s31] =	ssyncset.done $0x0  }
0xa5: {  	s4 =	simm.s32 $0x9F00;
	[sflag:s31] =	ssyncadd.s32 $0xFFFFE0C0  }
0xa6: {  	[spmem:s2] =	stream.indirect.scatter.add.f32 [tilespmem:s26], [sflag:$0x9], $0x40, s4, s19, $0xb8;
	[tilespmem:$0x1FC40] =	vst v63  }
0xa7: {  	_ =	swait.ge [sflag:s0], $0x1F40  }
0xa8: {  	[sflag:s0] =	ssyncset.done $0x0  }
0xa9: {  	s5 =	simm.s32 $0x9F80;
	[sflag:s0] =	ssyncadd.s32 $0xFFFFE0C0  }
0xaa: {  	[spmem:s2] =	stream.indirect.scatter.add.f32 [tilespmem:s29], [sflag:$0xA], $0x40, s5, s19, $0xb8;
	[tilespmem:$0x1FC40] =	vst v63  }
0xab: {  	_ =	swait.ge [sflag:s14], $0x1F40  }
0xac: {  	[sflag:s14] =	ssyncset.done $0x0  }
0xad: {  	[sflag:s14] =	ssyncadd.s32 $0xFFFFE0C0  }
0xae: {  	_ =	swait.ge [sflag:s1], $0x1F40  }
0xaf: {  	[sflag:s1] =	ssyncset.done $0x0  }
0xb0: {  	[sflag:s1] =	ssyncadd.s32 $0xFFFFE0C0  }
0xb1: {  	_ =	swait.ge [sflag:s21], $0x1F40  }
0xb2: {  	[sflag:s21] =	ssyncset.done $0x0  }
0xb3: {  	[sflag:s21] =	ssyncadd.s32 $0xFFFFE0C0  }
0xb4: {  	_ =	swait.ge [sflag:s23], $0x1F40  }
0xb5: {  	[sflag:s23] =	ssyncset.done $0x0  }
0xb6: {  	[sflag:s23] =	ssyncadd.s32 $0xFFFFE0C0  }
0xb7: {  	s4 =	stileid.u32;
	_ =	swait.ge [sflag:s25], $0x1F40  }
0xb8: {  	s28 =	sadd.s32 $0x1, s28;
	s3 =	sshll.u32 s4, $0x6;
	[sflag:s25] =	ssyncset.done $0x0  }
0xb9: {  	p0 =	sne.s32 s28, s13;
	s3 =	sor.u32 $0x1C0B, s3;
	[sflag:s25] =	ssyncadd.s32 $0xFFFFE0C0  }
.Ltmp2:
0xba: {  	s5 =	sshrl.u32 s6, $0x3;
	[bflag:$0x0] =	sbarrier.arrive $0xFFFF;
	(pc) =	sbr.rel @p0 .LBB2_1-.Ltmp2, $4  }
0xbb: {  	[hbm:s12], [sflag:s3] =	dma.local [spmem:s5], $0x1400  }
0xbc: {  	_ =	swait.ge [sflag:s16], $0x1400  }
0xbd: {  	[sflag:s16] =	ssyncset.done $0x0  }
0xbe: {  	[sflag:s16] =	ssyncadd.s32 $0xFFFFEC00  }
0xbf: {  	_ =	sfence.sel $0x180000  }
0xc0: {  	[bflag:$0x0] =	sbarrier.arrive $0xFFFF  }
0xc1: {  	_ =	strace $0x90000047  }
0xc2: {  	s0 =	stileid.u32;
	[bflag:$0x2] =	sbarrier.arrive $0xFFFF  }
0xc3: {  	p0 =	sne.s32 s0, $0x0;
	s0 =	rddreg [dreg:$0x2]  }
0xc4: {  	s0 =	sadd.s32 @!p0 $0x100000, s0  }
0xc5: {  	[sflag:s0] =	ssyncadd.tile.s32 @!p0 $0x1;
	_ =	shalt  }
.Lfunc_end2:
_tile_overlayer_lowered:
.L_overlay_start_2:
0xc6: {  	(tag) =	ssettag $0x2  }
0xc7: {  	s0 =	rddreg [dreg:$0x0];
	s2 =	stileid.u32  }
0xc8: {  	s1 =	rddreg [dreg:$0x1];
	p0 =	sne.s32 s2, $0x0  }
0xc9: {  	s3 =	rddreg [dreg:$0x2];
	[bflag:$0x3] =	sbarrier.arrive $0xFFFF;
	s2 =	simm.s32 @!p0 $0x1C0B  }
0xca: {  	[timem:s3], [sflag:s2] =	dma.local @!p0 [hbm:s0], s1  }
0xcb: {  	s0 =	simm.s32 @!p0 $0xB  }
0xcc: {  	_ =	swait.ge @!p0 [sflag:s0], s1  }
0xcd: {  	s1 =	ssub.s32 @!p0 $0x0, s1;
	[sflag:s0] =	ssyncset.done @!p0 $0x0  }
0xce: {  	[sflag:s0] =	ssyncadd.s32 @!p0 s1  }
0xcf: {  	[bflag:$0x3] =	sbarrier.arrive $0xFFFF  }
0xd0: {  	_ =	shalt  }

// kernel: kernel.14.cloned.1.call-start
scs
__scs_entry_jumppad:
0x0: {  	(pc) =	sbr.rel $0x88, $3  }
0x1: {  	(tag) =	ssettag $0x0;
	lr =	simm.s32 $0x1  }
0x2: {  	[smem:$0x3F92] =	sst lr;
	_ =	strace $0xD0000000  }
0x3: {  	_ = 	snop  }
0x4: {  	_ = 	snop  }
0x5: {  	_ = 	snop  }
0x6: {  	_ = 	snop  }
0x7: {  	_ = 	snop  }
__scs_overlays_trampoline_lowered:
0x8: {  	[smem:$0x3FA1] =	sst s0  }
0x9: {  	[smem:$0x3FA2] =	sst s1  }
0xa: {  	[smem:$0x3FA3] =	sst s2  }
0xb: {  	[smem:$0x3FA4] =	sst s3  }
0xc: {  	[smem:$0x3FA5] =	sst s4  }
0xd: {  	[smem:$0x3FA6] =	sst s5  }
0xe: {  	[smem:$0x3FA7] =	sst s6  }
0xf: {  	[smem:$0x3FA8] =	sst s7  }
0x10: {  	[smem:$0x3FA9] =	sst s8  }
0x11: {  	[smem:$0x3FAA] =	sst s9;
	s0 =	simm.s32 @!p0 $0x0  }
0x12: {  	s1 =	sld [smem:$0x3F90];
	s0 =	simm.s32 @p0 $0x1  }
0x13: {  	[smem:$0x3FAB] =	sst s0;
	s0 =	simm.s32 @!p1 $0x0  }
0x14: {  	s2 =	sld [smem:$0x3F8F];
	s0 =	simm.s32 @p1 $0x1  }
0x15: {  	[smem:$0x3FAC] =	sst s0;
	s0 =	simm.s32 @!p2 $0x0  }
0x16: {  	s3 =	sld [smem:$0x3FDB];
	s0 =	simm.s32 @p2 $0x1  }
0x17: {  	s4 =	simm.s32 $0x1BF5;
	[smem:$0x3FAE] =	sst s0  }
0x18: {  	s0 =	sld [smem:$0x3F91];
	_ =	swait.ge [sflag:s4], $0x0  }
0x19: {  	s7 =	sld [smem:$0x3F92]  }
0x1a: {  	s8 =	sadd.s32 $0xFFFFE003, lr  }
0x1b: {  	s9 =	sadd.s32 $0xFFFFFEF7, lr;
	s5 =	simm.s32 $0xFFFFFFFF;
	p2 =	slt.u32 s8, $0xFFFFF086  }
0x1c: {  	p1 =	slt.u32 s9, $0xF7A;
	s5 =	simm.s32 @!p2 $0x0  }
0x1d: {  	s5 =	simm.s32 @p1 $0x1;
	p0 =	seq.s32 s7, s2  }
0x1e: {  	s7 =	smul.u32 @!p0 $0xF7A, s2;
	p2 =	seq.s32 @!p0 s5, $0x0  }
0x1f: {  	s9 =	smul.u32 $0xF7A, s1;
	s8 =	simm.s32 @!p0 $0x1BF5;
	p2 =	por !p2, p0  }
0x20: {  	[sflag:s8] =	ssyncset.s32 @!p0 $0xFFFFF086;
	s6 =	sadd.s32 @!p0 s3, s7;
	s7 =	simm.s32 @!p0 $0x108  }
0x21: {  	s3 =	sadd.s32 s3, s9;
	s6 =	sadd.s32 @!p0 $0x88, s6;
	s7 =	simm.s32 @p2 $0x1082  }
0x22: {  	[simem:s7], [sflag:s8] =	dma.local @!p0 [hbm:s6], $0xF7A  }
0x23: {  	s9 =	sor.u32 $0xD0000000, s2;
	s6 =	simm.s32 $0x108;
	_ =	swait.ge @!p0 [sflag:s8], $0x0  }
0x24: {  	s3 =	sadd.s32 $0x88, s3;
	s6 =	simm.s32 @!p1 $0x1082;
	[sflag:s4] =	ssyncset.s32 $0xFFFFF086  }
0x25: {  	[simem:s6], [sflag:s4] =	dma.local [hbm:s3], $0xF7A  }
0x26: {  	[smem:$0x3F92] =	sst s1;
	(tag) =	ssettag s2;
	_ =	strace s9  }
0x27: {  	s1 =	sld [smem:$0x3FA2]  }
0x28: {  	s2 =	sld [smem:$0x3FA3]  }
0x29: {  	s4 =	sld [smem:$0x3FA5]  }
0x2a: {  	p0 =	seq.s32 s5, $0x0;
	s5 =	sld [smem:$0x3FA6]  }
0x2b: {  	s6 =	sld [smem:$0x3FA7]  }
0x2c: {  	s7 =	sld [smem:$0x3FA8]  }
0x2d: {  	s3 =	simm.s32 $0x108;
	s8 =	sld [smem:$0x3FA9]  }
0x2e: {  	s3 =	simm.s32 @!p0 $0x1082;
	s9 =	sld [smem:$0x3FAA]  }
0x2f: {  	lr =	sadd.s32 s0, s3;
	s0 =	sld [smem:$0x3FA1]  }
0x30: {  	s3 =	sld [smem:$0x3FA4]  }
0x31: {  	[smem:$0x3FAD] =	sst s10  }
0x32: {  	s10 =	sld [smem:$0x3FAB];
	_ =	sdelay $0x3  }
0x33: {  	p0 =	seq.s32 s10, $0x1;
	s10 =	sld [smem:$0x3FAD];
	_ =	sdelay $0x3  }
0x34: {  	[smem:$0x3FAD] =	sst s10  }
0x35: {  	s10 =	sld [smem:$0x3FAC];
	_ =	sdelay $0x3  }
0x36: {  	p1 =	seq.s32 s10, $0x1;
	s10 =	sld [smem:$0x3FAD];
	_ =	sdelay $0x3  }
0x37: {  	[smem:$0x3FAD] =	sst s10  }
0x38: {  	s10 =	sld [smem:$0x3FAE]  }
0x39: {  	_ = 	snop;
	(pc) =	sbr.ind lr, $3  }
0x3a: {  	_ = 	snop  }
0x3b: {  	_ = 	snop  }
0x3c: {  	p2 =	seq.s32 s10, $0x1;
	s10 =	sld [smem:$0x3FAD]  }
0x3d: {  	_ =	shalt  }
0x3e: {  	_ =	shalt  }
0x3f: {  	_ =	shalt  }
0x40: {  	_ =	shalt  }
0x41: {  	_ =	shalt  }
0x42: {  	_ =	shalt  }
0x43: {  	_ =	shalt  }
0x44: {  	_ =	shalt  }
0x45: {  	_ =	shalt  }
0x46: {  	_ =	shalt  }
0x47: {  	_ =	shalt  }
0x48: {  	_ =	shalt  }
0x49: {  	_ =	shalt  }
0x4a: {  	_ =	shalt  }
0x4b: {  	_ =	shalt  }
0x4c: {  	_ =	shalt  }
0x4d: {  	_ =	shalt  }
0x4e: {  	_ =	shalt  }
0x4f: {  	_ =	shalt  }
0x50: {  	_ =	shalt  }
0x51: {  	_ =	shalt  }
0x52: {  	_ =	shalt  }
0x53: {  	_ =	shalt  }
0x54: {  	_ =	shalt  }
0x55: {  	_ =	shalt  }
0x56: {  	_ =	shalt  }
0x57: {  	_ =	shalt  }
0x58: {  	_ =	shalt  }
0x59: {  	_ =	shalt  }
0x5a: {  	_ =	shalt  }
0x5b: {  	_ =	shalt  }
0x5c: {  	_ =	shalt  }
0x5d: {  	_ =	shalt  }
0x5e: {  	_ =	shalt  }
0x5f: {  	_ =	shalt  }
0x60: {  	_ =	shalt  }
0x61: {  	_ =	shalt  }
0x62: {  	_ =	shalt  }
0x63: {  	_ =	shalt  }
0x64: {  	_ =	shalt  }
0x65: {  	_ =	shalt  }
0x66: {  	_ =	shalt  }
0x67: {  	_ =	shalt  }
0x68: {  	_ =	shalt  }
0x69: {  	_ =	shalt  }
0x6a: {  	_ =	shalt  }
0x6b: {  	_ =	shalt  }
0x6c: {  	_ =	shalt  }
0x6d: {  	_ =	shalt  }
0x6e: {  	_ =	shalt  }
0x6f: {  	_ =	shalt  }
0x70: {  	_ =	shalt  }
0x71: {  	_ =	shalt  }
0x72: {  	_ =	shalt  }
0x73: {  	_ =	shalt  }
0x74: {  	_ =	shalt  }
0x75: {  	_ =	shalt  }
0x76: {  	_ =	shalt  }
0x77: {  	_ =	shalt  }
0x78: {  	_ =	shalt  }
0x79: {  	_ =	shalt  }
0x7a: {  	_ =	shalt  }
0x7b: {  	_ =	shalt  }
0x7c: {  	_ =	shalt  }
0x7d: {  	_ =	shalt  }
0x7e: {  	_ =	shalt  }
0x7f: {  	_ =	shalt  }
0x80: {  	_ =	shalt  }
0x81: {  	_ =	shalt  }
0x82: {  	_ =	shalt  }
0x83: {  	_ =	shalt  }
0x84: {  	_ =	shalt  }
0x85: {  	_ =	shalt  }
0x86: {  	_ =	shalt  }
0x87: {  	_ =	shalt  }
.Lfunc_end0:
.L_simem_size_0:
called_computation.2_lowered:
.L_overlay_start_0:
0x88: {  	s2 =	sld [smem:$0x3FD9]  }
0x89: {  	s3 =	sld [smem:$0x3FFE];
	_ =	sdelay $0x1  }
0x8a: {  	s1 =	srdreg.scid  }
0x8b: {  	s0 =	sand.u32 $0x1, s1  }
0x8c: {  	s16 =	sshll.u32 s0, $0xA;
	s2 =	sadd.s32 s3, s2  }
0x8d: {  	s2 =	sadd.s32 s2, s16  }
0x8e: {  	[smem:$0x3FB9] =	sst s2  }
0x8f: {  	_ = 	snop  }
0x90: {  	(tm) =	ssettm $0x1  }
0x91: {  	s17 =	sld [smem:$0x3FFB];
	_ =	sdelay $0x3  }
0x92: {  	_ =	strace s17  }
0x93: {  	s2 =	sld [smem:$0x3FFC];
	_ =	sdelay $0x3  }
0x94: {  	_ =	strace s2  }
0x95: {  	s2 =	sld [smem:$0x3FFD];
	_ =	sdelay $0x3  }
0x96: {  	_ =	strace s2  }
0x97: {  	_ =	strace $0x8FFFFFFF  }
0x98: {  	s18 =	sld [smem:$0x3FDB];
	_ =	sdelay $0x1  }
0x99: {  	s19 =	simm.s32 $_scs_section_size  }
0x9a: {  	s4 =	simm.s32 $_size__tile_overlayer_lowered;
	s5 =	simm.s32 $_tile_overlayer_lowered  }
0x9b: {  	s22 =	simm.s32 $0x1BFF;
	s21 =	sshll.u32 s5, $0x1;
	s2 =	sadd.s32 s19, s18  }
0x9c: {  	s6 =	simm.s32 $0x0;
	s20 =	sshll.u32 s4, $0x1;
	s4 =	sadd.s32 s21, s2  }
0x9d: {  	[timem:s6], [sflag:s22] =	dma.local [hbm:s4], s20  }
0x9e: {  	_ =	swait.ge [sflag:s22], s20  }
0x9f: {  	s3 =	ssub.s32 $0x0, s20;
	[sflag:s22] =	ssyncset.done $0x0  }
0xa0: {  	[sflag:s22] =	ssyncadd.s32 s3;
	_ =	sdelay $0x1  }
0xa1: {  	s23 =	simm.s32 $0x1B8B  }
0xa2: {  	_ =	swait.ge [sflag:s23], $0x1  }
0xa3: {  	[sflag:s23] =	ssyncset.done $0x0  }
0xa4: {  	s25 =	simm.s32 $0x1B8E;
	s24 =	sld [smem:$0x3FFE];
	[sflag:s23] =	ssyncadd.s32 $0xFFFFFFFF  }
0xa5: {  	s26 =	simm.s32 $execute0_lowered;
	[smem:$0x3FD2] =	sst s25  }
0xa6: {  	s4 =	sshll.u32 s26, $0x1;
	_ =	strace $0x8000004C;
	[dreg:$0x1] =	wrdreg $0xFFFFFFFF  }
0xa7: {  	s28 =	simm.s32 $_size_execute0_lowered;
	s2 =	sadd.s32 s2, s4;
	[dreg:$0x0] =	wrdreg $0x0  }
0xa8: {  	s4 =	sshll.u32 s28, $0x1;
	[dreg:$0x2] =	wrdreg s2  }
0xa9: {  	[dreg:$0x3] =	wrdreg s4  }
0xaa: {  	[dreg:$0x4] =	wrdreg $0xC0  }
0xab: {  	_ =	task [dreg:s6], $0x5FFFF  }
0xac: {  	[dreg:$0x1] =	wrdreg $0xFFFFFFFF  }
0xad: {  	[dreg:$0x0] =	wrdreg $0x60  }
0xae: {  	[dreg:$0x2] =	wrdreg s24  }
0xaf: {  	[dreg:$0x3] =	wrdreg $0x15C400  }
0xb0: {  	[dreg:$0x4] =	wrdreg $0x9  }
0xb1: {  	_ =	task.clear_ibuf [dreg:s6], $0x5FFFF;
	_ =	strace $0x9000004C  }
0xb2: {  	s29 =	simm.s32 $0x9;
	_ =	strace $0x8000004E  }
0xb3: {  	_ =	swait.ge [sflag:s29], $0x1  }
0xb4: {  	[sflag:s29] =	ssyncadd.s32 $0xFFFFFFFF  }
0xb5: {  	_ =	strace $0x9000004E  }
0xb6: {  	_ =	sfence  }
0xb7: {  	s30 =	sld [smem:$0x0];
	_ =	sdelay $0x2  }
0xb8: {  	s31 =	sshll.u32 s1, $0xD;
	s1 =	sshrl.u32 s1, $0x2  }
0xb9: {  	s3 =	sand.u32 $0x4000, s31;
	s1 =	sadd.s32 s1, s30  }
0xba: {  	s0 =	sor.u32 s3, s0;
	s1 =	sshll.u32 s1, $0x11  }
0xbb: {  	s0 =	sor.u32 s1, s0  }
0xbc: {  	s0 =	sadd.s32 $0x8F2B, s0  }
0xbd: {  	[sflag:s0] =	ssyncadd.remote.s32 $0x1  }
0xbe: {  	_ =	sfence.sel $0xFFFF  }
0xbf: {  	[dreg:$0x0] =	wrdreg $0xFFFFFFFF;
	(pc) =	sbr.abs _section_cstart, $3  }
0xc0: {  	[dreg:$0x1] =	wrdreg $0xFFFFFFFF  }
0xc1: {  	_ =	task.clear_ibuf [dreg:s6], $0x2FFFF;
	_ =	strace $0x9FFFFFFF  }
0xc2: {  	(tm) =	ssettm $0x7FFFFFFF  }
0xc3: {  	_ =	shalt  }
tec
execute0_lowered:
.L_overlay_start_1:
0x0: {  	(tag) =	ssettag $0x1  }
0x1: {  	s0 =	rddreg [dreg:$0x0]  }
0x2: {  	s1 =	srdreg.scid;
	s2 =	rddreg [dreg:$0x1]  }
0x3: {  	s7 =	stileid.u32;
	s5 =	simm.s32 $0x0;
	s15 =	simm.s32 $0x13C40  }
0x4: {  	s16 =	simm.s32 $0xB;
	s17 =	simm.s32 $0x1;
	s18 =	simm.s32 $0x2  }
0x5: {  	s19 =	simm.s32 $0x7D;
	s20 =	simm.s32 $0xA000;
	s4 =	smul.u32 $0xA000, s7  }
0x6: {  	s29 =	simm.s32 $0x11D00;
	s30 =	simm.s32 $0x3;
	s6 =	smul.u32 $0xA00, s7  }
0x7: {  	s31 =	simm.s32 $0x4;
	s1 =	sand.u32 $0x1, s1;
	s7 =	smul.u32 $0x28000, s7  }
0x8: {  	s14 =	simm.s32 $0x6;
	s21 =	simm.s32 $0x8;
	s3 =	smul.u32 $0x13880, s1  }
0x9: {  	s28 =	simm.s32 $0x0;
	[smem:$0x7FF] =	sst s5;
	s22 =	smul.u32 $0xA0000, s1  }
0xa: {  	_ =	strace $0x8000004D;
	s1 =	ssub.s32 $0x2, s1;
	s6 =	sadd.s32 s6, s0  }
0xb: {  	s23 =	sshrl.u32 s1, $0x1;
	s7 =	sshrl.u32 s7, $0x2;
	s3 =	sadd.s32 s3, s0  }
0xc: {  	s5 =	sadd.s32 s4, s22;
	s1 =	ssub.s32 s1, s23;
	s24 =	sadd.s32 $0xC800, s6  }
0xd: {  	s25 =	sadd.s32 $0x2800, s6;
	s6 =	sadd.s32 s4, s2;
	s26 =	sadd.s32 s7, s2  }
0xe: {  	s22 =	simm.s32 $0xBF40;
	s23 =	simm.s32 $0x9;
	[dreg:$0x3] =	wrdreg s24  }
0xf: {  	s5 =	sshrl.u32 s5, $0x3;
	[dreg:$0x4] =	wrdreg s25;
	s7 =	sadd.s32 $0x2000, s26  }
0x10: {  	s8 =	sadd.s32 $0x4000, s26;
	s9 =	sadd.s32 $0x6000, s26;
	s10 =	sadd.s32 $0x8000, s26  }
0x11: {  	s11 =	sadd.s32 $0x16800, s3;
	s13 =	smax.u32 s1, $0x1;
	s24 =	simm.s32 $0xDE80  }
0x12: {  	s26 =	simm.s32 $0xFDC0;
	s1 =	simm.s32 $0x7;
	s0 =	sadd.s32 s5, s0  }
0x13: {  	v0 =	vimm.f32 $0.0e+00;
	s25 =	simm.s32 $0xA;
	s12 =	sadd.s32 $0x3DA00, s0;
	s0 =	simm.s32 $0x5  }
.LBB2_1:
0x14: {  	s3 =	simm.s32 $0x0;
	s4 =	rddreg [dreg:$0x3]  }
0x15: {  	[tilespmem:s3], [sflag:$0x1] =	stream.linear.gather [hbm4b:s4+s3], $0x5000, $0x38;
	[tilespmem:$0x1FC40] =	vst v63  }
0x16: {  	s5 =	simm.s32 $0x5000;
	s4 =	rddreg [dreg:$0x4]  }
0x17: {  	[tilespmem:s5], [sflag:$0x2] =	stream.linear.gather [hbm4b:s4+s3], $0x5000, $0x38;
	[tilespmem:$0x1FC40] =	vst v63  }
0x18: {  	s4 =	simm.s32 $0x100;
	s3 =	simm.s32 $0x0  }
.LBB2_2:
0x19: {  	p0 =	sne.s32 s4, $0x7F00;
	[tilespmem:s3+$0x13C70] =	vst v0;
	s5 =	smov.u32 s4;
	s4 =	sadd.s32 $0x100, s4  }
.Ltmp0:
0x1a: {  	[tilespmem:s3+$0x13C60] =	vst v0;
	(pc) =	sbr.rel @p0 .LBB2_2-.Ltmp0, $3  }
0x1b: {  	[tilespmem:s3+$0x13C40] =	vst v0  }
0x1c: {  	[tilespmem:s3+$0x13C50] =	vst v0;
	_ =	sdelay $0x1  }
0x1d: {  	s3 =	sshra.s32 s5, $0x2  }
0x1e: {  	[tilespmem:s3+$0x13C70] =	vst v0  }
0x1f: {  	[tilespmem:s3+$0x13C60] =	vst v0  }
0x20: {  	[tilespmem:s3+$0x13C40] =	vst v0  }
0x21: {  	[tilespmem:s3+$0x13C50] =	vst v0  }
0x22: {  	[spmem:s6] =	stream.linear.scatter [tilespmem:s15], [sflag:$0xB], $0x2000, $0x38;
	[tilespmem:$0x1FC40] =	vst v63  }
0x23: {  	_ =	swait.ge [sflag:s16], $0x2000  }
0x24: {  	[sflag:s16] =	ssyncset.done $0x0  }
0x25: {  	[sflag:s16] =	ssyncadd.s32 $0xFFFFE000  }
0x26: {  	[spmem:s7] =	stream.linear.scatter [tilespmem:s15], [sflag:$0xB], $0x2000, $0x38;
	[tilespmem:$0x1FC40] =	vst v63  }
0x27: {  	_ =	swait.ge [sflag:s16], $0x2000  }
0x28: {  	[sflag:s16] =	ssyncset.done $0x0  }
0x29: {  	[sflag:s16] =	ssyncadd.s32 $0xFFFFE000  }
0x2a: {  	[spmem:s8] =	stream.linear.scatter [tilespmem:s15], [sflag:$0xB], $0x2000, $0x38;
	[tilespmem:$0x1FC40] =	vst v63  }
0x2b: {  	_ =	swait.ge [sflag:s16], $0x2000  }
0x2c: {  	[sflag:s16] =	ssyncset.done $0x0  }
0x2d: {  	[sflag:s16] =	ssyncadd.s32 $0xFFFFE000  }
0x2e: {  	[spmem:s9] =	stream.linear.scatter [tilespmem:s15], [sflag:$0xB], $0x2000, $0x38;
	[tilespmem:$0x1FC40] =	vst v63  }
0x2f: {  	_ =	swait.ge [sflag:s16], $0x2000  }
0x30: {  	[sflag:s16] =	ssyncset.done $0x0  }
0x31: {  	[sflag:s16] =	ssyncadd.s32 $0xFFFFE000  }
0x32: {  	[spmem:s10] =	stream.linear.scatter [tilespmem:s15], [sflag:$0xB], $0x2000, $0x38;
	[tilespmem:$0x1FC40] =	vst v63  }
0x33: {  	_ =	swait.ge [sflag:s16], $0x2000  }
0x34: {  	[sflag:s16] =	ssyncset.done $0x0  }
0x35: {  	[sflag:s16] =	ssyncadd.s32 $0xFFFFE000  }
0x36: {  	_ =	swait.ge [sflag:s17], $0x5000  }
0x37: {  	[sflag:s17] =	ssyncset.done $0x0  }
0x38: {  	[sflag:s17] =	ssyncadd.s32 $0xFFFFB000  }
0x39: {  	_ =	swait.ge [sflag:s18], $0x5000  }
0x3a: {  	[sflag:s18] =	ssyncset.done $0x0  }
0x3b: {  	[sflag:s18] =	ssyncadd.s32 $0xFFFFB000  }
0x3c: {  	s4 =	simm.s32 $0x0;
	[bflag:$0x0] =	sbarrier.arrive $0xFFFF  }
0x3d: {  	[tilespmem:s20], [sflag:$0x1] =	stream.indirect.gather [hbm4b:s11+s19], $0x40, s4, s19, $0xb8;
	[tilespmem:$0x1FC40] =	vst v63  }
0x3e: {  	s5 =	simm.s32 $0x80  }
0x3f: {  	[tilespmem:s22], [sflag:$0x2] =	stream.indirect.gather [hbm4b:s11+s19], $0x40, s5, s19, $0xb8;
	[tilespmem:$0x1FC40] =	vst v63  }
0x40: {  	s4 =	simm.s32 $0x100  }
0x41: {  	[tilespmem:s24], [sflag:$0x3] =	stream.indirect.gather [hbm4b:s11+s19], $0x40, s4, s19, $0xb8;
	[tilespmem:$0x1FC40] =	vst v63  }
0x42: {  	s5 =	simm.s32 $0x180  }
0x43: {  	[tilespmem:s26], [sflag:$0x4] =	stream.indirect.gather [hbm4b:s11+s19], $0x40, s5, s19, $0xb8;
	[tilespmem:$0x1FC40] =	vst v63  }
0x44: {  	s4 =	simm.s32 $0x200  }
0x45: {  	[tilespmem:s29], [sflag:$0x5] =	stream.indirect.gather [hbm4b:s11+s19], $0x40, s4, s19, $0xb8;
	[tilespmem:$0x1FC40] =	vst v63  }
0x46: {  	_ =	swait.ge [sflag:s17], $0x1F40  }
0x47: {  	[sflag:s17] =	ssyncset.done $0x0  }
0x48: {  	s5 =	simm.s32 $0x5000;
	[sflag:s17] =	ssyncadd.s32 $0xFFFFE0C0  }
0x49: {  	[spmem:s2] =	stream.indirect.scatter.add.f32 [tilespmem:s20], [sflag:$0x6], $0x40, s5, s19, $0xb8;
	[tilespmem:$0x1FC40] =	vst v63  }
0x4a: {  	_ =	swait.ge [sflag:s18], $0x1F40  }
0x4b: {  	[sflag:s18] =	ssyncset.done $0x0  }
0x4c: {  	s4 =	simm.s32 $0x5080;
	[sflag:s18] =	ssyncadd.s32 $0xFFFFE0C0  }
0x4d: {  	[spmem:s2] =	stream.indirect.scatter.add.f32 [tilespmem:s22], [sflag:$0x7], $0x40, s4, s19, $0xb8;
	[tilespmem:$0x1FC40] =	vst v63  }
0x4e: {  	_ =	swait.ge [sflag:s30], $0x1F40  }
0x4f: {  	[sflag:s30] =	ssyncset.done $0x0  }
0x50: {  	s5 =	simm.s32 $0x5100;
	[sflag:s30] =	ssyncadd.s32 $0xFFFFE0C0  }
0x51: {  	[spmem:s2] =	stream.indirect.scatter.add.f32 [tilespmem:s24], [sflag:$0x8], $0x40, s5, s19, $0xb8;
	[tilespmem:$0x1FC40] =	vst v63  }
0x52: {  	_ =	swait.ge [sflag:s31], $0x1F40  }
0x53: {  	[sflag:s31] =	ssyncset.done $0x0  }
0x54: {  	s4 =	simm.s32 $0x5180;
	[sflag:s31] =	ssyncadd.s32 $0xFFFFE0C0  }
0x55: {  	[spmem:s2] =	stream.indirect.scatter.add.f32 [tilespmem:s26], [sflag:$0x9], $0x40, s4, s19, $0xb8;
	[tilespmem:$0x1FC40] =	vst v63  }
0x56: {  	_ =	swait.ge [sflag:s0], $0x1F40  }
0x57: {  	[sflag:s0] =	ssyncset.done $0x0  }
0x58: {  	s5 =	simm.s32 $0x5200;
	[sflag:s0] =	ssyncadd.s32 $0xFFFFE0C0  }
0x59: {  	[spmem:s2] =	stream.indirect.scatter.add.f32 [tilespmem:s29], [sflag:$0xA], $0x40, s5, s19, $0xb8;
	[tilespmem:$0x1FC40] =	vst v63  }
0x5a: {  	_ =	swait.ge [sflag:s14], $0x1F40  }
0x5b: {  	[sflag:s14] =	ssyncset.done $0x0  }
0x5c: {  	s4 =	simm.s32 $0x280;
	[sflag:s14] =	ssyncadd.s32 $0xFFFFE0C0  }
0x5d: {  	[tilespmem:s20], [sflag:$0x1] =	stream.indirect.gather [hbm4b:s11+s19], $0x40, s4, s19, $0xb8;
	[tilespmem:$0x1FC40] =	vst v63  }
0x5e: {  	_ =	swait.ge [sflag:s1], $0x1F40  }
0x5f: {  	[sflag:s1] =	ssyncset.done $0x0  }
0x60: {  	s5 =	simm.s32 $0x300;
	[sflag:s1] =	ssyncadd.s32 $0xFFFFE0C0  }
0x61: {  	[tilespmem:s22], [sflag:$0x2] =	stream.indirect.gather [hbm4b:s11+s19], $0x40, s5, s19, $0xb8;
	[tilespmem:$0x1FC40] =	vst v63  }
0x62: {  	_ =	swait.ge [sflag:s21], $0x1F40  }
0x63: {  	[sflag:s21] =	ssyncset.done $0x0  }
0x64: {  	s4 =	simm.s32 $0x380;
	[sflag:s21] =	ssyncadd.s32 $0xFFFFE0C0  }
0x65: {  	[tilespmem:s24], [sflag:$0x3] =	stream.indirect.gather [hbm4b:s11+s19], $0x40, s4, s19, $0xb8;
	[tilespmem:$0x1FC40] =	vst v63  }
0x66: {  	_ =	swait.ge [sflag:s23], $0x1F40  }
0x67: {  	[sflag:s23] =	ssyncset.done $0x0  }
0x68: {  	s5 =	simm.s32 $0x400;
	[sflag:s23] =	ssyncadd.s32 $0xFFFFE0C0  }
0x69: {  	[tilespmem:s26], [sflag:$0x4] =	stream.indirect.gather [hbm4b:s11+s19], $0x40, s5, s19, $0xb8;
	[tilespmem:$0x1FC40] =	vst v63  }
0x6a: {  	_ =	swait.ge [sflag:s25], $0x1F40  }
0x6b: {  	[sflag:s25] =	ssyncset.done $0x0  }
0x6c: {  	s3 =	simm.s32 $0xA00;
	s4 =	simm.s32 $0x480;
	[sflag:s25] =	ssyncadd.s32 $0xFFFFE0C0  }
.LBB2_4:
0x6d: {  	[tilespmem:s29], [sflag:$0x5] =	stream.indirect.gather [hbm4b:s11+s19], $0x40, s4, s19, $0xb8;
	[tilespmem:$0x1FC40] =	vst v63  }
0x6e: {  	s4 =	smov.u32 s3  }
0x6f: {  	p0 =	sne.s32 s3, $0x12C00;
	s3 =	sadd.s32 $0xA00, s3;
	_ =	swait.ge [sflag:s17], $0x1F40  }
0x70: {  	s4 =	sshra.s32 s4, $0x2;
	[sflag:s17] =	ssyncset.done $0x0  }
0x71: {  	s5 =	sadd.s32 $0x5000, s4;
	[sflag:s17] =	ssyncadd.s32 $0xFFFFE0C0  }
0x72: {  	[spmem:s2] =	stream.indirect.scatter.add.f32 [tilespmem:s20], [sflag:$0x6], $0x40, s5, s19, $0xb8;
	[tilespmem:$0x1FC40] =	vst v63  }
0x73: {  	_ =	swait.ge [sflag:s18], $0x1F40  }
0x74: {  	[sflag:s18] =	ssyncset.done $0x0  }
0x75: {  	s5 =	sadd.s32 $0x5080, s4;
	[sflag:s18] =	ssyncadd.s32 $0xFFFFE0C0  }
0x76: {  	[spmem:s2] =	stream.indirect.scatter.add.f32 [tilespmem:s22], [sflag:$0x7], $0x40, s5, s19, $0xb8;
	[tilespmem:$0x1FC40] =	vst v63  }
0x77: {  	_ =	swait.ge [sflag:s30], $0x1F40  }
0x78: {  	[sflag:s30] =	ssyncset.done $0x0  }
0x79: {  	s5 =	sadd.s32 $0x5100, s4;
	[sflag:s30] =	ssyncadd.s32 $0xFFFFE0C0  }
0x7a: {  	[spmem:s2] =	stream.indirect.scatter.add.f32 [tilespmem:s24], [sflag:$0x8], $0x40, s5, s19, $0xb8;
	[tilespmem:$0x1FC40] =	vst v63  }
0x7b: {  	_ =	swait.ge [sflag:s31], $0x1F40  }
0x7c: {  	[sflag:s31] =	ssyncset.done $0x0  }
0x7d: {  	s5 =	sadd.s32 $0x5180, s4;
	[sflag:s31] =	ssyncadd.s32 $0xFFFFE0C0  }
0x7e: {  	[spmem:s2] =	stream.indirect.scatter.add.f32 [tilespmem:s26], [sflag:$0x9], $0x40, s5, s19, $0xb8;
	[tilespmem:$0x1FC40] =	vst v63  }
0x7f: {  	_ =	swait.ge [sflag:s0], $0x1F40  }
0x80: {  	[sflag:s0] =	ssyncset.done $0x0  }
0x81: {  	s5 =	sadd.s32 $0x5200, s4;
	[sflag:s0] =	ssyncadd.s32 $0xFFFFE0C0  }
0x82: {  	[spmem:s2] =	stream.indirect.scatter.add.f32 [tilespmem:s29], [sflag:$0xA], $0x40, s5, s19, $0xb8;
	[tilespmem:$0x1FC40] =	vst v63  }
0x83: {  	_ =	swait.ge [sflag:s14], $0x1F40  }
0x84: {  	[sflag:s14] =	ssyncset.done $0x0  }
0x85: {  	s5 =	sadd.s32 $0x280, s4;
	[sflag:s14] =	ssyncadd.s32 $0xFFFFE0C0  }
0x86: {  	[tilespmem:s20], [sflag:$0x1] =	stream.indirect.gather [hbm4b:s11+s19], $0x40, s5, s19, $0xb8;
	[tilespmem:$0x1FC40] =	vst v63  }
0x87: {  	_ =	swait.ge [sflag:s1], $0x1F40  }
0x88: {  	[sflag:s1] =	ssyncset.done $0x0  }
0x89: {  	s5 =	sadd.s32 $0x300, s4;
	[sflag:s1] =	ssyncadd.s32 $0xFFFFE0C0  }
0x8a: {  	[tilespmem:s22], [sflag:$0x2] =	stream.indirect.gather [hbm4b:s11+s19], $0x40, s5, s19, $0xb8;
	[tilespmem:$0x1FC40] =	vst v63  }
0x8b: {  	_ =	swait.ge [sflag:s21], $0x1F40  }
0x8c: {  	[sflag:s21] =	ssyncset.done $0x0  }
0x8d: {  	s5 =	sadd.s32 $0x380, s4;
	[sflag:s21] =	ssyncadd.s32 $0xFFFFE0C0  }
0x8e: {  	[tilespmem:s24], [sflag:$0x3] =	stream.indirect.gather [hbm4b:s11+s19], $0x40, s5, s19, $0xb8;
	[tilespmem:$0x1FC40] =	vst v63  }
0x8f: {  	_ =	swait.ge [sflag:s23], $0x1F40  }
0x90: {  	[sflag:s23] =	ssyncset.done $0x0  }
.Ltmp1:
0x91: {  	s5 =	sadd.s32 $0x400, s4;
	[sflag:s23] =	ssyncadd.s32 $0xFFFFE0C0;
	(pc) =	sbr.rel @p0 .LBB2_4-.Ltmp1, $4  }
0x92: {  	[tilespmem:s26], [sflag:$0x4] =	stream.indirect.gather [hbm4b:s11+s19], $0x40, s5, s19, $0xb8;
	[tilespmem:$0x1FC40] =	vst v63  }
0x93: {  	_ =	swait.ge [sflag:s25], $0x1F40  }
0x94: {  	[sflag:s25] =	ssyncset.done $0x0  }
0x95: {  	s4 =	sadd.s32 $0x480, s4;
	[sflag:s25] =	ssyncadd.s32 $0xFFFFE0C0  }
0x96: {  	[tilespmem:s29], [sflag:$0x5] =	stream.indirect.gather [hbm4b:s11+s19], $0x40, s4, s19, $0xb8;
	[tilespmem:$0x1FC40] =	vst v63  }
0x97: {  	_ =	swait.ge [sflag:s17], $0x1F40  }
0x98: {  	[sflag:s17] =	ssyncset.done $0x0  }
0x99: {  	s3 =	simm.s32 $0x9D80;
	[sflag:s17] =	ssyncadd.s32 $0xFFFFE0C0  }
0x9a: {  	[spmem:s2] =	stream.indirect.scatter.add.f32 [tilespmem:s20], [sflag:$0x6], $0x40, s3, s19, $0xb8;
	[tilespmem:$0x1FC40] =	vst v63  }
0x9b: {  	_ =	swait.ge [sflag:s18], $0x1F40  }
0x9c: {  	[sflag:s18] =	ssyncset.done $0x0  }
0x9d: {  	s4 =	simm.s32 $0x9E00;
	[sflag:s18] =	ssyncadd.s32 $0xFFFFE0C0  }
0x9e: {  	[spmem:s2] =	stream.indirect.scatter.add.f32 [tilespmem:s22], [sflag:$0x7], $0x40, s4, s19, $0xb8;
	[tilespmem:$0x1FC40] =	vst v63  }
0x9f: {  	_ =	swait.ge [sflag:s30], $0x1F40  }
0xa0: {  	[sflag:s30] =	ssyncset.done $0x0  }
0xa1: {  	s5 =	simm.s32 $0x9E80;
	[sflag:s30] =	ssyncadd.s32 $0xFFFFE0C0  }
0xa2: {  	[spmem:s2] =	stream.indirect.scatter.add.f32 [tilespmem:s24], [sflag:$0x8], $0x40, s5, s19, $0xb8;
	[tilespmem:$0x1FC40] =	vst v63  }
0xa3: {  	_ =	swait.ge [sflag:s31], $0x1F40  }
0xa4: {  	[sflag:s31] =	ssyncset.done $0x0  }
0xa5: {  	s4 =	simm.s32 $0x9F00;
	[sflag:s31] =	ssyncadd.s32 $0xFFFFE0C0  }
0xa6: {  	[spmem:s2] =	stream.indirect.scatter.add.f32 [tilespmem:s26], [sflag:$0x9], $0x40, s4, s19, $0xb8;
	[tilespmem:$0x1FC40] =	vst v63  }
0xa7: {  	_ =	swait.ge [sflag:s0], $0x1F40  }
0xa8: {  	[sflag:s0] =	ssyncset.done $0x0  }
0xa9: {  	s5 =	simm.s32 $0x9F80;
	[sflag:s0] =	ssyncadd.s32 $0xFFFFE0C0  }
0xaa: {  	[spmem:s2] =	stream.indirect.scatter.add.f32 [tilespmem:s29], [sflag:$0xA], $0x40, s5, s19, $0xb8;
	[tilespmem:$0x1FC40] =	vst v63  }
0xab: {  	_ =	swait.ge [sflag:s14], $0x1F40  }
0xac: {  	[sflag:s14] =	ssyncset.done $0x0  }
0xad: {  	[sflag:s14] =	ssyncadd.s32 $0xFFFFE0C0  }
0xae: {  	_ =	swait.ge [sflag:s1], $0x1F40  }
0xaf: {  	[sflag:s1] =	ssyncset.done $0x0  }
0xb0: {  	[sflag:s1] =	ssyncadd.s32 $0xFFFFE0C0  }
0xb1: {  	_ =	swait.ge [sflag:s21], $0x1F40  }
0xb2: {  	[sflag:s21] =	ssyncset.done $0x0  }
0xb3: {  	[sflag:s21] =	ssyncadd.s32 $0xFFFFE0C0  }
0xb4: {  	_ =	swait.ge [sflag:s23], $0x1F40  }
0xb5: {  	[sflag:s23] =	ssyncset.done $0x0  }
0xb6: {  	[sflag:s23] =	ssyncadd.s32 $0xFFFFE0C0  }
0xb7: {  	s4 =	stileid.u32;
	_ =	swait.ge [sflag:s25], $0x1F40  }
0xb8: {  	s28 =	sadd.s32 $0x1, s28;
	s3 =	sshll.u32 s4, $0x6;
	[sflag:s25] =	ssyncset.done $0x0  }
0xb9: {  	p0 =	sne.s32 s28, s13;
	s3 =	sor.u32 $0x1C0B, s3;
	[sflag:s25] =	ssyncadd.s32 $0xFFFFE0C0  }
.Ltmp2:
0xba: {  	s5 =	sshrl.u32 s6, $0x3;
	[bflag:$0x0] =	sbarrier.arrive $0xFFFF;
	(pc) =	sbr.rel @p0 .LBB2_1-.Ltmp2, $4  }
0xbb: {  	[hbm:s12], [sflag:s3] =	dma.local [spmem:s5], $0x1400  }
0xbc: {  	_ =	swait.ge [sflag:s16], $0x1400  }
0xbd: {  	[sflag:s16] =	ssyncset.done $0x0  }
0xbe: {  	[sflag:s16] =	ssyncadd.s32 $0xFFFFEC00  }
0xbf: {  	_ =	sfence.sel $0x180000  }
0xc0: {  	[bflag:$0x0] =	sbarrier.arrive $0xFFFF  }
0xc1: {  	_ =	strace $0x9000004D  }
0xc2: {  	s0 =	stileid.u32;
	[bflag:$0x2] =	sbarrier.arrive $0xFFFF  }
0xc3: {  	p0 =	sne.s32 s0, $0x0;
	s0 =	rddreg [dreg:$0x2]  }
0xc4: {  	s0 =	sadd.s32 @!p0 $0x100000, s0  }
0xc5: {  	[sflag:s0] =	ssyncadd.tile.s32 @!p0 $0x1;
	_ =	shalt  }
.Lfunc_end2:
_tile_overlayer_lowered:
.L_overlay_start_2:
0xc6: {  	(tag) =	ssettag $0x2  }
0xc7: {  	s0 =	rddreg [dreg:$0x0];
	s2 =	stileid.u32  }
0xc8: {  	s1 =	rddreg [dreg:$0x1];
	p0 =	sne.s32 s2, $0x0  }
0xc9: {  	s3 =	rddreg [dreg:$0x2];
	[bflag:$0x3] =	sbarrier.arrive $0xFFFF;
	s2 =	simm.s32 @!p0 $0x1C0B  }
0xca: {  	[timem:s3], [sflag:s2] =	dma.local @!p0 [hbm:s0], s1  }
0xcb: {  	s0 =	simm.s32 @!p0 $0xB  }
0xcc: {  	_ =	swait.ge @!p0 [sflag:s0], s1  }
0xcd: {  	s1 =	ssub.s32 @!p0 $0x0, s1;
	[sflag:s0] =	ssyncset.done @!p0 $0x0  }
0xce: {  	[sflag:s0] =	ssyncadd.s32 @!p0 s1  }
0xcf: {  	[bflag:$0x3] =	sbarrier.arrive $0xFFFF  }
0xd0: {  	_ =	shalt  }

// kernel: kernel.8.cloned.1.call-start
scs
__scs_entry_jumppad:
0x0: {  	(pc) =	sbr.rel $0x88, $3  }
0x1: {  	(tag) =	ssettag $0x0;
	lr =	simm.s32 $0x1  }
0x2: {  	[smem:$0x3F92] =	sst lr;
	_ =	strace $0xD0000000  }
0x3: {  	_ = 	snop  }
0x4: {  	_ = 	snop  }
0x5: {  	_ = 	snop  }
0x6: {  	_ = 	snop  }
0x7: {  	_ = 	snop  }
__scs_overlays_trampoline_lowered:
0x8: {  	[smem:$0x3FA1] =	sst s0  }
0x9: {  	[smem:$0x3FA2] =	sst s1  }
0xa: {  	[smem:$0x3FA3] =	sst s2  }
0xb: {  	[smem:$0x3FA4] =	sst s3  }
0xc: {  	[smem:$0x3FA5] =	sst s4  }
0xd: {  	[smem:$0x3FA6] =	sst s5  }
0xe: {  	[smem:$0x3FA7] =	sst s6  }
0xf: {  	[smem:$0x3FA8] =	sst s7  }
0x10: {  	[smem:$0x3FA9] =	sst s8  }
0x11: {  	[smem:$0x3FAA] =	sst s9;
	s0 =	simm.s32 @!p0 $0x0  }
0x12: {  	s1 =	sld [smem:$0x3F90];
	s0 =	simm.s32 @p0 $0x1  }
0x13: {  	[smem:$0x3FAB] =	sst s0;
	s0 =	simm.s32 @!p1 $0x0  }
0x14: {  	s2 =	sld [smem:$0x3F8F];
	s0 =	simm.s32 @p1 $0x1  }
0x15: {  	[smem:$0x3FAC] =	sst s0;
	s0 =	simm.s32 @!p2 $0x0  }
0x16: {  	s3 =	sld [smem:$0x3FDB];
	s0 =	simm.s32 @p2 $0x1  }
0x17: {  	s4 =	simm.s32 $0x1BF5;
	[smem:$0x3FAE] =	sst s0  }
0x18: {  	s0 =	sld [smem:$0x3F91];
	_ =	swait.ge [sflag:s4], $0x0  }
0x19: {  	s7 =	sld [smem:$0x3F92]  }
0x1a: {  	s8 =	sadd.s32 $0xFFFFE003, lr  }
0x1b: {  	s9 =	sadd.s32 $0xFFFFFEF7, lr;
	s5 =	simm.s32 $0xFFFFFFFF;
	p2 =	slt.u32 s8, $0xFFFFF086  }
0x1c: {  	p1 =	slt.u32 s9, $0xF7A;
	s5 =	simm.s32 @!p2 $0x0  }
0x1d: {  	s5 =	simm.s32 @p1 $0x1;
	p0 =	seq.s32 s7, s2  }
0x1e: {  	s7 =	smul.u32 @!p0 $0xF7A, s2;
	p2 =	seq.s32 @!p0 s5, $0x0  }
0x1f: {  	s9 =	smul.u32 $0xF7A, s1;
	s8 =	simm.s32 @!p0 $0x1BF5;
	p2 =	por !p2, p0  }
0x20: {  	[sflag:s8] =	ssyncset.s32 @!p0 $0xFFFFF086;
	s6 =	sadd.s32 @!p0 s3, s7;
	s7 =	simm.s32 @!p0 $0x108  }
0x21: {  	s3 =	sadd.s32 s3, s9;
	s6 =	sadd.s32 @!p0 $0x88, s6;
	s7 =	simm.s32 @p2 $0x1082  }
0x22: {  	[simem:s7], [sflag:s8] =	dma.local @!p0 [hbm:s6], $0xF7A  }
0x23: {  	s9 =	sor.u32 $0xD0000000, s2;
	s6 =	simm.s32 $0x108;
	_ =	swait.ge @!p0 [sflag:s8], $0x0  }
0x24: {  	s3 =	sadd.s32 $0x88, s3;
	s6 =	simm.s32 @!p1 $0x1082;
	[sflag:s4] =	ssyncset.s32 $0xFFFFF086  }
0x25: {  	[simem:s6], [sflag:s4] =	dma.local [hbm:s3], $0xF7A  }
0x26: {  	[smem:$0x3F92] =	sst s1;
	(tag) =	ssettag s2;
	_ =	strace s9  }
0x27: {  	s1 =	sld [smem:$0x3FA2]  }
0x28: {  	s2 =	sld [smem:$0x3FA3]  }
0x29: {  	s4 =	sld [smem:$0x3FA5]  }
0x2a: {  	p0 =	seq.s32 s5, $0x0;
	s5 =	sld [smem:$0x3FA6]  }
0x2b: {  	s6 =	sld [smem:$0x3FA7]  }
0x2c: {  	s7 =	sld [smem:$0x3FA8]  }
0x2d: {  	s3 =	simm.s32 $0x108;
	s8 =	sld [smem:$0x3FA9]  }
0x2e: {  	s3 =	simm.s32 @!p0 $0x1082;
	s9 =	sld [smem:$0x3FAA]  }
0x2f: {  	lr =	sadd.s32 s0, s3;
	s0 =	sld [smem:$0x3FA1]  }
0x30: {  	s3 =	sld [smem:$0x3FA4]  }
0x31: {  	[smem:$0x3FAD] =	sst s10  }
0x32: {  	s10 =	sld [smem:$0x3FAB];
	_ =	sdelay $0x3  }
0x33: {  	p0 =	seq.s32 s10, $0x1;
	s10 =	sld [smem:$0x3FAD];
	_ =	sdelay $0x3  }
0x34: {  	[smem:$0x3FAD] =	sst s10  }
0x35: {  	s10 =	sld [smem:$0x3FAC];
	_ =	sdelay $0x3  }
0x36: {  	p1 =	seq.s32 s10, $0x1;
	s10 =	sld [smem:$0x3FAD];
	_ =	sdelay $0x3  }
0x37: {  	[smem:$0x3FAD] =	sst s10  }
0x38: {  	s10 =	sld [smem:$0x3FAE]  }
0x39: {  	_ = 	snop;
	(pc) =	sbr.ind lr, $3  }
0x3a: {  	_ = 	snop  }
0x3b: {  	_ = 	snop  }
0x3c: {  	p2 =	seq.s32 s10, $0x1;
	s10 =	sld [smem:$0x3FAD]  }
0x3d: {  	_ =	shalt  }
0x3e: {  	_ =	shalt  }
0x3f: {  	_ =	shalt  }
0x40: {  	_ =	shalt  }
0x41: {  	_ =	shalt  }
0x42: {  	_ =	shalt  }
0x43: {  	_ =	shalt  }
0x44: {  	_ =	shalt  }
0x45: {  	_ =	shalt  }
0x46: {  	_ =	shalt  }
0x47: {  	_ =	shalt  }
0x48: {  	_ =	shalt  }
0x49: {  	_ =	shalt  }
0x4a: {  	_ =	shalt  }
0x4b: {  	_ =	shalt  }
0x4c: {  	_ =	shalt  }
0x4d: {  	_ =	shalt  }
0x4e: {  	_ =	shalt  }
0x4f: {  	_ =	shalt  }
0x50: {  	_ =	shalt  }
0x51: {  	_ =	shalt  }
0x52: {  	_ =	shalt  }
0x53: {  	_ =	shalt  }
0x54: {  	_ =	shalt  }
0x55: {  	_ =	shalt  }
0x56: {  	_ =	shalt  }
0x57: {  	_ =	shalt  }
0x58: {  	_ =	shalt  }
0x59: {  	_ =	shalt  }
0x5a: {  	_ =	shalt  }
0x5b: {  	_ =	shalt  }
0x5c: {  	_ =	shalt  }
0x5d: {  	_ =	shalt  }
0x5e: {  	_ =	shalt  }
0x5f: {  	_ =	shalt  }
0x60: {  	_ =	shalt  }
0x61: {  	_ =	shalt  }
0x62: {  	_ =	shalt  }
0x63: {  	_ =	shalt  }
0x64: {  	_ =	shalt  }
0x65: {  	_ =	shalt  }
0x66: {  	_ =	shalt  }
0x67: {  	_ =	shalt  }
0x68: {  	_ =	shalt  }
0x69: {  	_ =	shalt  }
0x6a: {  	_ =	shalt  }
0x6b: {  	_ =	shalt  }
0x6c: {  	_ =	shalt  }
0x6d: {  	_ =	shalt  }
0x6e: {  	_ =	shalt  }
0x6f: {  	_ =	shalt  }
0x70: {  	_ =	shalt  }
0x71: {  	_ =	shalt  }
0x72: {  	_ =	shalt  }
0x73: {  	_ =	shalt  }
0x74: {  	_ =	shalt  }
0x75: {  	_ =	shalt  }
0x76: {  	_ =	shalt  }
0x77: {  	_ =	shalt  }
0x78: {  	_ =	shalt  }
0x79: {  	_ =	shalt  }
0x7a: {  	_ =	shalt  }
0x7b: {  	_ =	shalt  }
0x7c: {  	_ =	shalt  }
0x7d: {  	_ =	shalt  }
0x7e: {  	_ =	shalt  }
0x7f: {  	_ =	shalt  }
0x80: {  	_ =	shalt  }
0x81: {  	_ =	shalt  }
0x82: {  	_ =	shalt  }
0x83: {  	_ =	shalt  }
0x84: {  	_ =	shalt  }
0x85: {  	_ =	shalt  }
0x86: {  	_ =	shalt  }
0x87: {  	_ =	shalt  }
.Lfunc_end0:
.L_simem_size_0:
called_computation_lowered:
.L_overlay_start_0:
0x88: {  	s2 =	sld [smem:$0x3FD9]  }
0x89: {  	s3 =	sld [smem:$0x3FFE];
	_ =	sdelay $0x1  }
0x8a: {  	s1 =	srdreg.scid  }
0x8b: {  	s0 =	sand.u32 $0x1, s1  }
0x8c: {  	s17 =	sshll.u32 s0, $0xA;
	s2 =	sadd.s32 s3, s2  }
0x8d: {  	s2 =	sadd.s32 s2, s17  }
0x8e: {  	[smem:$0x3FB9] =	sst s2  }
0x8f: {  	_ = 	snop  }
0x90: {  	(tm) =	ssettm $0x1  }
0x91: {  	s18 =	sld [smem:$0x3FFB];
	_ =	sdelay $0x3  }
0x92: {  	_ =	strace s18  }
0x93: {  	s2 =	sld [smem:$0x3FFC];
	_ =	sdelay $0x3  }
0x94: {  	_ =	strace s2  }
0x95: {  	s2 =	sld [smem:$0x3FFD];
	_ =	sdelay $0x3  }
0x96: {  	_ =	strace s2  }
0x97: {  	_ =	strace $0x8FFFFFFF  }
0x98: {  	s19 =	sld [smem:$0x3FDB];
	_ =	sdelay $0x1  }
0x99: {  	s20 =	simm.s32 $_scs_section_size  }
0x9a: {  	s4 =	simm.s32 $_size__tile_overlayer_lowered;
	s5 =	simm.s32 $_tile_overlayer_lowered  }
0x9b: {  	s6 =	simm.s32 $0x1BFF;
	s21 =	sshll.u32 s5, $0x1;
	s3 =	sadd.s32 s20, s19  }
0x9c: {  	s22 =	simm.s32 $0x0;
	s4 =	sshll.u32 s4, $0x1;
	s5 =	sadd.s32 s21, s3  }
0x9d: {  	[timem:s22], [sflag:s6] =	dma.local [hbm:s5], s4  }
0x9e: {  	_ =	swait.ge [sflag:s6], s4  }
0x9f: {  	s4 =	ssub.s32 $0x0, s4;
	[sflag:s6] =	ssyncset.done $0x0  }
0xa0: {  	[sflag:s6] =	ssyncadd.s32 s4;
	_ =	sdelay $0x1  }
0xa1: {  	s23 =	simm.s32 $0x1B8B  }
0xa2: {  	_ =	swait.ge [sflag:s23], $0x1  }
0xa3: {  	[sflag:s23] =	ssyncset.done $0x0  }
0xa4: {  	[sflag:s23] =	ssyncadd.s32 $0xFFFFFFFF  }
0xa5: {  	s4 =	sld [smem:$0x0]  }
0xa6: {  	s5 =	sand.u32 $0xFFFFFFFE, s1  }
0xa7: {  	p0 =	sne.s32 s1, s5  }
0xa8: {  	s5 =	sshll.u32 @p0 s5, $0xE  }
0xa9: {  	s5 =	sadd.s32 @p0 $0x11B8D, s5;
	s6 =	sshll.u32 @p0 s4, $0x11  }
0xaa: {  	s5 =	sor.u32 @p0 s6, s5  }
0xab: {  	[sflag:s5] =	ssyncadd.remote.s32 @p0 $0x1;
	_ =	sdelay $0x1  }
0xac: {  	s5 =	simm.s32 @p0 $0x1B8D  }
0xad: {  	_ =	swait.eq @p0 [sflag:s5], $0x1  }
0xae: {  	[sflag:s5] =	ssyncadd.s32 @p0 $0xFFFFFFFF  }
0xaf: {  	s6 =	sshll.u32 @!p0 s1, $0xE  }
0xb0: {  	s6 =	sor.u32 @!p0 $0x4000, s6;
	s5 =	simm.s32 @!p0 $0x1B8D  }
0xb1: {  	s4 =	sshll.u32 @!p0 s4, $0x11;
	s6 =	sadd.s32 @!p0 $0x11B8D, s6;
	_ =	swait.eq @!p0 [sflag:s5], $0x1  }
0xb2: {  	s4 =	sor.u32 @!p0 s4, s6;
	[sflag:s5] =	ssyncadd.s32 @!p0 $0xFFFFFFFF  }
0xb3: {  	s25 =	simm.s32 $0x1B8E;
	s24 =	sld [smem:$0x3FFE];
	[sflag:s4] =	ssyncadd.remote.s32 @!p0 $0x1  }
0xb4: {  	s26 =	simm.s32 $execute0_lowered;
	[smem:$0x3FD2] =	sst s25  }
0xb5: {  	s5 =	sshll.u32 s26, $0x1;
	_ =	strace $0x80000049;
	[dreg:$0x1] =	wrdreg $0xFFFFFFFF  }
0xb6: {  	s28 =	simm.s32 $_size_execute0_lowered;
	s3 =	sadd.s32 s3, s5;
	[dreg:$0x0] =	wrdreg $0x0  }
0xb7: {  	s5 =	sshll.u32 s28, $0x1;
	[dreg:$0x2] =	wrdreg s3  }
0xb8: {  	[dreg:$0x3] =	wrdreg s5  }
0xb9: {  	[dreg:$0x4] =	wrdreg $0xC0  }
0xba: {  	_ =	task [dreg:s22], $0x5FFFF  }
0xbb: {  	[dreg:$0x1] =	wrdreg $0xFFFFFFFF  }
0xbc: {  	[dreg:$0x0] =	wrdreg $0x60  }
0xbd: {  	[dreg:$0x2] =	wrdreg s24  }
0xbe: {  	[dreg:$0x3] =	wrdreg $0x5FD00  }
0xbf: {  	[dreg:$0x4] =	wrdreg $0x9  }
0xc0: {  	_ =	task.clear_ibuf [dreg:s22], $0x5FFFF;
	_ =	strace $0x90000049  }
0xc1: {  	s29 =	simm.s32 $0x9;
	_ =	strace $0x8000004B  }
0xc2: {  	_ =	swait.ge [sflag:s29], $0x1  }
0xc3: {  	[sflag:s29] =	ssyncadd.s32 $0xFFFFFFFF  }
0xc4: {  	_ =	strace $0x9000004B  }
0xc5: {  	_ =	sfence  }
0xc6: {  	s30 =	sld [smem:$0x0];
	_ =	sdelay $0x2  }
0xc7: {  	s31 =	sshll.u32 s1, $0xD;
	s1 =	sshrl.u32 s1, $0x2  }
0xc8: {  	s4 =	sand.u32 $0x4000, s31;
	s1 =	sadd.s32 s1, s30  }
0xc9: {  	s0 =	sor.u32 s4, s0;
	s1 =	sshll.u32 s1, $0x11  }
0xca: {  	s0 =	sor.u32 s1, s0  }
0xcb: {  	s0 =	sadd.s32 $0x8F2B, s0  }
0xcc: {  	[sflag:s0] =	ssyncadd.remote.s32 $0x1  }
0xcd: {  	_ =	sfence.sel $0xFFFF  }
0xce: {  	[dreg:$0x0] =	wrdreg $0xFFFFFFFF;
	(pc) =	sbr.abs _section_cstart, $3  }
0xcf: {  	[dreg:$0x1] =	wrdreg $0xFFFFFFFF  }
0xd0: {  	_ =	task.clear_ibuf [dreg:s22], $0x2FFFF;
	_ =	strace $0x9FFFFFFF  }
0xd1: {  	(tm) =	ssettm $0x7FFFFFFF  }
tec
execute0_lowered:
.L_overlay_start_1:
0x0: {  	(tag) =	ssettag $0x1  }
0x1: {  	s4 =	rddreg [dreg:$0x0];
	s0 =	stileid.u32  }
0x2: {  	s1 =	srdreg.scid;
	s2 =	rddreg [dreg:$0x1];
	s3 =	simm.s32 $0x0  }
0x3: {  	s13 =	simm.s32 $0x57D0;
	s14 =	simm.s32 $0x3;
	s15 =	simm.s32 $0x1  }
0x4: {  	s16 =	simm.s32 $0x7D;
	s17 =	simm.s32 $0x5000;
	s5 =	smul.u32 $0x2800, s0  }
0x5: {  	s18 =	simm.s32 $0x2;
	s21 =	simm.s32 $0x0;
	s7 =	smul.u32 $0xA00, s0  }
0x6: {  	s10 =	sand.u32 $0x1, s1;
	s1 =	rddreg [dreg:$0x2];
	s8 =	smul.u32 $0xA000, s0  }
0x7: {  	[smem:$0x7FF] =	sst s3;
	s19 =	sshll.u32 s0, $0x6;
	s6 =	smul.u32 $0x28000, s10  }
0x8: {  	_ =	strace $0x8000004A;
	s9 =	ssub.s32 $0x2, s10;
	s10 =	sshll.u32 s10, $0x7  }
0x9: {  	s19 =	sor.u32 $0x1C03, s19;
	s7 =	sadd.s32 s7, s4;
	s29 =	sshrl.u32 s9, $0x1  }
0xa: {  	s30 =	sshrl.u32 s8, $0x2;
	s6 =	sadd.s32 s5, s6;
	s12 =	ssub.s32 s9, s29  }
0xb: {  	s31 =	sadd.s32 s30, s2;
	s5 =	sadd.s32 s5, s2;
	s6 =	sshrl.u32 s6, $0x3  }
0xc: {  	s8 =	sadd.s32 $0x1800, s31;
	s9 =	sadd.s32 $0x2000, s31;
	s12 =	smax.u32 s12, $0x1  }
0xd: {  	s20 =	sshrl.u32 s5, $0x3;
	s11 =	sadd.s32 s6, s4;
	s4 =	sadd.s32 $0x2800, s7  }
0xe: {  	v0 =	vimm.f32 $0.0e+00;
	v1 =	vimm.f32 $1.000000000e+00;
	s6 =	sadd.s32 $0x800, s31;
	s7 =	sadd.s32 $0x1000, s31;
	s11 =	sadd.s32 $0x65A00, s11  }
.LBB2_1:
0xf: {  	[tilespmem:s3], [sflag:$0x1] =	stream.linear.gather [hbm4b:s4+s3], $0x5000, $0x38;
	[tilespmem:$0x87D0] =	vst v63  }
0x10: {  	s22 =	simm.s32 $0x40;
	s23 =	simm.s32 $0x0  }
.LBB2_2:
0x11: {  	p0 =	sne.s32 s22, $0x1FC0;
	[tilespmem:s23+$0x57D0] =	vst v0;
	s23 =	smov.u32 s22;
	s22 =	sadd.s32 $0x40, s22  }
.Ltmp0:
0x12: {  	(pc) =	sbr.rel @p0 .LBB2_2-.Ltmp0, $2  }
0x13: {  	_ =	sdelay $0x2  }
0x14: {  	s23 =	sshra.s32 s23, $0x2  }
0x15: {  	[tilespmem:s23+$0x57D0] =	vst v0  }
0x16: {  	[spmem:s5] =	stream.linear.scatter [tilespmem:s13], [sflag:$0x3], $0x800, $0x38;
	[tilespmem:$0x87D0] =	vst v63  }
0x17: {  	_ =	swait.ge [sflag:s14], $0x800  }
0x18: {  	[sflag:s14] =	ssyncset.done $0x0  }
0x19: {  	[sflag:s14] =	ssyncadd.s32 $0xFFFFF800  }
0x1a: {  	[spmem:s6] =	stream.linear.scatter [tilespmem:s13], [sflag:$0x3], $0x800, $0x38;
	[tilespmem:$0x87D0] =	vst v63  }
0x1b: {  	_ =	swait.ge [sflag:s14], $0x800  }
0x1c: {  	[sflag:s14] =	ssyncset.done $0x0  }
0x1d: {  	[sflag:s14] =	ssyncadd.s32 $0xFFFFF800  }
0x1e: {  	[spmem:s7] =	stream.linear.scatter [tilespmem:s13], [sflag:$0x3], $0x800, $0x38;
	[tilespmem:$0x87D0] =	vst v63  }
0x1f: {  	_ =	swait.ge [sflag:s14], $0x800  }
0x20: {  	[sflag:s14] =	ssyncset.done $0x0  }
0x21: {  	[sflag:s14] =	ssyncadd.s32 $0xFFFFF800  }
0x22: {  	[spmem:s8] =	stream.linear.scatter [tilespmem:s13], [sflag:$0x3], $0x800, $0x38;
	[tilespmem:$0x87D0] =	vst v63  }
0x23: {  	_ =	swait.ge [sflag:s14], $0x800  }
0x24: {  	[sflag:s14] =	ssyncset.done $0x0  }
0x25: {  	[sflag:s14] =	ssyncadd.s32 $0xFFFFF800  }
0x26: {  	[spmem:s9] =	stream.linear.scatter [tilespmem:s13], [sflag:$0x3], $0x800, $0x38;
	[tilespmem:$0x87D0] =	vst v63  }
0x27: {  	_ =	swait.ge [sflag:s14], $0x800  }
0x28: {  	[sflag:s14] =	ssyncset.done $0x0  }
0x29: {  	s22 =	simm.s32 $0x40;
	s23 =	simm.s32 $0x0;
	[sflag:s14] =	ssyncadd.s32 $0xFFFFF800  }
.LBB2_4:
0x2a: {  	p0 =	sne.s32 s22, $0x1F00;
	[tilespmem:s23+$0x5000] =	vst v1;
	s23 =	smov.u32 s22;
	s22 =	sadd.s32 $0x40, s22  }
.Ltmp1:
0x2b: {  	(pc) =	sbr.rel @p0 .LBB2_4-.Ltmp1, $2  }
0x2c: {  	_ =	sdelay $0x2  }
0x2d: {  	s23 =	sshra.s32 s23, $0x2  }
0x2e: {  	[tilespmem:s23+$0x5000] =	vst v1  }
0x2f: {  	_ =	swait.ge [sflag:s15], $0x5000  }
0x30: {  	[sflag:s15] =	ssyncset.done $0x0  }
0x31: {  	[sflag:s15] =	ssyncadd.s32 $0xFFFFB000  }
0x32: {  	s22 =	sadd.s32 $0x0, s10;
	[bflag:$0x0] =	sbarrier.arrive $0xFFFF  }
0x33: {  	[spmem:s2] =	stream.indirect.scatter.add.f32 [tilespmem:s17], [sflag:$0x2], $0x10, s22, s16, $0xb8;
	[tilespmem:$0x87D0] =	vst v63  }
0x34: {  	s22 =	simm.s32 $0x400;
	_ =	swait.ge [sflag:s18], $0x7D0  }
.LBB2_6:
0x35: {  	s23 =	sshra.s32 s22, $0x2;
	[sflag:s18] =	ssyncset.done $0x0;
	p0 =	sne.s32 s22, $0x13C00  }
.Ltmp2:
0x36: {  	s23 =	sadd.s32 s23, s10;
	[sflag:s18] =	ssyncadd.s32 $0xFFFFF830;
	(pc) =	sbr.rel @p0 .LBB2_6-.Ltmp2, $3  }
0x37: {  	[spmem:s2] =	stream.indirect.scatter.add.f32 [tilespmem:s17], [sflag:$0x2], $0x10, s23, s16, $0xb8;
	[tilespmem:$0x87D0] =	vst v63  }
0x38: {  	s22 =	sadd.s32 $0x400, s22;
	_ =	sdelay $0x1  }
0x39: {  	_ =	swait.ge [sflag:s18], $0x7D0  }
0x3a: {  	[sflag:s18] =	ssyncset.done $0x0;
	s21 =	sadd.s32 $0x1, s21  }
0x3b: {  	[sflag:s18] =	ssyncadd.s32 $0xFFFFF830;
	p0 =	sne.s32 s21, s12  }
.Ltmp3:
0x3c: {  	[bflag:$0x0] =	sbarrier.arrive $0xFFFF;
	(pc) =	sbr.rel @p0 .LBB2_1-.Ltmp3, $4  }
0x3d: {  	[hbm:s11], [sflag:s19] =	dma.local [spmem:s20], $0x500  }
0x3e: {  	_ =	swait.ge [sflag:s14], $0x500  }
0x3f: {  	[sflag:s14] =	ssyncset.done $0x0  }
0x40: {  	[sflag:s14] =	ssyncadd.s32 $0xFFFFFB00  }
0x41: {  	_ =	sfence.sel $0x180000  }
0x42: {  	[bflag:$0x0] =	sbarrier.arrive $0xFFFF  }
0x43: {  	p0 =	sne.s32 s0, $0x0;
	_ =	strace $0x9000004A  }
0x44: {  	s0 =	sadd.s32 @!p0 $0x100000, s1;
	[bflag:$0x2] =	sbarrier.arrive $0xFFFF  }
0x45: {  	[sflag:s0] =	ssyncadd.tile.s32 @!p0 $0x1;
	_ =	shalt  }
.Lfunc_end2:
_tile_overlayer_lowered:
.L_overlay_start_2:
0x46: {  	(tag) =	ssettag $0x2  }
0x47: {  	s0 =	rddreg [dreg:$0x0];
	s2 =	stileid.u32  }
0x48: {  	s1 =	rddreg [dreg:$0x1];
	p0 =	sne.s32 s2, $0x0  }
0x49: {  	s3 =	rddreg [dreg:$0x2];
	[bflag:$0x3] =	sbarrier.arrive $0xFFFF;
	s2 =	simm.s32 @!p0 $0x1C03  }
0x4a: {  	[timem:s3], [sflag:s2] =	dma.local @!p0 [hbm:s0], s1  }
0x4b: {  	s0 =	simm.s32 @!p0 $0x3  }
0x4c: {  	_ =	swait.ge @!p0 [sflag:s0], s1  }
0x4d: {  	s1 =	ssub.s32 @!p0 $0x0, s1;
	[sflag:s0] =	ssyncset.done @!p0 $0x0  }
0x4e: {  	[sflag:s0] =	ssyncadd.s32 @!p0 s1  }
0x4f: {  	[bflag:$0x3] =	sbarrier.arrive $0xFFFF  }
0x50: {  	_ =	shalt  }

</sc_bundles>
